<compile_context>
chip_gen: v7x
topology: tpu7x:2x2x1
jax: 0.10.2.dev20260603
libtpu: 0.0.44.dev20260713+nightly
codegen_flags: <defaults>
</compile_context>

<pallas_src>
import functools

import jax
import jax.numpy as jnp
import numpy as np
from jax import lax
from jax.experimental import pallas as pl
from jax.experimental.pallas import tpu as pltpu
from jax.experimental.pallas import tpu_sc as plsc

D_MODEL = 2048
SCALE = float(np.sqrt(np.float32(D_MODEL)))

NC = 2
NS = 16
L = 16
NW = NC * NS

B = 4 * 4096
BPW = B // NW
C = 8
NCHUNK = BPW // C
NROUND = NCHUNK // 2
NV = D_MODEL // L
UNROLL = 8

_mesh = plsc.VectorSubcoreMesh(core_axis_name="c", subcore_axis_name="s")


@functools.partial(
    pl.kernel,
    mesh=_mesh,
    out_type=jax.ShapeDtypeStruct((4, 4096, D_MODEL), jnp.float32),
    scratch_types=[
        pltpu.VMEM((BPW,), jnp.int32),
        pltpu.VMEM((C, D_MODEL), jnp.float32),
        pltpu.VMEM((C, D_MODEL), jnp.float32),
        pltpu.VMEM((C, D_MODEL), jnp.float32),
        pltpu.VMEM((C, D_MODEL), jnp.float32),
        pltpu.SemaphoreType.DMA,
        pltpu.SemaphoreType.DMA,
        pltpu.SemaphoreType.DMA,
        pltpu.SemaphoreType.DMA,
    ],
)
def _emb_lookup(table_hbm, idx_hbm, out_hbm, idx_v,
                gb0, gb1, ob0, ob1, gs0, gs1, ws0, ws1):
    gb = (gb0, gb1)
    ob = (ob0, ob1)
    gs = (gs0, gs1)
    ws = (ws0, ws1)

    wid = lax.axis_index("s") * NC + lax.axis_index("c")
    base = wid * BPW
    pltpu.sync_copy(idx_hbm.at[pl.ds(base, BPW)], idx_v)

    def start_gather(c, b):
        off = pl.multiple_of(c * C, 8)
        pltpu.async_copy(table_hbm.at[idx_v.at[pl.ds(off, C)]], gb[b], gs[b])

    def wait_gather(b):
        pltpu.make_async_copy(
            table_hbm.at[idx_v.at[pl.ds(0, C)]], gb[b], gs[b]).wait()

    elem = wid // 8
    rbase = (wid % 8) * BPW

    def start_wb(c, b):
        off = pl.multiple_of(c * C, 8)
        pltpu.async_copy(ob[b], out_hbm.at[elem, pl.ds(rbase + off, C)], ws[b])

    def wait_wb(b):
        pltpu.make_async_copy(ob[b], out_hbm.at[0, pl.ds(0, C)], ws[b]).wait()

    def scale(b):
        src = gb[b]
        dst = ob[b]
        for i in range(C):
            @plsc.parallel_loop(0, D_MODEL, step=L, unroll=UNROLL)
            def _(j):
                dst[i, pl.ds(j, L)] = src[i, pl.ds(j, L)] * SCALE

    def do_round(g, first, last):
        for b in range(2):
            c = 2 * g + b
            wait_gather(b)
            if not first:
                wait_wb(b)
            scale(b)
            start_wb(c, b)
            if not last:
                start_gather(c + 2, b)

    start_gather(0, 0)
    start_gather(1, 1)
    do_round(0, True, False)
    lax.fori_loop(1, NROUND - 1,
                  lambda g, carry: (do_round(g, False, False), carry)[1], 0)
    do_round(NROUND - 1, False, True)
    wait_wb(0)
    wait_wb(1)


def kernel(x, W):
    idx = x.reshape(-1).astype(jnp.int32)
    return _emb_lookup(W, idx)

# --- scband reference (transcript-rebuilt; emitter-appended) ---
"""Pipeline reference for scband-embedding-12369505813137 (READ-ONLY COPY).

The authoritative reference and input builder live on the scoring server;
editing this copy changes nothing except your own understanding.
"""

import jax, jax.numpy as jnp
import numpy as np

VOCAB = 100000
D_MODEL = 2048

def setup_inputs(seed: int = 0) -> dict:
    key = jax.random.key(seed)
    k_idx, k_w = jax.random.split(key)
    x = jax.random.randint(k_idx, (4, 4096), 0, VOCAB, dtype=jnp.int64 if jax.config.jax_enable_x64 else jnp.int32)
    W = jax.random.normal(k_w, (VOCAB, D_MODEL), dtype=jnp.float32) * 0.02
    return {"x": x, "W": W}

def reference(x, W):
    # forward with inverse=False: encoder(x) * sqrt(model_dim)
    emb = jnp.take(W, x, axis=0)
    return emb * np.sqrt(D_MODEL).astype(np.float32)

if __name__ == "__main__":
    import jax
    _d = setup_inputs()
    print(jax.jit(kernel)(*tuple(_d.values())))

</pallas_src>

<mosaic_0001>
#map = affine_map<(d0, d1) -> (0, 0)>
#map1 = affine_map<(d0, d1) -> (0)>
#map2 = affine_map<(d0, d1) -> (0, 0, 0)>
module attributes {stable_mosaic.version = 14 : i64} {
  func.func @_emb_lookup(%arg0: i32, %arg1: i32, %arg2: memref<100000x2048xf32, #tpu.memory_space<hbm>>, %arg3: memref<16384xi32, #tpu.memory_space<hbm>>, %arg4: memref<4x4096x2048xf32, #tpu.memory_space<hbm>>, %arg5: memref<512xi32, #tpu.memory_space<vmem>>, %arg6: memref<8x2048xf32, #tpu.memory_space<vmem>>, %arg7: memref<8x2048xf32, #tpu.memory_space<vmem>>, %arg8: memref<8x2048xf32, #tpu.memory_space<vmem>>, %arg9: memref<8x2048xf32, #tpu.memory_space<vmem>>, %arg10: memref<!tpu.dma_semaphore, #tpu.memory_space<semaphore_mem>>, %arg11: memref<!tpu.dma_semaphore, #tpu.memory_space<semaphore_mem>>, %arg12: memref<!tpu.dma_semaphore, #tpu.memory_space<semaphore_mem>>, %arg13: memref<!tpu.dma_semaphore, #tpu.memory_space<semaphore_mem>>) attributes {dimension_semantics = [#tpu.dimension_semantics<core_parallel>, #tpu.dimension_semantics<subcore_parallel>], iteration_bounds = array<i64: 2, 16>, scalar_prefetch = 0 : i64, scratch_operands = 9 : i64, tpu.core_type = #tpu.core_type<sc_vector_subcore>, window_params = [{transform_indices = #map}, {transform_indices = #map1}, {transform_indices = #map2}]} {
    %mul3A = arith.constant 2 : i32
    %mul3A_0 = arith.muli %arg1, %mul3A : i32
    %add3A = arith.addi %mul3A_0, %arg0 : i32
    %mul3A_1 = arith.constant 512 : i32
    %mul3A_2 = arith.muli %add3A, %mul3A_1 : i32
    "tpu.region"() ({
      %run_scoped3A = tpu.sem_alloc : memref<!tpu.dma_semaphore, #tpu.memory_space<semaphore_mem>>
      %dma_start3A_248 = tpu.memref_slice %arg3[%mul3A_2] : memref<16384xi32, #tpu.memory_space<hbm>> -> memref<512xi32, #tpu.memory_space<hbm>>
      %dma_start3A_249 = tpu.memref_slice %arg3[%mul3A_2] : memref<16384xi32, #tpu.memory_space<hbm>> -> memref<512xi32, #tpu.memory_space<hbm>>
      tpu.enqueue_dma source(%dma_start3A_249 : memref<512xi32, #tpu.memory_space<hbm>>) target(%arg5 : memref<512xi32, #tpu.memory_space<vmem>>) target_semaphore(%run_scoped3A : memref<!tpu.dma_semaphore, #tpu.memory_space<semaphore_mem>>)
      %dma_wait3A_250 = tpu.memref_slice %arg3[%mul3A_2] : memref<16384xi32, #tpu.memory_space<hbm>> -> memref<512xi32, #tpu.memory_space<hbm>>
      %dma_wait3A_251 = tpu.memref_slice %arg3[%mul3A_2] : memref<16384xi32, #tpu.memory_space<hbm>> -> memref<512xi32, #tpu.memory_space<hbm>>
      tpu.wait_dma2 semaphore(%run_scoped3A : memref<!tpu.dma_semaphore, #tpu.memory_space<semaphore_mem>>) src(%dma_wait3A_251 : memref<512xi32, #tpu.memory_space<hbm>>) dst(%arg5 : memref<512xi32, #tpu.memory_space<vmem>>)
      tpu.yield
    }) : () -> ()
    %jit3A = arith.constant 8 : i32
    %div3A = arith.divsi %add3A, %jit3A : i32
    %sign3A = arith.constant 0 : i32
    %sign3A_3 = arith.cmpi sgt, %add3A, %sign3A : i32
    %sign3A_4 = arith.extui %sign3A_3 : i1 to i32
    %sign3A_5 = arith.constant 0 : i32
    %sign3A_6 = arith.cmpi slt, %add3A, %sign3A_5 : i32
    %sign3A_7 = arith.extui %sign3A_6 : i1 to i32
    %sign3A_8 = arith.subi %sign3A_4, %sign3A_7 : i32
    %sign3A_9 = arith.constant 0 : i32
    %sign3A_10 = arith.cmpi sgt, %jit3A, %sign3A_9 : i32
    %sign3A_11 = arith.extui %sign3A_10 : i1 to i32
    %sign3A_12 = arith.constant 0 : i32
    %sign3A_13 = arith.cmpi slt, %jit3A, %sign3A_12 : i32
    %sign3A_14 = arith.extui %sign3A_13 : i1 to i32
    %sign3A_15 = arith.subi %sign3A_11, %sign3A_14 : i32
    %ne3A = arith.cmpi ne, %sign3A_8, %sign3A_15 : i32
    %rem3A = arith.remsi %add3A, %jit3A : i32
    %ne3A_16 = arith.constant 0 : i32
    %ne3A_17 = arith.cmpi ne, %rem3A, %ne3A_16 : i32
    %and3A = arith.andi %ne3A, %ne3A_17 : i1
    %sub3A = arith.constant 1 : i32
    %sub3A_18 = arith.subi %div3A, %sub3A : i32
    %select_n3A = arith.select %and3A, %sub3A_18, %div3A : i32
    %jit3A_19 = arith.constant 8 : i32
    %eq3A = arith.constant 0 : i32
    %eq3A_20 = arith.cmpi eq, %jit3A_19, %eq3A : i32
    %jit3A_21 = arith.constant 1 : i32
    %select_n3A_22 = arith.select %eq3A_20, %jit3A_21, %jit3A_19 : i32
    %rem3A_23 = arith.remsi %add3A, %select_n3A_22 : i32
    %ne3A_24 = arith.constant 0 : i32
    %ne3A_25 = arith.cmpi ne, %rem3A_23, %ne3A_24 : i32
    %lt3A = arith.constant 0 : i32
    %lt3A_26 = arith.cmpi slt, %rem3A_23, %lt3A : i32
    %lt3A_27 = arith.constant 0 : i32
    %lt3A_28 = arith.cmpi slt, %select_n3A_22, %lt3A_27 : i32
    %ne3A_29 = arith.xori %lt3A_26, %lt3A_28 : i1
    %and3A_30 = arith.andi %ne3A_29, %ne3A_25 : i1
    %add3A_31 = arith.addi %rem3A_23, %select_n3A_22 : i32
    %select_n3A_32 = arith.select %and3A_30, %add3A_31, %rem3A_23 : i32
    %mul3A_33 = arith.constant 512 : i32
    %mul3A_34 = arith.muli %select_n3A_32, %mul3A_33 : i32
    %multiple_of3A = arith.constant 0 : i32
    %multiple_of3A_35 = tpu.assume_multiple %multiple_of3A, 8 : i32
    %dma_start3A = tpu.memref_slice %arg5[%multiple_of3A_35] : memref<512xi32, #tpu.memory_space<vmem>> -> memref<8xi32, #tpu.memory_space<vmem>>
    %dma_start3A_36 = arith.constant 0 : i32
    %dma_start3A_37 = arith.constant 0 : i32
    %dma_start3A_38 = tpu.memref_slice %arg2[%dma_start3A_36, %dma_start3A_37] : memref<100000x2048xf32, #tpu.memory_space<hbm>> -> memref<100000x2048xf32, #tpu.memory_space<hbm>>
    tpu.enqueue_indirect_dma source(%dma_start3A_38 : memref<100000x2048xf32, #tpu.memory_space<hbm>>) target(%arg6 : memref<8x2048xf32, #tpu.memory_space<vmem>>) offsets(%dma_start3A : memref<8xi32, #tpu.memory_space<vmem>>) semaphore(%arg10 : memref<!tpu.dma_semaphore, #tpu.memory_space<semaphore_mem>>)
    %multiple_of3A_39 = arith.constant 8 : i32
    %multiple_of3A_40 = tpu.assume_multiple %multiple_of3A_39, 8 : i32
    %dma_start3A_41 = tpu.memref_slice %arg5[%multiple_of3A_40] : memref<512xi32, #tpu.memory_space<vmem>> -> memref<8xi32, #tpu.memory_space<vmem>>
    %dma_start3A_42 = arith.constant 0 : i32
    %dma_start3A_43 = arith.constant 0 : i32
    %dma_start3A_44 = tpu.memref_slice %arg2[%dma_start3A_42, %dma_start3A_43] : memref<100000x2048xf32, #tpu.memory_space<hbm>> -> memref<100000x2048xf32, #tpu.memory_space<hbm>>
    tpu.enqueue_indirect_dma source(%dma_start3A_44 : memref<100000x2048xf32, #tpu.memory_space<hbm>>) target(%arg7 : memref<8x2048xf32, #tpu.memory_space<vmem>>) offsets(%dma_start3A_41 : memref<8xi32, #tpu.memory_space<vmem>>) semaphore(%arg11 : memref<!tpu.dma_semaphore, #tpu.memory_space<semaphore_mem>>)
    %dma_wait3A = arith.constant 0 : i32
    %dma_wait3A_45 = tpu.memref_slice %arg5[%dma_wait3A] : memref<512xi32, #tpu.memory_space<vmem>> -> memref<8xi32, #tpu.memory_space<vmem>>
    %dma_wait3A_46 = arith.constant 0 : i32
    %dma_wait3A_47 = arith.constant 0 : i32
    %dma_wait3A_48 = tpu.memref_slice %arg2[%dma_wait3A_46, %dma_wait3A_47] : memref<100000x2048xf32, #tpu.memory_space<hbm>> -> memref<100000x2048xf32, #tpu.memory_space<hbm>>
    tpu.wait_indirect_dma semaphore(%arg10 : memref<!tpu.dma_semaphore, #tpu.memory_space<semaphore_mem>>) src(%dma_wait3A_48 : memref<100000x2048xf32, #tpu.memory_space<hbm>>) dst(%arg6 : memref<8x2048xf32, #tpu.memory_space<vmem>>)
    %parallel_loop3A = arith.constant 0 : i32
    %parallel_loop3A_49 = arith.constant 2048 : i32
    %parallel_loop3A_50 = arith.constant 16 : i32
    scf.for %parallel_loop3A_248 = %parallel_loop3A to %parallel_loop3A_49 step %parallel_loop3A_50  : i32 {
      %parallel_loop3A_249 = arith.constant 0 : i32
      %parallel_loop3A_250 = arith.index_cast %parallel_loop3A_249 : i32 to index
      %parallel_loop3A_251 = arith.index_cast %parallel_loop3A_248 : i32 to index
      %parallel_loop3A_252 = tpu.vector_load %arg6[%parallel_loop3A_250, %parallel_loop3A_251] {strides = array<i32>} : memref<8x2048xf32, #tpu.memory_space<vmem>>, vector<1x16xf32>,
      %parallel_loop3A_253 = vector.shape_cast %parallel_loop3A_252 : vector<1x16xf32> to vector<16xf32>
      %parallel_loop3A_254 = arith.constant 45.2548332 : f32
      %parallel_loop3A_255 = vector.broadcast %parallel_loop3A_254 : f32 to vector<16xf32>
      %parallel_loop3A_256 = arith.mulf %parallel_loop3A_253, %parallel_loop3A_255 : vector<16xf32>
      %parallel_loop3A_257 = arith.constant 0 : i32
      %parallel_loop3A_258 = arith.index_cast %parallel_loop3A_257 : i32 to index
      %parallel_loop3A_259 = arith.index_cast %parallel_loop3A_248 : i32 to index
      %parallel_loop3A_260 = tpu.vector_load %arg8[%parallel_loop3A_258, %parallel_loop3A_259] {strides = array<i32>} : memref<8x2048xf32, #tpu.memory_space<vmem>>, vector<1x16xf32>,
      %parallel_loop3A_261 = vector.shape_cast %parallel_loop3A_260 : vector<1x16xf32> to vector<16xf32>
      %parallel_loop3A_262 = vector.shape_cast %parallel_loop3A_256 : vector<16xf32> to vector<1x16xf32>
      tpu.vector_store %arg8[%parallel_loop3A_258, %parallel_loop3A_259], %parallel_loop3A_262 {strides = array<i32>} : memref<8x2048xf32, #tpu.memory_space<vmem>>, vector<1x16xf32>,
    } {sc.loop_unroll_factor = 8 : i64, sc.parallel_access}
    %parallel_loop3A_51 = arith.constant 0 : i32
    %parallel_loop3A_52 = arith.constant 2048 : i32
    %parallel_loop3A_53 = arith.constant 16 : i32
    scf.for %parallel_loop3A_248 = %parallel_loop3A_51 to %parallel_loop3A_52 step %parallel_loop3A_53  : i32 {
      %parallel_loop3A_249 = arith.constant 1 : i32
      %parallel_loop3A_250 = arith.index_cast %parallel_loop3A_249 : i32 to index
      %parallel_loop3A_251 = arith.index_cast %parallel_loop3A_248 : i32 to index
      %parallel_loop3A_252 = tpu.vector_load %arg6[%parallel_loop3A_250, %parallel_loop3A_251] {strides = array<i32>} : memref<8x2048xf32, #tpu.memory_space<vmem>>, vector<1x16xf32>,
      %parallel_loop3A_253 = vector.shape_cast %parallel_loop3A_252 : vector<1x16xf32> to vector<16xf32>
      %parallel_loop3A_254 = arith.constant 45.2548332 : f32
      %parallel_loop3A_255 = vector.broadcast %parallel_loop3A_254 : f32 to vector<16xf32>
      %parallel_loop3A_256 = arith.mulf %parallel_loop3A_253, %parallel_loop3A_255 : vector<16xf32>
      %parallel_loop3A_257 = arith.constant 1 : i32
      %parallel_loop3A_258 = arith.index_cast %parallel_loop3A_257 : i32 to index
      %parallel_loop3A_259 = arith.index_cast %parallel_loop3A_248 : i32 to index
      %parallel_loop3A_260 = tpu.vector_load %arg8[%parallel_loop3A_258, %parallel_loop3A_259] {strides = array<i32>} : memref<8x2048xf32, #tpu.memory_space<vmem>>, vector<1x16xf32>,
      %parallel_loop3A_261 = vector.shape_cast %parallel_loop3A_260 : vector<1x16xf32> to vector<16xf32>
      %parallel_loop3A_262 = vector.shape_cast %parallel_loop3A_256 : vector<16xf32> to vector<1x16xf32>
      tpu.vector_store %arg8[%parallel_loop3A_258, %parallel_loop3A_259], %parallel_loop3A_262 {strides = array<i32>} : memref<8x2048xf32, #tpu.memory_space<vmem>>, vector<1x16xf32>,
    } {sc.loop_unroll_factor = 8 : i64, sc.parallel_access}
    %parallel_loop3A_54 = arith.constant 0 : i32
    %parallel_loop3A_55 = arith.constant 2048 : i32
    %parallel_loop3A_56 = arith.constant 16 : i32
    scf.for %parallel_loop3A_248 = %parallel_loop3A_54 to %parallel_loop3A_55 step %parallel_loop3A_56  : i32 {
      %parallel_loop3A_249 = arith.constant 2 : i32
      %parallel_loop3A_250 = arith.index_cast %parallel_loop3A_249 : i32 to index
      %parallel_loop3A_251 = arith.index_cast %parallel_loop3A_248 : i32 to index
      %parallel_loop3A_252 = tpu.vector_load %arg6[%parallel_loop3A_250, %parallel_loop3A_251] {strides = array<i32>} : memref<8x2048xf32, #tpu.memory_space<vmem>>, vector<1x16xf32>,
      %parallel_loop3A_253 = vector.shape_cast %parallel_loop3A_252 : vector<1x16xf32> to vector<16xf32>
      %parallel_loop3A_254 = arith.constant 45.2548332 : f32
      %parallel_loop3A_255 = vector.broadcast %parallel_loop3A_254 : f32 to vector<16xf32>
      %parallel_loop3A_256 = arith.mulf %parallel_loop3A_253, %parallel_loop3A_255 : vector<16xf32>
      %parallel_loop3A_257 = arith.constant 2 : i32
      %parallel_loop3A_258 = arith.index_cast %parallel_loop3A_257 : i32 to index
      %parallel_loop3A_259 = arith.index_cast %parallel_loop3A_248 : i32 to index
      %parallel_loop3A_260 = tpu.vector_load %arg8[%parallel_loop3A_258, %parallel_loop3A_259] {strides = array<i32>} : memref<8x2048xf32, #tpu.memory_space<vmem>>, vector<1x16xf32>,
      %parallel_loop3A_261 = vector.shape_cast %parallel_loop3A_260 : vector<1x16xf32> to vector<16xf32>
      %parallel_loop3A_262 = vector.shape_cast %parallel_loop3A_256 : vector<16xf32> to vector<1x16xf32>
      tpu.vector_store %arg8[%parallel_loop3A_258, %parallel_loop3A_259], %parallel_loop3A_262 {strides = array<i32>} : memref<8x2048xf32, #tpu.memory_space<vmem>>, vector<1x16xf32>,
    } {sc.loop_unroll_factor = 8 : i64, sc.parallel_access}
    %parallel_loop3A_57 = arith.constant 0 : i32
    %parallel_loop3A_58 = arith.constant 2048 : i32
    %parallel_loop3A_59 = arith.constant 16 : i32
    scf.for %parallel_loop3A_248 = %parallel_loop3A_57 to %parallel_loop3A_58 step %parallel_loop3A_59  : i32 {
      %parallel_loop3A_249 = arith.constant 3 : i32
      %parallel_loop3A_250 = arith.index_cast %parallel_loop3A_249 : i32 to index
      %parallel_loop3A_251 = arith.index_cast %parallel_loop3A_248 : i32 to index
      %parallel_loop3A_252 = tpu.vector_load %arg6[%parallel_loop3A_250, %parallel_loop3A_251] {strides = array<i32>} : memref<8x2048xf32, #tpu.memory_space<vmem>>, vector<1x16xf32>,
      %parallel_loop3A_253 = vector.shape_cast %parallel_loop3A_252 : vector<1x16xf32> to vector<16xf32>
      %parallel_loop3A_254 = arith.constant 45.2548332 : f32
      %parallel_loop3A_255 = vector.broadcast %parallel_loop3A_254 : f32 to vector<16xf32>
      %parallel_loop3A_256 = arith.mulf %parallel_loop3A_253, %parallel_loop3A_255 : vector<16xf32>
      %parallel_loop3A_257 = arith.constant 3 : i32
      %parallel_loop3A_258 = arith.index_cast %parallel_loop3A_257 : i32 to index
      %parallel_loop3A_259 = arith.index_cast %parallel_loop3A_248 : i32 to index
      %parallel_loop3A_260 = tpu.vector_load %arg8[%parallel_loop3A_258, %parallel_loop3A_259] {strides = array<i32>} : memref<8x2048xf32, #tpu.memory_space<vmem>>, vector<1x16xf32>,
      %parallel_loop3A_261 = vector.shape_cast %parallel_loop3A_260 : vector<1x16xf32> to vector<16xf32>
      %parallel_loop3A_262 = vector.shape_cast %parallel_loop3A_256 : vector<16xf32> to vector<1x16xf32>
      tpu.vector_store %arg8[%parallel_loop3A_258, %parallel_loop3A_259], %parallel_loop3A_262 {strides = array<i32>} : memref<8x2048xf32, #tpu.memory_space<vmem>>, vector<1x16xf32>,
    } {sc.loop_unroll_factor = 8 : i64, sc.parallel_access}
    %parallel_loop3A_60 = arith.constant 0 : i32
    %parallel_loop3A_61 = arith.constant 2048 : i32
    %parallel_loop3A_62 = arith.constant 16 : i32
    scf.for %parallel_loop3A_248 = %parallel_loop3A_60 to %parallel_loop3A_61 step %parallel_loop3A_62  : i32 {
      %parallel_loop3A_249 = arith.constant 4 : i32
      %parallel_loop3A_250 = arith.index_cast %parallel_loop3A_249 : i32 to index
      %parallel_loop3A_251 = arith.index_cast %parallel_loop3A_248 : i32 to index
      %parallel_loop3A_252 = tpu.vector_load %arg6[%parallel_loop3A_250, %parallel_loop3A_251] {strides = array<i32>} : memref<8x2048xf32, #tpu.memory_space<vmem>>, vector<1x16xf32>,
      %parallel_loop3A_253 = vector.shape_cast %parallel_loop3A_252 : vector<1x16xf32> to vector<16xf32>
      %parallel_loop3A_254 = arith.constant 45.2548332 : f32
      %parallel_loop3A_255 = vector.broadcast %parallel_loop3A_254 : f32 to vector<16xf32>
      %parallel_loop3A_256 = arith.mulf %parallel_loop3A_253, %parallel_loop3A_255 : vector<16xf32>
      %parallel_loop3A_257 = arith.constant 4 : i32
      %parallel_loop3A_258 = arith.index_cast %parallel_loop3A_257 : i32 to index
      %parallel_loop3A_259 = arith.index_cast %parallel_loop3A_248 : i32 to index
      %parallel_loop3A_260 = tpu.vector_load %arg8[%parallel_loop3A_258, %parallel_loop3A_259] {strides = array<i32>} : memref<8x2048xf32, #tpu.memory_space<vmem>>, vector<1x16xf32>,
      %parallel_loop3A_261 = vector.shape_cast %parallel_loop3A_260 : vector<1x16xf32> to vector<16xf32>
      %parallel_loop3A_262 = vector.shape_cast %parallel_loop3A_256 : vector<16xf32> to vector<1x16xf32>
      tpu.vector_store %arg8[%parallel_loop3A_258, %parallel_loop3A_259], %parallel_loop3A_262 {strides = array<i32>} : memref<8x2048xf32, #tpu.memory_space<vmem>>, vector<1x16xf32>,
    } {sc.loop_unroll_factor = 8 : i64, sc.parallel_access}
    %parallel_loop3A_63 = arith.constant 0 : i32
    %parallel_loop3A_64 = arith.constant 2048 : i32
    %parallel_loop3A_65 = arith.constant 16 : i32
    scf.for %parallel_loop3A_248 = %parallel_loop3A_63 to %parallel_loop3A_64 step %parallel_loop3A_65  : i32 {
      %parallel_loop3A_249 = arith.constant 5 : i32
      %parallel_loop3A_250 = arith.index_cast %parallel_loop3A_249 : i32 to index
      %parallel_loop3A_251 = arith.index_cast %parallel_loop3A_248 : i32 to index
      %parallel_loop3A_252 = tpu.vector_load %arg6[%parallel_loop3A_250, %parallel_loop3A_251] {strides = array<i32>} : memref<8x2048xf32, #tpu.memory_space<vmem>>, vector<1x16xf32>,
      %parallel_loop3A_253 = vector.shape_cast %parallel_loop3A_252 : vector<1x16xf32> to vector<16xf32>
      %parallel_loop3A_254 = arith.constant 45.2548332 : f32
      %parallel_loop3A_255 = vector.broadcast %parallel_loop3A_254 : f32 to vector<16xf32>
      %parallel_loop3A_256 = arith.mulf %parallel_loop3A_253, %parallel_loop3A_255 : vector<16xf32>
      %parallel_loop3A_257 = arith.constant 5 : i32
      %parallel_loop3A_258 = arith.index_cast %parallel_loop3A_257 : i32 to index
      %parallel_loop3A_259 = arith.index_cast %parallel_loop3A_248 : i32 to index
      %parallel_loop3A_260 = tpu.vector_load %arg8[%parallel_loop3A_258, %parallel_loop3A_259] {strides = array<i32>} : memref<8x2048xf32, #tpu.memory_space<vmem>>, vector<1x16xf32>,
      %parallel_loop3A_261 = vector.shape_cast %parallel_loop3A_260 : vector<1x16xf32> to vector<16xf32>
      %parallel_loop3A_262 = vector.shape_cast %parallel_loop3A_256 : vector<16xf32> to vector<1x16xf32>
      tpu.vector_store %arg8[%parallel_loop3A_258, %parallel_loop3A_259], %parallel_loop3A_262 {strides = array<i32>} : memref<8x2048xf32, #tpu.memory_space<vmem>>, vector<1x16xf32>,
    } {sc.loop_unroll_factor = 8 : i64, sc.parallel_access}
    %parallel_loop3A_66 = arith.constant 0 : i32
    %parallel_loop3A_67 = arith.constant 2048 : i32
    %parallel_loop3A_68 = arith.constant 16 : i32
    scf.for %parallel_loop3A_248 = %parallel_loop3A_66 to %parallel_loop3A_67 step %parallel_loop3A_68  : i32 {
      %parallel_loop3A_249 = arith.constant 6 : i32
      %parallel_loop3A_250 = arith.index_cast %parallel_loop3A_249 : i32 to index
      %parallel_loop3A_251 = arith.index_cast %parallel_loop3A_248 : i32 to index
      %parallel_loop3A_252 = tpu.vector_load %arg6[%parallel_loop3A_250, %parallel_loop3A_251] {strides = array<i32>} : memref<8x2048xf32, #tpu.memory_space<vmem>>, vector<1x16xf32>,
      %parallel_loop3A_253 = vector.shape_cast %parallel_loop3A_252 : vector<1x16xf32> to vector<16xf32>
      %parallel_loop3A_254 = arith.constant 45.2548332 : f32
      %parallel_loop3A_255 = vector.broadcast %parallel_loop3A_254 : f32 to vector<16xf32>
      %parallel_loop3A_256 = arith.mulf %parallel_loop3A_253, %parallel_loop3A_255 : vector<16xf32>
      %parallel_loop3A_257 = arith.constant 6 : i32
      %parallel_loop3A_258 = arith.index_cast %parallel_loop3A_257 : i32 to index
      %parallel_loop3A_259 = arith.index_cast %parallel_loop3A_248 : i32 to index
      %parallel_loop3A_260 = tpu.vector_load %arg8[%parallel_loop3A_258, %parallel_loop3A_259] {strides = array<i32>} : memref<8x2048xf32, #tpu.memory_space<vmem>>, vector<1x16xf32>,
      %parallel_loop3A_261 = vector.shape_cast %parallel_loop3A_260 : vector<1x16xf32> to vector<16xf32>
      %parallel_loop3A_262 = vector.shape_cast %parallel_loop3A_256 : vector<16xf32> to vector<1x16xf32>
      tpu.vector_store %arg8[%parallel_loop3A_258, %parallel_loop3A_259], %parallel_loop3A_262 {strides = array<i32>} : memref<8x2048xf32, #tpu.memory_space<vmem>>, vector<1x16xf32>,
    } {sc.loop_unroll_factor = 8 : i64, sc.parallel_access}
    %parallel_loop3A_69 = arith.constant 0 : i32
    %parallel_loop3A_70 = arith.constant 2048 : i32
    %parallel_loop3A_71 = arith.constant 16 : i32
    scf.for %parallel_loop3A_248 = %parallel_loop3A_69 to %parallel_loop3A_70 step %parallel_loop3A_71  : i32 {
      %parallel_loop3A_249 = arith.constant 7 : i32
      %parallel_loop3A_250 = arith.index_cast %parallel_loop3A_249 : i32 to index
      %parallel_loop3A_251 = arith.index_cast %parallel_loop3A_248 : i32 to index
      %parallel_loop3A_252 = tpu.vector_load %arg6[%parallel_loop3A_250, %parallel_loop3A_251] {strides = array<i32>} : memref<8x2048xf32, #tpu.memory_space<vmem>>, vector<1x16xf32>,
      %parallel_loop3A_253 = vector.shape_cast %parallel_loop3A_252 : vector<1x16xf32> to vector<16xf32>
      %parallel_loop3A_254 = arith.constant 45.2548332 : f32
      %parallel_loop3A_255 = vector.broadcast %parallel_loop3A_254 : f32 to vector<16xf32>
      %parallel_loop3A_256 = arith.mulf %parallel_loop3A_253, %parallel_loop3A_255 : vector<16xf32>
      %parallel_loop3A_257 = arith.constant 7 : i32
      %parallel_loop3A_258 = arith.index_cast %parallel_loop3A_257 : i32 to index
      %parallel_loop3A_259 = arith.index_cast %parallel_loop3A_248 : i32 to index
      %parallel_loop3A_260 = tpu.vector_load %arg8[%parallel_loop3A_258, %parallel_loop3A_259] {strides = array<i32>} : memref<8x2048xf32, #tpu.memory_space<vmem>>, vector<1x16xf32>,
      %parallel_loop3A_261 = vector.shape_cast %parallel_loop3A_260 : vector<1x16xf32> to vector<16xf32>
      %parallel_loop3A_262 = vector.shape_cast %parallel_loop3A_256 : vector<16xf32> to vector<1x16xf32>
      tpu.vector_store %arg8[%parallel_loop3A_258, %parallel_loop3A_259], %parallel_loop3A_262 {strides = array<i32>} : memref<8x2048xf32, #tpu.memory_space<vmem>>, vector<1x16xf32>,
    } {sc.loop_unroll_factor = 8 : i64, sc.parallel_access}
    %multiple_of3A_72 = arith.constant 0 : i32
    %multiple_of3A_73 = tpu.assume_multiple %multiple_of3A_72, 8 : i32
    %add3A_74 = arith.addi %mul3A_34, %multiple_of3A_73 : i32
    %dma_start3A_75 = arith.constant 0 : i32
    %dma_start3A_76 = tpu.memref_slice %arg4[%select_n3A, %add3A_74, %dma_start3A_75] : memref<4x4096x2048xf32, #tpu.memory_space<hbm>> -> memref<1x8x2048xf32, #tpu.memory_space<hbm>>
    %dma_start3A_77 = tpu.memref_squeeze %dma_start3A_76 : memref<1x8x2048xf32, #tpu.memory_space<hbm>> -> memref<8x2048xf32, #tpu.memory_space<hbm>>
    %dma_start3A_78 = arith.constant 0 : i32
    %dma_start3A_79 = tpu.memref_slice %arg4[%select_n3A, %add3A_74, %dma_start3A_78] : memref<4x4096x2048xf32, #tpu.memory_space<hbm>> -> memref<1x8x2048xf32, #tpu.memory_space<hbm>>
    %dma_start3A_80 = tpu.memref_squeeze %dma_start3A_79 : memref<1x8x2048xf32, #tpu.memory_space<hbm>> -> memref<8x2048xf32, #tpu.memory_space<hbm>>
    tpu.enqueue_dma source(%arg8 : memref<8x2048xf32, #tpu.memory_space<vmem>>) target(%dma_start3A_80 : memref<8x2048xf32, #tpu.memory_space<hbm>>) target_semaphore(%arg12 : memref<!tpu.dma_semaphore, #tpu.memory_space<semaphore_mem>>)
    %multiple_of3A_81 = arith.constant 16 : i32
    %multiple_of3A_82 = tpu.assume_multiple %multiple_of3A_81, 8 : i32
    %dma_start3A_83 = tpu.memref_slice %arg5[%multiple_of3A_82] : memref<512xi32, #tpu.memory_space<vmem>> -> memref<8xi32, #tpu.memory_space<vmem>>
    %dma_start3A_84 = arith.constant 0 : i32
    %dma_start3A_85 = arith.constant 0 : i32
    %dma_start3A_86 = tpu.memref_slice %arg2[%dma_start3A_84, %dma_start3A_85] : memref<100000x2048xf32, #tpu.memory_space<hbm>> -> memref<100000x2048xf32, #tpu.memory_space<hbm>>
    tpu.enqueue_indirect_dma source(%dma_start3A_86 : memref<100000x2048xf32, #tpu.memory_space<hbm>>) target(%arg6 : memref<8x2048xf32, #tpu.memory_space<vmem>>) offsets(%dma_start3A_83 : memref<8xi32, #tpu.memory_space<vmem>>) semaphore(%arg10 : memref<!tpu.dma_semaphore, #tpu.memory_space<semaphore_mem>>)
    %dma_wait3A_87 = arith.constant 0 : i32
    %dma_wait3A_88 = tpu.memref_slice %arg5[%dma_wait3A_87] : memref<512xi32, #tpu.memory_space<vmem>> -> memref<8xi32, #tpu.memory_space<vmem>>
    %dma_wait3A_89 = arith.constant 0 : i32
    %dma_wait3A_90 = arith.constant 0 : i32
    %dma_wait3A_91 = tpu.memref_slice %arg2[%dma_wait3A_89, %dma_wait3A_90] : memref<100000x2048xf32, #tpu.memory_space<hbm>> -> memref<100000x2048xf32, #tpu.memory_space<hbm>>
    tpu.wait_indirect_dma semaphore(%arg11 : memref<!tpu.dma_semaphore, #tpu.memory_space<semaphore_mem>>) src(%dma_wait3A_91 : memref<100000x2048xf32, #tpu.memory_space<hbm>>) dst(%arg7 : memref<8x2048xf32, #tpu.memory_space<vmem>>)
    %parallel_loop3A_92 = arith.constant 0 : i32
    %parallel_loop3A_93 = arith.constant 2048 : i32
    %parallel_loop3A_94 = arith.constant 16 : i32
    scf.for %parallel_loop3A_248 = %parallel_loop3A_92 to %parallel_loop3A_93 step %parallel_loop3A_94  : i32 {
      %parallel_loop3A_249 = arith.constant 0 : i32
      %parallel_loop3A_250 = arith.index_cast %parallel_loop3A_249 : i32 to index
      %parallel_loop3A_251 = arith.index_cast %parallel_loop3A_248 : i32 to index
      %parallel_loop3A_252 = tpu.vector_load %arg7[%parallel_loop3A_250, %parallel_loop3A_251] {strides = array<i32>} : memref<8x2048xf32, #tpu.memory_space<vmem>>, vector<1x16xf32>,
      %parallel_loop3A_253 = vector.shape_cast %parallel_loop3A_252 : vector<1x16xf32> to vector<16xf32>
      %parallel_loop3A_254 = arith.constant 45.2548332 : f32
      %parallel_loop3A_255 = vector.broadcast %parallel_loop3A_254 : f32 to vector<16xf32>
      %parallel_loop3A_256 = arith.mulf %parallel_loop3A_253, %parallel_loop3A_255 : vector<16xf32>
      %parallel_loop3A_257 = arith.constant 0 : i32
      %parallel_loop3A_258 = arith.index_cast %parallel_loop3A_257 : i32 to index
      %parallel_loop3A_259 = arith.index_cast %parallel_loop3A_248 : i32 to index
      %parallel_loop3A_260 = tpu.vector_load %arg9[%parallel_loop3A_258, %parallel_loop3A_259] {strides = array<i32>} : memref<8x2048xf32, #tpu.memory_space<vmem>>, vector<1x16xf32>,
      %parallel_loop3A_261 = vector.shape_cast %parallel_loop3A_260 : vector<1x16xf32> to vector<16xf32>
      %parallel_loop3A_262 = vector.shape_cast %parallel_loop3A_256 : vector<16xf32> to vector<1x16xf32>
      tpu.vector_store %arg9[%parallel_loop3A_258, %parallel_loop3A_259], %parallel_loop3A_262 {strides = array<i32>} : memref<8x2048xf32, #tpu.memory_space<vmem>>, vector<1x16xf32>,
    } {sc.loop_unroll_factor = 8 : i64, sc.parallel_access}
    %parallel_loop3A_95 = arith.constant 0 : i32
    %parallel_loop3A_96 = arith.constant 2048 : i32
    %parallel_loop3A_97 = arith.constant 16 : i32
    scf.for %parallel_loop3A_248 = %parallel_loop3A_95 to %parallel_loop3A_96 step %parallel_loop3A_97  : i32 {
      %parallel_loop3A_249 = arith.constant 1 : i32
      %parallel_loop3A_250 = arith.index_cast %parallel_loop3A_249 : i32 to index
      %parallel_loop3A_251 = arith.index_cast %parallel_loop3A_248 : i32 to index
      %parallel_loop3A_252 = tpu.vector_load %arg7[%parallel_loop3A_250, %parallel_loop3A_251] {strides = array<i32>} : memref<8x2048xf32, #tpu.memory_space<vmem>>, vector<1x16xf32>,
      %parallel_loop3A_253 = vector.shape_cast %parallel_loop3A_252 : vector<1x16xf32> to vector<16xf32>
      %parallel_loop3A_254 = arith.constant 45.2548332 : f32
      %parallel_loop3A_255 = vector.broadcast %parallel_loop3A_254 : f32 to vector<16xf32>
      %parallel_loop3A_256 = arith.mulf %parallel_loop3A_253, %parallel_loop3A_255 : vector<16xf32>
      %parallel_loop3A_257 = arith.constant 1 : i32
      %parallel_loop3A_258 = arith.index_cast %parallel_loop3A_257 : i32 to index
      %parallel_loop3A_259 = arith.index_cast %parallel_loop3A_248 : i32 to index
      %parallel_loop3A_260 = tpu.vector_load %arg9[%parallel_loop3A_258, %parallel_loop3A_259] {strides = array<i32>} : memref<8x2048xf32, #tpu.memory_space<vmem>>, vector<1x16xf32>,
      %parallel_loop3A_261 = vector.shape_cast %parallel_loop3A_260 : vector<1x16xf32> to vector<16xf32>
      %parallel_loop3A_262 = vector.shape_cast %parallel_loop3A_256 : vector<16xf32> to vector<1x16xf32>
      tpu.vector_store %arg9[%parallel_loop3A_258, %parallel_loop3A_259], %parallel_loop3A_262 {strides = array<i32>} : memref<8x2048xf32, #tpu.memory_space<vmem>>, vector<1x16xf32>,
    } {sc.loop_unroll_factor = 8 : i64, sc.parallel_access}
    %parallel_loop3A_98 = arith.constant 0 : i32
    %parallel_loop3A_99 = arith.constant 2048 : i32
    %parallel_loop3A_100 = arith.constant 16 : i32
    scf.for %parallel_loop3A_248 = %parallel_loop3A_98 to %parallel_loop3A_99 step %parallel_loop3A_100  : i32 {
      %parallel_loop3A_249 = arith.constant 2 : i32
      %parallel_loop3A_250 = arith.index_cast %parallel_loop3A_249 : i32 to index
      %parallel_loop3A_251 = arith.index_cast %parallel_loop3A_248 : i32 to index
      %parallel_loop3A_252 = tpu.vector_load %arg7[%parallel_loop3A_250, %parallel_loop3A_251] {strides = array<i32>} : memref<8x2048xf32, #tpu.memory_space<vmem>>, vector<1x16xf32>,
      %parallel_loop3A_253 = vector.shape_cast %parallel_loop3A_252 : vector<1x16xf32> to vector<16xf32>
      %parallel_loop3A_254 = arith.constant 45.2548332 : f32
      %parallel_loop3A_255 = vector.broadcast %parallel_loop3A_254 : f32 to vector<16xf32>
      %parallel_loop3A_256 = arith.mulf %parallel_loop3A_253, %parallel_loop3A_255 : vector<16xf32>
      %parallel_loop3A_257 = arith.constant 2 : i32
      %parallel_loop3A_258 = arith.index_cast %parallel_loop3A_257 : i32 to index
      %parallel_loop3A_259 = arith.index_cast %parallel_loop3A_248 : i32 to index
      %parallel_loop3A_260 = tpu.vector_load %arg9[%parallel_loop3A_258, %parallel_loop3A_259] {strides = array<i32>} : memref<8x2048xf32, #tpu.memory_space<vmem>>, vector<1x16xf32>,
      %parallel_loop3A_261 = vector.shape_cast %parallel_loop3A_260 : vector<1x16xf32> to vector<16xf32>
      %parallel_loop3A_262 = vector.shape_cast %parallel_loop3A_256 : vector<16xf32> to vector<1x16xf32>
      tpu.vector_store %arg9[%parallel_loop3A_258, %parallel_loop3A_259], %parallel_loop3A_262 {strides = array<i32>} : memref<8x2048xf32, #tpu.memory_space<vmem>>, vector<1x16xf32>,
    } {sc.loop_unroll_factor = 8 : i64, sc.parallel_access}
    %parallel_loop3A_101 = arith.constant 0 : i32
    %parallel_loop3A_102 = arith.constant 2048 : i32
    %parallel_loop3A_103 = arith.constant 16 : i32
    scf.for %parallel_loop3A_248 = %parallel_loop3A_101 to %parallel_loop3A_102 step %parallel_loop3A_103  : i32 {
      %parallel_loop3A_249 = arith.constant 3 : i32
      %parallel_loop3A_250 = arith.index_cast %parallel_loop3A_249 : i32 to index
      %parallel_loop3A_251 = arith.index_cast %parallel_loop3A_248 : i32 to index
      %parallel_loop3A_252 = tpu.vector_load %arg7[%parallel_loop3A_250, %parallel_loop3A_251] {strides = array<i32>} : memref<8x2048xf32, #tpu.memory_space<vmem>>, vector<1x16xf32>,
      %parallel_loop3A_253 = vector.shape_cast %parallel_loop3A_252 : vector<1x16xf32> to vector<16xf32>
      %parallel_loop3A_254 = arith.constant 45.2548332 : f32
      %parallel_loop3A_255 = vector.broadcast %parallel_loop3A_254 : f32 to vector<16xf32>
      %parallel_loop3A_256 = arith.mulf %parallel_loop3A_253, %parallel_loop3A_255 : vector<16xf32>
      %parallel_loop3A_257 = arith.constant 3 : i32
      %parallel_loop3A_258 = arith.index_cast %parallel_loop3A_257 : i32 to index
      %parallel_loop3A_259 = arith.index_cast %parallel_loop3A_248 : i32 to index
      %parallel_loop3A_260 = tpu.vector_load %arg9[%parallel_loop3A_258, %parallel_loop3A_259] {strides = array<i32>} : memref<8x2048xf32, #tpu.memory_space<vmem>>, vector<1x16xf32>,
      %parallel_loop3A_261 = vector.shape_cast %parallel_loop3A_260 : vector<1x16xf32> to vector<16xf32>
      %parallel_loop3A_262 = vector.shape_cast %parallel_loop3A_256 : vector<16xf32> to vector<1x16xf32>
      tpu.vector_store %arg9[%parallel_loop3A_258, %parallel_loop3A_259], %parallel_loop3A_262 {strides = array<i32>} : memref<8x2048xf32, #tpu.memory_space<vmem>>, vector<1x16xf32>,
    } {sc.loop_unroll_factor = 8 : i64, sc.parallel_access}
    %parallel_loop3A_104 = arith.constant 0 : i32
    %parallel_loop3A_105 = arith.constant 2048 : i32
    %parallel_loop3A_106 = arith.constant 16 : i32
    scf.for %parallel_loop3A_248 = %parallel_loop3A_104 to %parallel_loop3A_105 step %parallel_loop3A_106  : i32 {
      %parallel_loop3A_249 = arith.constant 4 : i32
      %parallel_loop3A_250 = arith.index_cast %parallel_loop3A_249 : i32 to index
      %parallel_loop3A_251 = arith.index_cast %parallel_loop3A_248 : i32 to index
      %parallel_loop3A_252 = tpu.vector_load %arg7[%parallel_loop3A_250, %parallel_loop3A_251] {strides = array<i32>} : memref<8x2048xf32, #tpu.memory_space<vmem>>, vector<1x16xf32>,
      %parallel_loop3A_253 = vector.shape_cast %parallel_loop3A_252 : vector<1x16xf32> to vector<16xf32>
      %parallel_loop3A_254 = arith.constant 45.2548332 : f32
      %parallel_loop3A_255 = vector.broadcast %parallel_loop3A_254 : f32 to vector<16xf32>
      %parallel_loop3A_256 = arith.mulf %parallel_loop3A_253, %parallel_loop3A_255 : vector<16xf32>
      %parallel_loop3A_257 = arith.constant 4 : i32
      %parallel_loop3A_258 = arith.index_cast %parallel_loop3A_257 : i32 to index
      %parallel_loop3A_259 = arith.index_cast %parallel_loop3A_248 : i32 to index
      %parallel_loop3A_260 = tpu.vector_load %arg9[%parallel_loop3A_258, %parallel_loop3A_259] {strides = array<i32>} : memref<8x2048xf32, #tpu.memory_space<vmem>>, vector<1x16xf32>,
      %parallel_loop3A_261 = vector.shape_cast %parallel_loop3A_260 : vector<1x16xf32> to vector<16xf32>
      %parallel_loop3A_262 = vector.shape_cast %parallel_loop3A_256 : vector<16xf32> to vector<1x16xf32>
      tpu.vector_store %arg9[%parallel_loop3A_258, %parallel_loop3A_259], %parallel_loop3A_262 {strides = array<i32>} : memref<8x2048xf32, #tpu.memory_space<vmem>>, vector<1x16xf32>,
    } {sc.loop_unroll_factor = 8 : i64, sc.parallel_access}
    %parallel_loop3A_107 = arith.constant 0 : i32
    %parallel_loop3A_108 = arith.constant 2048 : i32
    %parallel_loop3A_109 = arith.constant 16 : i32
    scf.for %parallel_loop3A_248 = %parallel_loop3A_107 to %parallel_loop3A_108 step %parallel_loop3A_109  : i32 {
      %parallel_loop3A_249 = arith.constant 5 : i32
      %parallel_loop3A_250 = arith.index_cast %parallel_loop3A_249 : i32 to index
      %parallel_loop3A_251 = arith.index_cast %parallel_loop3A_248 : i32 to index
      %parallel_loop3A_252 = tpu.vector_load %arg7[%parallel_loop3A_250, %parallel_loop3A_251] {strides = array<i32>} : memref<8x2048xf32, #tpu.memory_space<vmem>>, vector<1x16xf32>,
      %parallel_loop3A_253 = vector.shape_cast %parallel_loop3A_252 : vector<1x16xf32> to vector<16xf32>
      %parallel_loop3A_254 = arith.constant 45.2548332 : f32
      %parallel_loop3A_255 = vector.broadcast %parallel_loop3A_254 : f32 to vector<16xf32>
      %parallel_loop3A_256 = arith.mulf %parallel_loop3A_253, %parallel_loop3A_255 : vector<16xf32>
      %parallel_loop3A_257 = arith.constant 5 : i32
      %parallel_loop3A_258 = arith.index_cast %parallel_loop3A_257 : i32 to index
      %parallel_loop3A_259 = arith.index_cast %parallel_loop3A_248 : i32 to index
      %parallel_loop3A_260 = tpu.vector_load %arg9[%parallel_loop3A_258, %parallel_loop3A_259] {strides = array<i32>} : memref<8x2048xf32, #tpu.memory_space<vmem>>, vector<1x16xf32>,
      %parallel_loop3A_261 = vector.shape_cast %parallel_loop3A_260 : vector<1x16xf32> to vector<16xf32>
      %parallel_loop3A_262 = vector.shape_cast %parallel_loop3A_256 : vector<16xf32> to vector<1x16xf32>
      tpu.vector_store %arg9[%parallel_loop3A_258, %parallel_loop3A_259], %parallel_loop3A_262 {strides = array<i32>} : memref<8x2048xf32, #tpu.memory_space<vmem>>, vector<1x16xf32>,
    } {sc.loop_unroll_factor = 8 : i64, sc.parallel_access}
    %parallel_loop3A_110 = arith.constant 0 : i32
    %parallel_loop3A_111 = arith.constant 2048 : i32
    %parallel_loop3A_112 = arith.constant 16 : i32
    scf.for %parallel_loop3A_248 = %parallel_loop3A_110 to %parallel_loop3A_111 step %parallel_loop3A_112  : i32 {
      %parallel_loop3A_249 = arith.constant 6 : i32
      %parallel_loop3A_250 = arith.index_cast %parallel_loop3A_249 : i32 to index
      %parallel_loop3A_251 = arith.index_cast %parallel_loop3A_248 : i32 to index
      %parallel_loop3A_252 = tpu.vector_load %arg7[%parallel_loop3A_250, %parallel_loop3A_251] {strides = array<i32>} : memref<8x2048xf32, #tpu.memory_space<vmem>>, vector<1x16xf32>,
      %parallel_loop3A_253 = vector.shape_cast %parallel_loop3A_252 : vector<1x16xf32> to vector<16xf32>
      %parallel_loop3A_254 = arith.constant 45.2548332 : f32
      %parallel_loop3A_255 = vector.broadcast %parallel_loop3A_254 : f32 to vector<16xf32>
      %parallel_loop3A_256 = arith.mulf %parallel_loop3A_253, %parallel_loop3A_255 : vector<16xf32>
      %parallel_loop3A_257 = arith.constant 6 : i32
      %parallel_loop3A_258 = arith.index_cast %parallel_loop3A_257 : i32 to index
      %parallel_loop3A_259 = arith.index_cast %parallel_loop3A_248 : i32 to index
      %parallel_loop3A_260 = tpu.vector_load %arg9[%parallel_loop3A_258, %parallel_loop3A_259] {strides = array<i32>} : memref<8x2048xf32, #tpu.memory_space<vmem>>, vector<1x16xf32>,
      %parallel_loop3A_261 = vector.shape_cast %parallel_loop3A_260 : vector<1x16xf32> to vector<16xf32>
      %parallel_loop3A_262 = vector.shape_cast %parallel_loop3A_256 : vector<16xf32> to vector<1x16xf32>
      tpu.vector_store %arg9[%parallel_loop3A_258, %parallel_loop3A_259], %parallel_loop3A_262 {strides = array<i32>} : memref<8x2048xf32, #tpu.memory_space<vmem>>, vector<1x16xf32>,
    } {sc.loop_unroll_factor = 8 : i64, sc.parallel_access}
    %parallel_loop3A_113 = arith.constant 0 : i32
    %parallel_loop3A_114 = arith.constant 2048 : i32
    %parallel_loop3A_115 = arith.constant 16 : i32
    scf.for %parallel_loop3A_248 = %parallel_loop3A_113 to %parallel_loop3A_114 step %parallel_loop3A_115  : i32 {
      %parallel_loop3A_249 = arith.constant 7 : i32
      %parallel_loop3A_250 = arith.index_cast %parallel_loop3A_249 : i32 to index
      %parallel_loop3A_251 = arith.index_cast %parallel_loop3A_248 : i32 to index
      %parallel_loop3A_252 = tpu.vector_load %arg7[%parallel_loop3A_250, %parallel_loop3A_251] {strides = array<i32>} : memref<8x2048xf32, #tpu.memory_space<vmem>>, vector<1x16xf32>,
      %parallel_loop3A_253 = vector.shape_cast %parallel_loop3A_252 : vector<1x16xf32> to vector<16xf32>
      %parallel_loop3A_254 = arith.constant 45.2548332 : f32
      %parallel_loop3A_255 = vector.broadcast %parallel_loop3A_254 : f32 to vector<16xf32>
      %parallel_loop3A_256 = arith.mulf %parallel_loop3A_253, %parallel_loop3A_255 : vector<16xf32>
      %parallel_loop3A_257 = arith.constant 7 : i32
      %parallel_loop3A_258 = arith.index_cast %parallel_loop3A_257 : i32 to index
      %parallel_loop3A_259 = arith.index_cast %parallel_loop3A_248 : i32 to index
      %parallel_loop3A_260 = tpu.vector_load %arg9[%parallel_loop3A_258, %parallel_loop3A_259] {strides = array<i32>} : memref<8x2048xf32, #tpu.memory_space<vmem>>, vector<1x16xf32>,
      %parallel_loop3A_261 = vector.shape_cast %parallel_loop3A_260 : vector<1x16xf32> to vector<16xf32>
      %parallel_loop3A_262 = vector.shape_cast %parallel_loop3A_256 : vector<16xf32> to vector<1x16xf32>
      tpu.vector_store %arg9[%parallel_loop3A_258, %parallel_loop3A_259], %parallel_loop3A_262 {strides = array<i32>} : memref<8x2048xf32, #tpu.memory_space<vmem>>, vector<1x16xf32>,
    } {sc.loop_unroll_factor = 8 : i64, sc.parallel_access}
    %multiple_of3A_116 = arith.constant 8 : i32
    %multiple_of3A_117 = tpu.assume_multiple %multiple_of3A_116, 8 : i32
    %add3A_118 = arith.addi %mul3A_34, %multiple_of3A_117 : i32
    %dma_start3A_119 = arith.constant 0 : i32
    %dma_start3A_120 = tpu.memref_slice %arg4[%select_n3A, %add3A_118, %dma_start3A_119] : memref<4x4096x2048xf32, #tpu.memory_space<hbm>> -> memref<1x8x2048xf32, #tpu.memory_space<hbm>>
    %dma_start3A_121 = tpu.memref_squeeze %dma_start3A_120 : memref<1x8x2048xf32, #tpu.memory_space<hbm>> -> memref<8x2048xf32, #tpu.memory_space<hbm>>
    %dma_start3A_122 = arith.constant 0 : i32
    %dma_start3A_123 = tpu.memref_slice %arg4[%select_n3A, %add3A_118, %dma_start3A_122] : memref<4x4096x2048xf32, #tpu.memory_space<hbm>> -> memref<1x8x2048xf32, #tpu.memory_space<hbm>>
    %dma_start3A_124 = tpu.memref_squeeze %dma_start3A_123 : memref<1x8x2048xf32, #tpu.memory_space<hbm>> -> memref<8x2048xf32, #tpu.memory_space<hbm>>
    tpu.enqueue_dma source(%arg9 : memref<8x2048xf32, #tpu.memory_space<vmem>>) target(%dma_start3A_124 : memref<8x2048xf32, #tpu.memory_space<hbm>>) target_semaphore(%arg13 : memref<!tpu.dma_semaphore, #tpu.memory_space<semaphore_mem>>)
    %multiple_of3A_125 = arith.constant 24 : i32
    %multiple_of3A_126 = tpu.assume_multiple %multiple_of3A_125, 8 : i32
    %dma_start3A_127 = tpu.memref_slice %arg5[%multiple_of3A_126] : memref<512xi32, #tpu.memory_space<vmem>> -> memref<8xi32, #tpu.memory_space<vmem>>
    %dma_start3A_128 = arith.constant 0 : i32
    %dma_start3A_129 = arith.constant 0 : i32
    %dma_start3A_130 = tpu.memref_slice %arg2[%dma_start3A_128, %dma_start3A_129] : memref<100000x2048xf32, #tpu.memory_space<hbm>> -> memref<100000x2048xf32, #tpu.memory_space<hbm>>
    tpu.enqueue_indirect_dma source(%dma_start3A_130 : memref<100000x2048xf32, #tpu.memory_space<hbm>>) target(%arg7 : memref<8x2048xf32, #tpu.memory_space<vmem>>) offsets(%dma_start3A_127 : memref<8xi32, #tpu.memory_space<vmem>>) semaphore(%arg11 : memref<!tpu.dma_semaphore, #tpu.memory_space<semaphore_mem>>)
    %scan3A = arith.constant 0 : i32
    %scan3A_131 = arith.constant 1 : i32
    %scan3A_132 = arith.constant 30 : i32
    %scan3A_133 = arith.addi %scan3A_131, %scan3A_132 : i32
    %scan3A_134 = arith.constant 1 : i32
    scf.for %scan3A_248 = %scan3A_131 to %scan3A_133 step %scan3A_134  : i32 {
      %mul3A_249 = arith.constant 2 : i32
      %mul3A_250 = arith.muli %mul3A_249, %scan3A_248 : i32
      %add3A_251 = arith.constant 0 : i32
      %add3A_252 = arith.addi %mul3A_250, %add3A_251 : i32
      %dma_wait3A_253 = arith.constant 0 : i32
      %dma_wait3A_254 = tpu.memref_slice %arg5[%dma_wait3A_253] : memref<512xi32, #tpu.memory_space<vmem>> -> memref<8xi32, #tpu.memory_space<vmem>>
      %dma_wait3A_255 = arith.constant 0 : i32
      %dma_wait3A_256 = arith.constant 0 : i32
      %dma_wait3A_257 = tpu.memref_slice %arg2[%dma_wait3A_255, %dma_wait3A_256] : memref<100000x2048xf32, #tpu.memory_space<hbm>> -> memref<100000x2048xf32, #tpu.memory_space<hbm>>
      tpu.wait_indirect_dma semaphore(%arg10 : memref<!tpu.dma_semaphore, #tpu.memory_space<semaphore_mem>>) src(%dma_wait3A_257 : memref<100000x2048xf32, #tpu.memory_space<hbm>>) dst(%arg6 : memref<8x2048xf32, #tpu.memory_space<vmem>>)
      %dma_wait3A_258 = arith.constant 0 : i32
      %dma_wait3A_259 = arith.constant 0 : i32
      %dma_wait3A_260 = arith.constant 0 : i32
      %dma_wait3A_261 = tpu.memref_slice %arg4[%dma_wait3A_258, %dma_wait3A_259, %dma_wait3A_260] : memref<4x4096x2048xf32, #tpu.memory_space<hbm>> -> memref<1x8x2048xf32, #tpu.memory_space<hbm>>
      %dma_wait3A_262 = tpu.memref_squeeze %dma_wait3A_261 : memref<1x8x2048xf32, #tpu.memory_space<hbm>> -> memref<8x2048xf32, #tpu.memory_space<hbm>>
      %dma_wait3A_263 = arith.constant 0 : i32
      %dma_wait3A_264 = arith.constant 0 : i32
      %dma_wait3A_265 = tpu.memref_slice %arg4[%dma_wait3A_258, %dma_wait3A_263, %dma_wait3A_264] : memref<4x4096x2048xf32, #tpu.memory_space<hbm>> -> memref<1x8x2048xf32, #tpu.memory_space<hbm>>
      %dma_wait3A_266 = tpu.memref_squeeze %dma_wait3A_265 : memref<1x8x2048xf32, #tpu.memory_space<hbm>> -> memref<8x2048xf32, #tpu.memory_space<hbm>>
      tpu.wait_dma2 semaphore(%arg12 : memref<!tpu.dma_semaphore, #tpu.memory_space<semaphore_mem>>) src(%arg8 : memref<8x2048xf32, #tpu.memory_space<vmem>>) dst(%dma_wait3A_266 : memref<8x2048xf32, #tpu.memory_space<hbm>>)
      %parallel_loop3A_267 = arith.constant 0 : i32
      %parallel_loop3A_268 = arith.constant 2048 : i32
      %parallel_loop3A_269 = arith.constant 16 : i32
      scf.for %parallel_loop3A_371 = %parallel_loop3A_267 to %parallel_loop3A_268 step %parallel_loop3A_269  : i32 {
        %parallel_loop3A_372 = arith.constant 0 : i32
        %parallel_loop3A_373 = arith.index_cast %parallel_loop3A_372 : i32 to index
        %parallel_loop3A_374 = arith.index_cast %parallel_loop3A_371 : i32 to index
        %parallel_loop3A_375 = tpu.vector_load %arg6[%parallel_loop3A_373, %parallel_loop3A_374] {strides = array<i32>} : memref<8x2048xf32, #tpu.memory_space<vmem>>, vector<1x16xf32>,
        %parallel_loop3A_376 = vector.shape_cast %parallel_loop3A_375 : vector<1x16xf32> to vector<16xf32>
        %parallel_loop3A_377 = arith.constant 45.2548332 : f32
        %parallel_loop3A_378 = vector.broadcast %parallel_loop3A_377 : f32 to vector<16xf32>
        %parallel_loop3A_379 = arith.mulf %parallel_loop3A_376, %parallel_loop3A_378 : vector<16xf32>
        %parallel_loop3A_380 = arith.constant 0 : i32
        %parallel_loop3A_381 = arith.index_cast %parallel_loop3A_380 : i32 to index
        %parallel_loop3A_382 = arith.index_cast %parallel_loop3A_371 : i32 to index
        %parallel_loop3A_383 = tpu.vector_load %arg8[%parallel_loop3A_381, %parallel_loop3A_382] {strides = array<i32>} : memref<8x2048xf32, #tpu.memory_space<vmem>>, vector<1x16xf32>,
        %parallel_loop3A_384 = vector.shape_cast %parallel_loop3A_383 : vector<1x16xf32> to vector<16xf32>
        %parallel_loop3A_385 = vector.shape_cast %parallel_loop3A_379 : vector<16xf32> to vector<1x16xf32>
        tpu.vector_store %arg8[%parallel_loop3A_381, %parallel_loop3A_382], %parallel_loop3A_385 {strides = array<i32>} : memref<8x2048xf32, #tpu.memory_space<vmem>>, vector<1x16xf32>,
      } {sc.loop_unroll_factor = 8 : i64, sc.parallel_access}
      %parallel_loop3A_270 = arith.constant 0 : i32
      %parallel_loop3A_271 = arith.constant 2048 : i32
      %parallel_loop3A_272 = arith.constant 16 : i32
      scf.for %parallel_loop3A_371 = %parallel_loop3A_270 to %parallel_loop3A_271 step %parallel_loop3A_272  : i32 {
        %parallel_loop3A_372 = arith.constant 1 : i32
        %parallel_loop3A_373 = arith.index_cast %parallel_loop3A_372 : i32 to index
        %parallel_loop3A_374 = arith.index_cast %parallel_loop3A_371 : i32 to index
        %parallel_loop3A_375 = tpu.vector_load %arg6[%parallel_loop3A_373, %parallel_loop3A_374] {strides = array<i32>} : memref<8x2048xf32, #tpu.memory_space<vmem>>, vector<1x16xf32>,
        %parallel_loop3A_376 = vector.shape_cast %parallel_loop3A_375 : vector<1x16xf32> to vector<16xf32>
        %parallel_loop3A_377 = arith.constant 45.2548332 : f32
        %parallel_loop3A_378 = vector.broadcast %parallel_loop3A_377 : f32 to vector<16xf32>
        %parallel_loop3A_379 = arith.mulf %parallel_loop3A_376, %parallel_loop3A_378 : vector<16xf32>
        %parallel_loop3A_380 = arith.constant 1 : i32
        %parallel_loop3A_381 = arith.index_cast %parallel_loop3A_380 : i32 to index
        %parallel_loop3A_382 = arith.index_cast %parallel_loop3A_371 : i32 to index
        %parallel_loop3A_383 = tpu.vector_load %arg8[%parallel_loop3A_381, %parallel_loop3A_382] {strides = array<i32>} : memref<8x2048xf32, #tpu.memory_space<vmem>>, vector<1x16xf32>,
        %parallel_loop3A_384 = vector.shape_cast %parallel_loop3A_383 : vector<1x16xf32> to vector<16xf32>
        %parallel_loop3A_385 = vector.shape_cast %parallel_loop3A_379 : vector<16xf32> to vector<1x16xf32>
        tpu.vector_store %arg8[%parallel_loop3A_381, %parallel_loop3A_382], %parallel_loop3A_385 {strides = array<i32>} : memref<8x2048xf32, #tpu.memory_space<vmem>>, vector<1x16xf32>,
      } {sc.loop_unroll_factor = 8 : i64, sc.parallel_access}
      %parallel_loop3A_273 = arith.constant 0 : i32
      %parallel_loop3A_274 = arith.constant 2048 : i32
      %parallel_loop3A_275 = arith.constant 16 : i32
      scf.for %parallel_loop3A_371 = %parallel_loop3A_273 to %parallel_loop3A_274 step %parallel_loop3A_275  : i32 {
        %parallel_loop3A_372 = arith.constant 2 : i32
        %parallel_loop3A_373 = arith.index_cast %parallel_loop3A_372 : i32 to index
        %parallel_loop3A_374 = arith.index_cast %parallel_loop3A_371 : i32 to index
        %parallel_loop3A_375 = tpu.vector_load %arg6[%parallel_loop3A_373, %parallel_loop3A_374] {strides = array<i32>} : memref<8x2048xf32, #tpu.memory_space<vmem>>, vector<1x16xf32>,
        %parallel_loop3A_376 = vector.shape_cast %parallel_loop3A_375 : vector<1x16xf32> to vector<16xf32>
        %parallel_loop3A_377 = arith.constant 45.2548332 : f32
        %parallel_loop3A_378 = vector.broadcast %parallel_loop3A_377 : f32 to vector<16xf32>
        %parallel_loop3A_379 = arith.mulf %parallel_loop3A_376, %parallel_loop3A_378 : vector<16xf32>
        %parallel_loop3A_380 = arith.constant 2 : i32
        %parallel_loop3A_381 = arith.index_cast %parallel_loop3A_380 : i32 to index
        %parallel_loop3A_382 = arith.index_cast %parallel_loop3A_371 : i32 to index
        %parallel_loop3A_383 = tpu.vector_load %arg8[%parallel_loop3A_381, %parallel_loop3A_382] {strides = array<i32>} : memref<8x2048xf32, #tpu.memory_space<vmem>>, vector<1x16xf32>,
        %parallel_loop3A_384 = vector.shape_cast %parallel_loop3A_383 : vector<1x16xf32> to vector<16xf32>
        %parallel_loop3A_385 = vector.shape_cast %parallel_loop3A_379 : vector<16xf32> to vector<1x16xf32>
        tpu.vector_store %arg8[%parallel_loop3A_381, %parallel_loop3A_382], %parallel_loop3A_385 {strides = array<i32>} : memref<8x2048xf32, #tpu.memory_space<vmem>>, vector<1x16xf32>,
      } {sc.loop_unroll_factor = 8 : i64, sc.parallel_access}
      %parallel_loop3A_276 = arith.constant 0 : i32
      %parallel_loop3A_277 = arith.constant 2048 : i32
      %parallel_loop3A_278 = arith.constant 16 : i32
      scf.for %parallel_loop3A_371 = %parallel_loop3A_276 to %parallel_loop3A_277 step %parallel_loop3A_278  : i32 {
        %parallel_loop3A_372 = arith.constant 3 : i32
        %parallel_loop3A_373 = arith.index_cast %parallel_loop3A_372 : i32 to index
        %parallel_loop3A_374 = arith.index_cast %parallel_loop3A_371 : i32 to index
        %parallel_loop3A_375 = tpu.vector_load %arg6[%parallel_loop3A_373, %parallel_loop3A_374] {strides = array<i32>} : memref<8x2048xf32, #tpu.memory_space<vmem>>, vector<1x16xf32>,
        %parallel_loop3A_376 = vector.shape_cast %parallel_loop3A_375 : vector<1x16xf32> to vector<16xf32>
        %parallel_loop3A_377 = arith.constant 45.2548332 : f32
        %parallel_loop3A_378 = vector.broadcast %parallel_loop3A_377 : f32 to vector<16xf32>
        %parallel_loop3A_379 = arith.mulf %parallel_loop3A_376, %parallel_loop3A_378 : vector<16xf32>
        %parallel_loop3A_380 = arith.constant 3 : i32
        %parallel_loop3A_381 = arith.index_cast %parallel_loop3A_380 : i32 to index
        %parallel_loop3A_382 = arith.index_cast %parallel_loop3A_371 : i32 to index
        %parallel_loop3A_383 = tpu.vector_load %arg8[%parallel_loop3A_381, %parallel_loop3A_382] {strides = array<i32>} : memref<8x2048xf32, #tpu.memory_space<vmem>>, vector<1x16xf32>,
        %parallel_loop3A_384 = vector.shape_cast %parallel_loop3A_383 : vector<1x16xf32> to vector<16xf32>
        %parallel_loop3A_385 = vector.shape_cast %parallel_loop3A_379 : vector<16xf32> to vector<1x16xf32>
        tpu.vector_store %arg8[%parallel_loop3A_381, %parallel_loop3A_382], %parallel_loop3A_385 {strides = array<i32>} : memref<8x2048xf32, #tpu.memory_space<vmem>>, vector<1x16xf32>,
      } {sc.loop_unroll_factor = 8 : i64, sc.parallel_access}
      %parallel_loop3A_279 = arith.constant 0 : i32
      %parallel_loop3A_280 = arith.constant 2048 : i32
      %parallel_loop3A_281 = arith.constant 16 : i32
      scf.for %parallel_loop3A_371 = %parallel_loop3A_279 to %parallel_loop3A_280 step %parallel_loop3A_281  : i32 {
        %parallel_loop3A_372 = arith.constant 4 : i32
        %parallel_loop3A_373 = arith.index_cast %parallel_loop3A_372 : i32 to index
        %parallel_loop3A_374 = arith.index_cast %parallel_loop3A_371 : i32 to index
        %parallel_loop3A_375 = tpu.vector_load %arg6[%parallel_loop3A_373, %parallel_loop3A_374] {strides = array<i32>} : memref<8x2048xf32, #tpu.memory_space<vmem>>, vector<1x16xf32>,
        %parallel_loop3A_376 = vector.shape_cast %parallel_loop3A_375 : vector<1x16xf32> to vector<16xf32>
        %parallel_loop3A_377 = arith.constant 45.2548332 : f32
        %parallel_loop3A_378 = vector.broadcast %parallel_loop3A_377 : f32 to vector<16xf32>
        %parallel_loop3A_379 = arith.mulf %parallel_loop3A_376, %parallel_loop3A_378 : vector<16xf32>
        %parallel_loop3A_380 = arith.constant 4 : i32
        %parallel_loop3A_381 = arith.index_cast %parallel_loop3A_380 : i32 to index
        %parallel_loop3A_382 = arith.index_cast %parallel_loop3A_371 : i32 to index
        %parallel_loop3A_383 = tpu.vector_load %arg8[%parallel_loop3A_381, %parallel_loop3A_382] {strides = array<i32>} : memref<8x2048xf32, #tpu.memory_space<vmem>>, vector<1x16xf32>,
        %parallel_loop3A_384 = vector.shape_cast %parallel_loop3A_383 : vector<1x16xf32> to vector<16xf32>
        %parallel_loop3A_385 = vector.shape_cast %parallel_loop3A_379 : vector<16xf32> to vector<1x16xf32>
        tpu.vector_store %arg8[%parallel_loop3A_381, %parallel_loop3A_382], %parallel_loop3A_385 {strides = array<i32>} : memref<8x2048xf32, #tpu.memory_space<vmem>>, vector<1x16xf32>,
      } {sc.loop_unroll_factor = 8 : i64, sc.parallel_access}
      %parallel_loop3A_282 = arith.constant 0 : i32
      %parallel_loop3A_283 = arith.constant 2048 : i32
      %parallel_loop3A_284 = arith.constant 16 : i32
      scf.for %parallel_loop3A_371 = %parallel_loop3A_282 to %parallel_loop3A_283 step %parallel_loop3A_284  : i32 {
        %parallel_loop3A_372 = arith.constant 5 : i32
        %parallel_loop3A_373 = arith.index_cast %parallel_loop3A_372 : i32 to index
        %parallel_loop3A_374 = arith.index_cast %parallel_loop3A_371 : i32 to index
        %parallel_loop3A_375 = tpu.vector_load %arg6[%parallel_loop3A_373, %parallel_loop3A_374] {strides = array<i32>} : memref<8x2048xf32, #tpu.memory_space<vmem>>, vector<1x16xf32>,
        %parallel_loop3A_376 = vector.shape_cast %parallel_loop3A_375 : vector<1x16xf32> to vector<16xf32>
        %parallel_loop3A_377 = arith.constant 45.2548332 : f32
        %parallel_loop3A_378 = vector.broadcast %parallel_loop3A_377 : f32 to vector<16xf32>
        %parallel_loop3A_379 = arith.mulf %parallel_loop3A_376, %parallel_loop3A_378 : vector<16xf32>
        %parallel_loop3A_380 = arith.constant 5 : i32
        %parallel_loop3A_381 = arith.index_cast %parallel_loop3A_380 : i32 to index
        %parallel_loop3A_382 = arith.index_cast %parallel_loop3A_371 : i32 to index
        %parallel_loop3A_383 = tpu.vector_load %arg8[%parallel_loop3A_381, %parallel_loop3A_382] {strides = array<i32>} : memref<8x2048xf32, #tpu.memory_space<vmem>>, vector<1x16xf32>,
        %parallel_loop3A_384 = vector.shape_cast %parallel_loop3A_383 : vector<1x16xf32> to vector<16xf32>
        %parallel_loop3A_385 = vector.shape_cast %parallel_loop3A_379 : vector<16xf32> to vector<1x16xf32>
        tpu.vector_store %arg8[%parallel_loop3A_381, %parallel_loop3A_382], %parallel_loop3A_385 {strides = array<i32>} : memref<8x2048xf32, #tpu.memory_space<vmem>>, vector<1x16xf32>,
      } {sc.loop_unroll_factor = 8 : i64, sc.parallel_access}
      %parallel_loop3A_285 = arith.constant 0 : i32
      %parallel_loop3A_286 = arith.constant 2048 : i32
      %parallel_loop3A_287 = arith.constant 16 : i32
      scf.for %parallel_loop3A_371 = %parallel_loop3A_285 to %parallel_loop3A_286 step %parallel_loop3A_287  : i32 {
        %parallel_loop3A_372 = arith.constant 6 : i32
        %parallel_loop3A_373 = arith.index_cast %parallel_loop3A_372 : i32 to index
        %parallel_loop3A_374 = arith.index_cast %parallel_loop3A_371 : i32 to index
        %parallel_loop3A_375 = tpu.vector_load %arg6[%parallel_loop3A_373, %parallel_loop3A_374] {strides = array<i32>} : memref<8x2048xf32, #tpu.memory_space<vmem>>, vector<1x16xf32>,
        %parallel_loop3A_376 = vector.shape_cast %parallel_loop3A_375 : vector<1x16xf32> to vector<16xf32>
        %parallel_loop3A_377 = arith.constant 45.2548332 : f32
        %parallel_loop3A_378 = vector.broadcast %parallel_loop3A_377 : f32 to vector<16xf32>
        %parallel_loop3A_379 = arith.mulf %parallel_loop3A_376, %parallel_loop3A_378 : vector<16xf32>
        %parallel_loop3A_380 = arith.constant 6 : i32
        %parallel_loop3A_381 = arith.index_cast %parallel_loop3A_380 : i32 to index
        %parallel_loop3A_382 = arith.index_cast %parallel_loop3A_371 : i32 to index
        %parallel_loop3A_383 = tpu.vector_load %arg8[%parallel_loop3A_381, %parallel_loop3A_382] {strides = array<i32>} : memref<8x2048xf32, #tpu.memory_space<vmem>>, vector<1x16xf32>,
        %parallel_loop3A_384 = vector.shape_cast %parallel_loop3A_383 : vector<1x16xf32> to vector<16xf32>
        %parallel_loop3A_385 = vector.shape_cast %parallel_loop3A_379 : vector<16xf32> to vector<1x16xf32>
        tpu.vector_store %arg8[%parallel_loop3A_381, %parallel_loop3A_382], %parallel_loop3A_385 {strides = array<i32>} : memref<8x2048xf32, #tpu.memory_space<vmem>>, vector<1x16xf32>,
      } {sc.loop_unroll_factor = 8 : i64, sc.parallel_access}
      %parallel_loop3A_288 = arith.constant 0 : i32
      %parallel_loop3A_289 = arith.constant 2048 : i32
      %parallel_loop3A_290 = arith.constant 16 : i32
      scf.for %parallel_loop3A_371 = %parallel_loop3A_288 to %parallel_loop3A_289 step %parallel_loop3A_290  : i32 {
        %parallel_loop3A_372 = arith.constant 7 : i32
        %parallel_loop3A_373 = arith.index_cast %parallel_loop3A_372 : i32 to index
        %parallel_loop3A_374 = arith.index_cast %parallel_loop3A_371 : i32 to index
        %parallel_loop3A_375 = tpu.vector_load %arg6[%parallel_loop3A_373, %parallel_loop3A_374] {strides = array<i32>} : memref<8x2048xf32, #tpu.memory_space<vmem>>, vector<1x16xf32>,
        %parallel_loop3A_376 = vector.shape_cast %parallel_loop3A_375 : vector<1x16xf32> to vector<16xf32>
        %parallel_loop3A_377 = arith.constant 45.2548332 : f32
        %parallel_loop3A_378 = vector.broadcast %parallel_loop3A_377 : f32 to vector<16xf32>
        %parallel_loop3A_379 = arith.mulf %parallel_loop3A_376, %parallel_loop3A_378 : vector<16xf32>
        %parallel_loop3A_380 = arith.constant 7 : i32
        %parallel_loop3A_381 = arith.index_cast %parallel_loop3A_380 : i32 to index
        %parallel_loop3A_382 = arith.index_cast %parallel_loop3A_371 : i32 to index
        %parallel_loop3A_383 = tpu.vector_load %arg8[%parallel_loop3A_381, %parallel_loop3A_382] {strides = array<i32>} : memref<8x2048xf32, #tpu.memory_space<vmem>>, vector<1x16xf32>,
        %parallel_loop3A_384 = vector.shape_cast %parallel_loop3A_383 : vector<1x16xf32> to vector<16xf32>
        %parallel_loop3A_385 = vector.shape_cast %parallel_loop3A_379 : vector<16xf32> to vector<1x16xf32>
        tpu.vector_store %arg8[%parallel_loop3A_381, %parallel_loop3A_382], %parallel_loop3A_385 {strides = array<i32>} : memref<8x2048xf32, #tpu.memory_space<vmem>>, vector<1x16xf32>,
      } {sc.loop_unroll_factor = 8 : i64, sc.parallel_access}
      %mul3A_291 = arith.constant 8 : i32
      %mul3A_292 = arith.muli %add3A_252, %mul3A_291 : i32
      %multiple_of3A_293 = tpu.assume_multiple %mul3A_292, 8 : i32
      %add3A_294 = arith.addi %mul3A_34, %multiple_of3A_293 : i32
      %dma_start3A_295 = arith.constant 0 : i32
      %dma_start3A_296 = tpu.memref_slice %arg4[%select_n3A, %add3A_294, %dma_start3A_295] : memref<4x4096x2048xf32, #tpu.memory_space<hbm>> -> memref<1x8x2048xf32, #tpu.memory_space<hbm>>
      %dma_start3A_297 = tpu.memref_squeeze %dma_start3A_296 : memref<1x8x2048xf32, #tpu.memory_space<hbm>> -> memref<8x2048xf32, #tpu.memory_space<hbm>>
      %dma_start3A_298 = arith.constant 0 : i32
      %dma_start3A_299 = tpu.memref_slice %arg4[%select_n3A, %add3A_294, %dma_start3A_298] : memref<4x4096x2048xf32, #tpu.memory_space<hbm>> -> memref<1x8x2048xf32, #tpu.memory_space<hbm>>
      %dma_start3A_300 = tpu.memref_squeeze %dma_start3A_299 : memref<1x8x2048xf32, #tpu.memory_space<hbm>> -> memref<8x2048xf32, #tpu.memory_space<hbm>>
      tpu.enqueue_dma source(%arg8 : memref<8x2048xf32, #tpu.memory_space<vmem>>) target(%dma_start3A_300 : memref<8x2048xf32, #tpu.memory_space<hbm>>) target_semaphore(%arg12 : memref<!tpu.dma_semaphore, #tpu.memory_space<semaphore_mem>>)
      %add3A_301 = arith.constant 2 : i32
      %add3A_302 = arith.addi %add3A_252, %add3A_301 : i32
      %mul3A_303 = arith.constant 8 : i32
      %mul3A_304 = arith.muli %add3A_302, %mul3A_303 : i32
      %multiple_of3A_305 = tpu.assume_multiple %mul3A_304, 8 : i32
      %dma_start3A_306 = tpu.memref_slice %arg5[%multiple_of3A_305] : memref<512xi32, #tpu.memory_space<vmem>> -> memref<8xi32, #tpu.memory_space<vmem>>
      %dma_start3A_307 = arith.constant 0 : i32
      %dma_start3A_308 = arith.constant 0 : i32
      %dma_start3A_309 = tpu.memref_slice %arg2[%dma_start3A_307, %dma_start3A_308] : memref<100000x2048xf32, #tpu.memory_space<hbm>> -> memref<100000x2048xf32, #tpu.memory_space<hbm>>
      tpu.enqueue_indirect_dma source(%dma_start3A_309 : memref<100000x2048xf32, #tpu.memory_space<hbm>>) target(%arg6 : memref<8x2048xf32, #tpu.memory_space<vmem>>) offsets(%dma_start3A_306 : memref<8xi32, #tpu.memory_space<vmem>>) semaphore(%arg10 : memref<!tpu.dma_semaphore, #tpu.memory_space<semaphore_mem>>)
      %mul3A_310 = arith.constant 2 : i32
      %mul3A_311 = arith.muli %mul3A_310, %scan3A_248 : i32
      %add3A_312 = arith.constant 1 : i32
      %add3A_313 = arith.addi %mul3A_311, %add3A_312 : i32
      %dma_wait3A_314 = arith.constant 0 : i32
      %dma_wait3A_315 = tpu.memref_slice %arg5[%dma_wait3A_314] : memref<512xi32, #tpu.memory_space<vmem>> -> memref<8xi32, #tpu.memory_space<vmem>>
      %dma_wait3A_316 = arith.constant 0 : i32
      %dma_wait3A_317 = arith.constant 0 : i32
      %dma_wait3A_318 = tpu.memref_slice %arg2[%dma_wait3A_316, %dma_wait3A_317] : memref<100000x2048xf32, #tpu.memory_space<hbm>> -> memref<100000x2048xf32, #tpu.memory_space<hbm>>
      tpu.wait_indirect_dma semaphore(%arg11 : memref<!tpu.dma_semaphore, #tpu.memory_space<semaphore_mem>>) src(%dma_wait3A_318 : memref<100000x2048xf32, #tpu.memory_space<hbm>>) dst(%arg7 : memref<8x2048xf32, #tpu.memory_space<vmem>>)
      %dma_wait3A_319 = arith.constant 0 : i32
      %dma_wait3A_320 = arith.constant 0 : i32
      %dma_wait3A_321 = arith.constant 0 : i32
      %dma_wait3A_322 = tpu.memref_slice %arg4[%dma_wait3A_319, %dma_wait3A_320, %dma_wait3A_321] : memref<4x4096x2048xf32, #tpu.memory_space<hbm>> -> memref<1x8x2048xf32, #tpu.memory_space<hbm>>
      %dma_wait3A_323 = tpu.memref_squeeze %dma_wait3A_322 : memref<1x8x2048xf32, #tpu.memory_space<hbm>> -> memref<8x2048xf32, #tpu.memory_space<hbm>>
      %dma_wait3A_324 = arith.constant 0 : i32
      %dma_wait3A_325 = arith.constant 0 : i32
      %dma_wait3A_326 = tpu.memref_slice %arg4[%dma_wait3A_319, %dma_wait3A_324, %dma_wait3A_325] : memref<4x4096x2048xf32, #tpu.memory_space<hbm>> -> memref<1x8x2048xf32, #tpu.memory_space<hbm>>
      %dma_wait3A_327 = tpu.memref_squeeze %dma_wait3A_326 : memref<1x8x2048xf32, #tpu.memory_space<hbm>> -> memref<8x2048xf32, #tpu.memory_space<hbm>>
      tpu.wait_dma2 semaphore(%arg13 : memref<!tpu.dma_semaphore, #tpu.memory_space<semaphore_mem>>) src(%arg9 : memref<8x2048xf32, #tpu.memory_space<vmem>>) dst(%dma_wait3A_327 : memref<8x2048xf32, #tpu.memory_space<hbm>>)
      %parallel_loop3A_328 = arith.constant 0 : i32
      %parallel_loop3A_329 = arith.constant 2048 : i32
      %parallel_loop3A_330 = arith.constant 16 : i32
      scf.for %parallel_loop3A_371 = %parallel_loop3A_328 to %parallel_loop3A_329 step %parallel_loop3A_330  : i32 {
        %parallel_loop3A_372 = arith.constant 0 : i32
        %parallel_loop3A_373 = arith.index_cast %parallel_loop3A_372 : i32 to index
        %parallel_loop3A_374 = arith.index_cast %parallel_loop3A_371 : i32 to index
        %parallel_loop3A_375 = tpu.vector_load %arg7[%parallel_loop3A_373, %parallel_loop3A_374] {strides = array<i32>} : memref<8x2048xf32, #tpu.memory_space<vmem>>, vector<1x16xf32>,
        %parallel_loop3A_376 = vector.shape_cast %parallel_loop3A_375 : vector<1x16xf32> to vector<16xf32>
        %parallel_loop3A_377 = arith.constant 45.2548332 : f32
        %parallel_loop3A_378 = vector.broadcast %parallel_loop3A_377 : f32 to vector<16xf32>
        %parallel_loop3A_379 = arith.mulf %parallel_loop3A_376, %parallel_loop3A_378 : vector<16xf32>
        %parallel_loop3A_380 = arith.constant 0 : i32
        %parallel_loop3A_381 = arith.index_cast %parallel_loop3A_380 : i32 to index
        %parallel_loop3A_382 = arith.index_cast %parallel_loop3A_371 : i32 to index
        %parallel_loop3A_383 = tpu.vector_load %arg9[%parallel_loop3A_381, %parallel_loop3A_382] {strides = array<i32>} : memref<8x2048xf32, #tpu.memory_space<vmem>>, vector<1x16xf32>,
        %parallel_loop3A_384 = vector.shape_cast %parallel_loop3A_383 : vector<1x16xf32> to vector<16xf32>
        %parallel_loop3A_385 = vector.shape_cast %parallel_loop3A_379 : vector<16xf32> to vector<1x16xf32>
        tpu.vector_store %arg9[%parallel_loop3A_381, %parallel_loop3A_382], %parallel_loop3A_385 {strides = array<i32>} : memref<8x2048xf32, #tpu.memory_space<vmem>>, vector<1x16xf32>,
      } {sc.loop_unroll_factor = 8 : i64, sc.parallel_access}
      %parallel_loop3A_331 = arith.constant 0 : i32
      %parallel_loop3A_332 = arith.constant 2048 : i32
      %parallel_loop3A_333 = arith.constant 16 : i32
      scf.for %parallel_loop3A_371 = %parallel_loop3A_331 to %parallel_loop3A_332 step %parallel_loop3A_333  : i32 {
        %parallel_loop3A_372 = arith.constant 1 : i32
        %parallel_loop3A_373 = arith.index_cast %parallel_loop3A_372 : i32 to index
        %parallel_loop3A_374 = arith.index_cast %parallel_loop3A_371 : i32 to index
        %parallel_loop3A_375 = tpu.vector_load %arg7[%parallel_loop3A_373, %parallel_loop3A_374] {strides = array<i32>} : memref<8x2048xf32, #tpu.memory_space<vmem>>, vector<1x16xf32>,
        %parallel_loop3A_376 = vector.shape_cast %parallel_loop3A_375 : vector<1x16xf32> to vector<16xf32>
        %parallel_loop3A_377 = arith.constant 45.2548332 : f32
        %parallel_loop3A_378 = vector.broadcast %parallel_loop3A_377 : f32 to vector<16xf32>
        %parallel_loop3A_379 = arith.mulf %parallel_loop3A_376, %parallel_loop3A_378 : vector<16xf32>
        %parallel_loop3A_380 = arith.constant 1 : i32
        %parallel_loop3A_381 = arith.index_cast %parallel_loop3A_380 : i32 to index
        %parallel_loop3A_382 = arith.index_cast %parallel_loop3A_371 : i32 to index
        %parallel_loop3A_383 = tpu.vector_load %arg9[%parallel_loop3A_381, %parallel_loop3A_382] {strides = array<i32>} : memref<8x2048xf32, #tpu.memory_space<vmem>>, vector<1x16xf32>,
        %parallel_loop3A_384 = vector.shape_cast %parallel_loop3A_383 : vector<1x16xf32> to vector<16xf32>
        %parallel_loop3A_385 = vector.shape_cast %parallel_loop3A_379 : vector<16xf32> to vector<1x16xf32>
        tpu.vector_store %arg9[%parallel_loop3A_381, %parallel_loop3A_382], %parallel_loop3A_385 {strides = array<i32>} : memref<8x2048xf32, #tpu.memory_space<vmem>>, vector<1x16xf32>,
      } {sc.loop_unroll_factor = 8 : i64, sc.parallel_access}
      %parallel_loop3A_334 = arith.constant 0 : i32
      %parallel_loop3A_335 = arith.constant 2048 : i32
      %parallel_loop3A_336 = arith.constant 16 : i32
      scf.for %parallel_loop3A_371 = %parallel_loop3A_334 to %parallel_loop3A_335 step %parallel_loop3A_336  : i32 {
        %parallel_loop3A_372 = arith.constant 2 : i32
        %parallel_loop3A_373 = arith.index_cast %parallel_loop3A_372 : i32 to index
        %parallel_loop3A_374 = arith.index_cast %parallel_loop3A_371 : i32 to index
        %parallel_loop3A_375 = tpu.vector_load %arg7[%parallel_loop3A_373, %parallel_loop3A_374] {strides = array<i32>} : memref<8x2048xf32, #tpu.memory_space<vmem>>, vector<1x16xf32>,
        %parallel_loop3A_376 = vector.shape_cast %parallel_loop3A_375 : vector<1x16xf32> to vector<16xf32>
        %parallel_loop3A_377 = arith.constant 45.2548332 : f32
        %parallel_loop3A_378 = vector.broadcast %parallel_loop3A_377 : f32 to vector<16xf32>
        %parallel_loop3A_379 = arith.mulf %parallel_loop3A_376, %parallel_loop3A_378 : vector<16xf32>
        %parallel_loop3A_380 = arith.constant 2 : i32
        %parallel_loop3A_381 = arith.index_cast %parallel_loop3A_380 : i32 to index
        %parallel_loop3A_382 = arith.index_cast %parallel_loop3A_371 : i32 to index
        %parallel_loop3A_383 = tpu.vector_load %arg9[%parallel_loop3A_381, %parallel_loop3A_382] {strides = array<i32>} : memref<8x2048xf32, #tpu.memory_space<vmem>>, vector<1x16xf32>,
        %parallel_loop3A_384 = vector.shape_cast %parallel_loop3A_383 : vector<1x16xf32> to vector<16xf32>
        %parallel_loop3A_385 = vector.shape_cast %parallel_loop3A_379 : vector<16xf32> to vector<1x16xf32>
        tpu.vector_store %arg9[%parallel_loop3A_381, %parallel_loop3A_382], %parallel_loop3A_385 {strides = array<i32>} : memref<8x2048xf32, #tpu.memory_space<vmem>>, vector<1x16xf32>,
      } {sc.loop_unroll_factor = 8 : i64, sc.parallel_access}
      %parallel_loop3A_337 = arith.constant 0 : i32
      %parallel_loop3A_338 = arith.constant 2048 : i32
      %parallel_loop3A_339 = arith.constant 16 : i32
      scf.for %parallel_loop3A_371 = %parallel_loop3A_337 to %parallel_loop3A_338 step %parallel_loop3A_339  : i32 {
        %parallel_loop3A_372 = arith.constant 3 : i32
        %parallel_loop3A_373 = arith.index_cast %parallel_loop3A_372 : i32 to index
        %parallel_loop3A_374 = arith.index_cast %parallel_loop3A_371 : i32 to index
        %parallel_loop3A_375 = tpu.vector_load %arg7[%parallel_loop3A_373, %parallel_loop3A_374] {strides = array<i32>} : memref<8x2048xf32, #tpu.memory_space<vmem>>, vector<1x16xf32>,
        %parallel_loop3A_376 = vector.shape_cast %parallel_loop3A_375 : vector<1x16xf32> to vector<16xf32>
        %parallel_loop3A_377 = arith.constant 45.2548332 : f32
        %parallel_loop3A_378 = vector.broadcast %parallel_loop3A_377 : f32 to vector<16xf32>
        %parallel_loop3A_379 = arith.mulf %parallel_loop3A_376, %parallel_loop3A_378 : vector<16xf32>
        %parallel_loop3A_380 = arith.constant 3 : i32
        %parallel_loop3A_381 = arith.index_cast %parallel_loop3A_380 : i32 to index
        %parallel_loop3A_382 = arith.index_cast %parallel_loop3A_371 : i32 to index
        %parallel_loop3A_383 = tpu.vector_load %arg9[%parallel_loop3A_381, %parallel_loop3A_382] {strides = array<i32>} : memref<8x2048xf32, #tpu.memory_space<vmem>>, vector<1x16xf32>,
        %parallel_loop3A_384 = vector.shape_cast %parallel_loop3A_383 : vector<1x16xf32> to vector<16xf32>
        %parallel_loop3A_385 = vector.shape_cast %parallel_loop3A_379 : vector<16xf32> to vector<1x16xf32>
        tpu.vector_store %arg9[%parallel_loop3A_381, %parallel_loop3A_382], %parallel_loop3A_385 {strides = array<i32>} : memref<8x2048xf32, #tpu.memory_space<vmem>>, vector<1x16xf32>,
      } {sc.loop_unroll_factor = 8 : i64, sc.parallel_access}
      %parallel_loop3A_340 = arith.constant 0 : i32
      %parallel_loop3A_341 = arith.constant 2048 : i32
      %parallel_loop3A_342 = arith.constant 16 : i32
      scf.for %parallel_loop3A_371 = %parallel_loop3A_340 to %parallel_loop3A_341 step %parallel_loop3A_342  : i32 {
        %parallel_loop3A_372 = arith.constant 4 : i32
        %parallel_loop3A_373 = arith.index_cast %parallel_loop3A_372 : i32 to index
        %parallel_loop3A_374 = arith.index_cast %parallel_loop3A_371 : i32 to index
        %parallel_loop3A_375 = tpu.vector_load %arg7[%parallel_loop3A_373, %parallel_loop3A_374] {strides = array<i32>} : memref<8x2048xf32, #tpu.memory_space<vmem>>, vector<1x16xf32>,
        %parallel_loop3A_376 = vector.shape_cast %parallel_loop3A_375 : vector<1x16xf32> to vector<16xf32>
        %parallel_loop3A_377 = arith.constant 45.2548332 : f32
        %parallel_loop3A_378 = vector.broadcast %parallel_loop3A_377 : f32 to vector<16xf32>
        %parallel_loop3A_379 = arith.mulf %parallel_loop3A_376, %parallel_loop3A_378 : vector<16xf32>
        %parallel_loop3A_380 = arith.constant 4 : i32
        %parallel_loop3A_381 = arith.index_cast %parallel_loop3A_380 : i32 to index
        %parallel_loop3A_382 = arith.index_cast %parallel_loop3A_371 : i32 to index
        %parallel_loop3A_383 = tpu.vector_load %arg9[%parallel_loop3A_381, %parallel_loop3A_382] {strides = array<i32>} : memref<8x2048xf32, #tpu.memory_space<vmem>>, vector<1x16xf32>,
        %parallel_loop3A_384 = vector.shape_cast %parallel_loop3A_383 : vector<1x16xf32> to vector<16xf32>
        %parallel_loop3A_385 = vector.shape_cast %parallel_loop3A_379 : vector<16xf32> to vector<1x16xf32>
        tpu.vector_store %arg9[%parallel_loop3A_381, %parallel_loop3A_382], %parallel_loop3A_385 {strides = array<i32>} : memref<8x2048xf32, #tpu.memory_space<vmem>>, vector<1x16xf32>,
      } {sc.loop_unroll_factor = 8 : i64, sc.parallel_access}
      %parallel_loop3A_343 = arith.constant 0 : i32
      %parallel_loop3A_344 = arith.constant 2048 : i32
      %parallel_loop3A_345 = arith.constant 16 : i32
      scf.for %parallel_loop3A_371 = %parallel_loop3A_343 to %parallel_loop3A_344 step %parallel_loop3A_345  : i32 {
        %parallel_loop3A_372 = arith.constant 5 : i32
        %parallel_loop3A_373 = arith.index_cast %parallel_loop3A_372 : i32 to index
        %parallel_loop3A_374 = arith.index_cast %parallel_loop3A_371 : i32 to index
        %parallel_loop3A_375 = tpu.vector_load %arg7[%parallel_loop3A_373, %parallel_loop3A_374] {strides = array<i32>} : memref<8x2048xf32, #tpu.memory_space<vmem>>, vector<1x16xf32>,
        %parallel_loop3A_376 = vector.shape_cast %parallel_loop3A_375 : vector<1x16xf32> to vector<16xf32>
        %parallel_loop3A_377 = arith.constant 45.2548332 : f32
        %parallel_loop3A_378 = vector.broadcast %parallel_loop3A_377 : f32 to vector<16xf32>
        %parallel_loop3A_379 = arith.mulf %parallel_loop3A_376, %parallel_loop3A_378 : vector<16xf32>
        %parallel_loop3A_380 = arith.constant 5 : i32
        %parallel_loop3A_381 = arith.index_cast %parallel_loop3A_380 : i32 to index
        %parallel_loop3A_382 = arith.index_cast %parallel_loop3A_371 : i32 to index
        %parallel_loop3A_383 = tpu.vector_load %arg9[%parallel_loop3A_381, %parallel_loop3A_382] {strides = array<i32>} : memref<8x2048xf32, #tpu.memory_space<vmem>>, vector<1x16xf32>,
        %parallel_loop3A_384 = vector.shape_cast %parallel_loop3A_383 : vector<1x16xf32> to vector<16xf32>
        %parallel_loop3A_385 = vector.shape_cast %parallel_loop3A_379 : vector<16xf32> to vector<1x16xf32>
        tpu.vector_store %arg9[%parallel_loop3A_381, %parallel_loop3A_382], %parallel_loop3A_385 {strides = array<i32>} : memref<8x2048xf32, #tpu.memory_space<vmem>>, vector<1x16xf32>,
      } {sc.loop_unroll_factor = 8 : i64, sc.parallel_access}
      %parallel_loop3A_346 = arith.constant 0 : i32
      %parallel_loop3A_347 = arith.constant 2048 : i32
      %parallel_loop3A_348 = arith.constant 16 : i32
      scf.for %parallel_loop3A_371 = %parallel_loop3A_346 to %parallel_loop3A_347 step %parallel_loop3A_348  : i32 {
        %parallel_loop3A_372 = arith.constant 6 : i32
        %parallel_loop3A_373 = arith.index_cast %parallel_loop3A_372 : i32 to index
        %parallel_loop3A_374 = arith.index_cast %parallel_loop3A_371 : i32 to index
        %parallel_loop3A_375 = tpu.vector_load %arg7[%parallel_loop3A_373, %parallel_loop3A_374] {strides = array<i32>} : memref<8x2048xf32, #tpu.memory_space<vmem>>, vector<1x16xf32>,
        %parallel_loop3A_376 = vector.shape_cast %parallel_loop3A_375 : vector<1x16xf32> to vector<16xf32>
        %parallel_loop3A_377 = arith.constant 45.2548332 : f32
        %parallel_loop3A_378 = vector.broadcast %parallel_loop3A_377 : f32 to vector<16xf32>
        %parallel_loop3A_379 = arith.mulf %parallel_loop3A_376, %parallel_loop3A_378 : vector<16xf32>
        %parallel_loop3A_380 = arith.constant 6 : i32
        %parallel_loop3A_381 = arith.index_cast %parallel_loop3A_380 : i32 to index
        %parallel_loop3A_382 = arith.index_cast %parallel_loop3A_371 : i32 to index
        %parallel_loop3A_383 = tpu.vector_load %arg9[%parallel_loop3A_381, %parallel_loop3A_382] {strides = array<i32>} : memref<8x2048xf32, #tpu.memory_space<vmem>>, vector<1x16xf32>,
        %parallel_loop3A_384 = vector.shape_cast %parallel_loop3A_383 : vector<1x16xf32> to vector<16xf32>
        %parallel_loop3A_385 = vector.shape_cast %parallel_loop3A_379 : vector<16xf32> to vector<1x16xf32>
        tpu.vector_store %arg9[%parallel_loop3A_381, %parallel_loop3A_382], %parallel_loop3A_385 {strides = array<i32>} : memref<8x2048xf32, #tpu.memory_space<vmem>>, vector<1x16xf32>,
      } {sc.loop_unroll_factor = 8 : i64, sc.parallel_access}
      %parallel_loop3A_349 = arith.constant 0 : i32
      %parallel_loop3A_350 = arith.constant 2048 : i32
      %parallel_loop3A_351 = arith.constant 16 : i32
      scf.for %parallel_loop3A_371 = %parallel_loop3A_349 to %parallel_loop3A_350 step %parallel_loop3A_351  : i32 {
        %parallel_loop3A_372 = arith.constant 7 : i32
        %parallel_loop3A_373 = arith.index_cast %parallel_loop3A_372 : i32 to index
        %parallel_loop3A_374 = arith.index_cast %parallel_loop3A_371 : i32 to index
        %parallel_loop3A_375 = tpu.vector_load %arg7[%parallel_loop3A_373, %parallel_loop3A_374] {strides = array<i32>} : memref<8x2048xf32, #tpu.memory_space<vmem>>, vector<1x16xf32>,
        %parallel_loop3A_376 = vector.shape_cast %parallel_loop3A_375 : vector<1x16xf32> to vector<16xf32>
        %parallel_loop3A_377 = arith.constant 45.2548332 : f32
        %parallel_loop3A_378 = vector.broadcast %parallel_loop3A_377 : f32 to vector<16xf32>
        %parallel_loop3A_379 = arith.mulf %parallel_loop3A_376, %parallel_loop3A_378 : vector<16xf32>
        %parallel_loop3A_380 = arith.constant 7 : i32
        %parallel_loop3A_381 = arith.index_cast %parallel_loop3A_380 : i32 to index
        %parallel_loop3A_382 = arith.index_cast %parallel_loop3A_371 : i32 to index
        %parallel_loop3A_383 = tpu.vector_load %arg9[%parallel_loop3A_381, %parallel_loop3A_382] {strides = array<i32>} : memref<8x2048xf32, #tpu.memory_space<vmem>>, vector<1x16xf32>,
        %parallel_loop3A_384 = vector.shape_cast %parallel_loop3A_383 : vector<1x16xf32> to vector<16xf32>
        %parallel_loop3A_385 = vector.shape_cast %parallel_loop3A_379 : vector<16xf32> to vector<1x16xf32>
        tpu.vector_store %arg9[%parallel_loop3A_381, %parallel_loop3A_382], %parallel_loop3A_385 {strides = array<i32>} : memref<8x2048xf32, #tpu.memory_space<vmem>>, vector<1x16xf32>,
      } {sc.loop_unroll_factor = 8 : i64, sc.parallel_access}
      %mul3A_352 = arith.constant 8 : i32
      %mul3A_353 = arith.muli %add3A_313, %mul3A_352 : i32
      %multiple_of3A_354 = tpu.assume_multiple %mul3A_353, 8 : i32
      %add3A_355 = arith.addi %mul3A_34, %multiple_of3A_354 : i32
      %dma_start3A_356 = arith.constant 0 : i32
      %dma_start3A_357 = tpu.memref_slice %arg4[%select_n3A, %add3A_355, %dma_start3A_356] : memref<4x4096x2048xf32, #tpu.memory_space<hbm>> -> memref<1x8x2048xf32, #tpu.memory_space<hbm>>
      %dma_start3A_358 = tpu.memref_squeeze %dma_start3A_357 : memref<1x8x2048xf32, #tpu.memory_space<hbm>> -> memref<8x2048xf32, #tpu.memory_space<hbm>>
      %dma_start3A_359 = arith.constant 0 : i32
      %dma_start3A_360 = tpu.memref_slice %arg4[%select_n3A, %add3A_355, %dma_start3A_359] : memref<4x4096x2048xf32, #tpu.memory_space<hbm>> -> memref<1x8x2048xf32, #tpu.memory_space<hbm>>
      %dma_start3A_361 = tpu.memref_squeeze %dma_start3A_360 : memref<1x8x2048xf32, #tpu.memory_space<hbm>> -> memref<8x2048xf32, #tpu.memory_space<hbm>>
      tpu.enqueue_dma source(%arg9 : memref<8x2048xf32, #tpu.memory_space<vmem>>) target(%dma_start3A_361 : memref<8x2048xf32, #tpu.memory_space<hbm>>) target_semaphore(%arg13 : memref<!tpu.dma_semaphore, #tpu.memory_space<semaphore_mem>>)
      %add3A_362 = arith.constant 2 : i32
      %add3A_363 = arith.addi %add3A_313, %add3A_362 : i32
      %mul3A_364 = arith.constant 8 : i32
      %mul3A_365 = arith.muli %add3A_363, %mul3A_364 : i32
      %multiple_of3A_366 = tpu.assume_multiple %mul3A_365, 8 : i32
      %dma_start3A_367 = tpu.memref_slice %arg5[%multiple_of3A_366] : memref<512xi32, #tpu.memory_space<vmem>> -> memref<8xi32, #tpu.memory_space<vmem>>
      %dma_start3A_368 = arith.constant 0 : i32
      %dma_start3A_369 = arith.constant 0 : i32
      %dma_start3A_370 = tpu.memref_slice %arg2[%dma_start3A_368, %dma_start3A_369] : memref<100000x2048xf32, #tpu.memory_space<hbm>> -> memref<100000x2048xf32, #tpu.memory_space<hbm>>
      tpu.enqueue_indirect_dma source(%dma_start3A_370 : memref<100000x2048xf32, #tpu.memory_space<hbm>>) target(%arg7 : memref<8x2048xf32, #tpu.memory_space<vmem>>) offsets(%dma_start3A_367 : memref<8xi32, #tpu.memory_space<vmem>>) semaphore(%arg11 : memref<!tpu.dma_semaphore, #tpu.memory_space<semaphore_mem>>)
    }
    %scan3A_135 = arith.constant 30 : i32
    %dma_wait3A_136 = arith.constant 0 : i32
    %dma_wait3A_137 = tpu.memref_slice %arg5[%dma_wait3A_136] : memref<512xi32, #tpu.memory_space<vmem>> -> memref<8xi32, #tpu.memory_space<vmem>>
    %dma_wait3A_138 = arith.constant 0 : i32
    %dma_wait3A_139 = arith.constant 0 : i32
    %dma_wait3A_140 = tpu.memref_slice %arg2[%dma_wait3A_138, %dma_wait3A_139] : memref<100000x2048xf32, #tpu.memory_space<hbm>> -> memref<100000x2048xf32, #tpu.memory_space<hbm>>
    tpu.wait_indirect_dma semaphore(%arg10 : memref<!tpu.dma_semaphore, #tpu.memory_space<semaphore_mem>>) src(%dma_wait3A_140 : memref<100000x2048xf32, #tpu.memory_space<hbm>>) dst(%arg6 : memref<8x2048xf32, #tpu.memory_space<vmem>>)
    %dma_wait3A_141 = arith.constant 0 : i32
    %dma_wait3A_142 = arith.constant 0 : i32
    %dma_wait3A_143 = arith.constant 0 : i32
    %dma_wait3A_144 = tpu.memref_slice %arg4[%dma_wait3A_141, %dma_wait3A_142, %dma_wait3A_143] : memref<4x4096x2048xf32, #tpu.memory_space<hbm>> -> memref<1x8x2048xf32, #tpu.memory_space<hbm>>
    %dma_wait3A_145 = tpu.memref_squeeze %dma_wait3A_144 : memref<1x8x2048xf32, #tpu.memory_space<hbm>> -> memref<8x2048xf32, #tpu.memory_space<hbm>>
    %dma_wait3A_146 = arith.constant 0 : i32
    %dma_wait3A_147 = arith.constant 0 : i32
    %dma_wait3A_148 = tpu.memref_slice %arg4[%dma_wait3A_141, %dma_wait3A_146, %dma_wait3A_147] : memref<4x4096x2048xf32, #tpu.memory_space<hbm>> -> memref<1x8x2048xf32, #tpu.memory_space<hbm>>
    %dma_wait3A_149 = tpu.memref_squeeze %dma_wait3A_148 : memref<1x8x2048xf32, #tpu.memory_space<hbm>> -> memref<8x2048xf32, #tpu.memory_space<hbm>>
    tpu.wait_dma2 semaphore(%arg12 : memref<!tpu.dma_semaphore, #tpu.memory_space<semaphore_mem>>) src(%arg8 : memref<8x2048xf32, #tpu.memory_space<vmem>>) dst(%dma_wait3A_149 : memref<8x2048xf32, #tpu.memory_space<hbm>>)
    %parallel_loop3A_150 = arith.constant 0 : i32
    %parallel_loop3A_151 = arith.constant 2048 : i32
    %parallel_loop3A_152 = arith.constant 16 : i32
    scf.for %parallel_loop3A_248 = %parallel_loop3A_150 to %parallel_loop3A_151 step %parallel_loop3A_152  : i32 {
      %parallel_loop3A_249 = arith.constant 0 : i32
      %parallel_loop3A_250 = arith.index_cast %parallel_loop3A_249 : i32 to index
      %parallel_loop3A_251 = arith.index_cast %parallel_loop3A_248 : i32 to index
      %parallel_loop3A_252 = tpu.vector_load %arg6[%parallel_loop3A_250, %parallel_loop3A_251] {strides = array<i32>} : memref<8x2048xf32, #tpu.memory_space<vmem>>, vector<1x16xf32>,
      %parallel_loop3A_253 = vector.shape_cast %parallel_loop3A_252 : vector<1x16xf32> to vector<16xf32>
      %parallel_loop3A_254 = arith.constant 45.2548332 : f32
      %parallel_loop3A_255 = vector.broadcast %parallel_loop3A_254 : f32 to vector<16xf32>
      %parallel_loop3A_256 = arith.mulf %parallel_loop3A_253, %parallel_loop3A_255 : vector<16xf32>
      %parallel_loop3A_257 = arith.constant 0 : i32
      %parallel_loop3A_258 = arith.index_cast %parallel_loop3A_257 : i32 to index
      %parallel_loop3A_259 = arith.index_cast %parallel_loop3A_248 : i32 to index
      %parallel_loop3A_260 = tpu.vector_load %arg8[%parallel_loop3A_258, %parallel_loop3A_259] {strides = array<i32>} : memref<8x2048xf32, #tpu.memory_space<vmem>>, vector<1x16xf32>,
      %parallel_loop3A_261 = vector.shape_cast %parallel_loop3A_260 : vector<1x16xf32> to vector<16xf32>
      %parallel_loop3A_262 = vector.shape_cast %parallel_loop3A_256 : vector<16xf32> to vector<1x16xf32>
      tpu.vector_store %arg8[%parallel_loop3A_258, %parallel_loop3A_259], %parallel_loop3A_262 {strides = array<i32>} : memref<8x2048xf32, #tpu.memory_space<vmem>>, vector<1x16xf32>,
    } {sc.loop_unroll_factor = 8 : i64, sc.parallel_access}
    %parallel_loop3A_153 = arith.constant 0 : i32
    %parallel_loop3A_154 = arith.constant 2048 : i32
    %parallel_loop3A_155 = arith.constant 16 : i32
    scf.for %parallel_loop3A_248 = %parallel_loop3A_153 to %parallel_loop3A_154 step %parallel_loop3A_155  : i32 {
      %parallel_loop3A_249 = arith.constant 1 : i32
      %parallel_loop3A_250 = arith.index_cast %parallel_loop3A_249 : i32 to index
      %parallel_loop3A_251 = arith.index_cast %parallel_loop3A_248 : i32 to index
      %parallel_loop3A_252 = tpu.vector_load %arg6[%parallel_loop3A_250, %parallel_loop3A_251] {strides = array<i32>} : memref<8x2048xf32, #tpu.memory_space<vmem>>, vector<1x16xf32>,
      %parallel_loop3A_253 = vector.shape_cast %parallel_loop3A_252 : vector<1x16xf32> to vector<16xf32>
      %parallel_loop3A_254 = arith.constant 45.2548332 : f32
      %parallel_loop3A_255 = vector.broadcast %parallel_loop3A_254 : f32 to vector<16xf32>
      %parallel_loop3A_256 = arith.mulf %parallel_loop3A_253, %parallel_loop3A_255 : vector<16xf32>
      %parallel_loop3A_257 = arith.constant 1 : i32
      %parallel_loop3A_258 = arith.index_cast %parallel_loop3A_257 : i32 to index
      %parallel_loop3A_259 = arith.index_cast %parallel_loop3A_248 : i32 to index
      %parallel_loop3A_260 = tpu.vector_load %arg8[%parallel_loop3A_258, %parallel_loop3A_259] {strides = array<i32>} : memref<8x2048xf32, #tpu.memory_space<vmem>>, vector<1x16xf32>,
      %parallel_loop3A_261 = vector.shape_cast %parallel_loop3A_260 : vector<1x16xf32> to vector<16xf32>
      %parallel_loop3A_262 = vector.shape_cast %parallel_loop3A_256 : vector<16xf32> to vector<1x16xf32>
      tpu.vector_store %arg8[%parallel_loop3A_258, %parallel_loop3A_259], %parallel_loop3A_262 {strides = array<i32>} : memref<8x2048xf32, #tpu.memory_space<vmem>>, vector<1x16xf32>,
    } {sc.loop_unroll_factor = 8 : i64, sc.parallel_access}
    %parallel_loop3A_156 = arith.constant 0 : i32
    %parallel_loop3A_157 = arith.constant 2048 : i32
    %parallel_loop3A_158 = arith.constant 16 : i32
    scf.for %parallel_loop3A_248 = %parallel_loop3A_156 to %parallel_loop3A_157 step %parallel_loop3A_158  : i32 {
      %parallel_loop3A_249 = arith.constant 2 : i32
      %parallel_loop3A_250 = arith.index_cast %parallel_loop3A_249 : i32 to index
      %parallel_loop3A_251 = arith.index_cast %parallel_loop3A_248 : i32 to index
      %parallel_loop3A_252 = tpu.vector_load %arg6[%parallel_loop3A_250, %parallel_loop3A_251] {strides = array<i32>} : memref<8x2048xf32, #tpu.memory_space<vmem>>, vector<1x16xf32>,
      %parallel_loop3A_253 = vector.shape_cast %parallel_loop3A_252 : vector<1x16xf32> to vector<16xf32>
      %parallel_loop3A_254 = arith.constant 45.2548332 : f32
      %parallel_loop3A_255 = vector.broadcast %parallel_loop3A_254 : f32 to vector<16xf32>
      %parallel_loop3A_256 = arith.mulf %parallel_loop3A_253, %parallel_loop3A_255 : vector<16xf32>
      %parallel_loop3A_257 = arith.constant 2 : i32
      %parallel_loop3A_258 = arith.index_cast %parallel_loop3A_257 : i32 to index
      %parallel_loop3A_259 = arith.index_cast %parallel_loop3A_248 : i32 to index
      %parallel_loop3A_260 = tpu.vector_load %arg8[%parallel_loop3A_258, %parallel_loop3A_259] {strides = array<i32>} : memref<8x2048xf32, #tpu.memory_space<vmem>>, vector<1x16xf32>,
      %parallel_loop3A_261 = vector.shape_cast %parallel_loop3A_260 : vector<1x16xf32> to vector<16xf32>
      %parallel_loop3A_262 = vector.shape_cast %parallel_loop3A_256 : vector<16xf32> to vector<1x16xf32>
      tpu.vector_store %arg8[%parallel_loop3A_258, %parallel_loop3A_259], %parallel_loop3A_262 {strides = array<i32>} : memref<8x2048xf32, #tpu.memory_space<vmem>>, vector<1x16xf32>,
    } {sc.loop_unroll_factor = 8 : i64, sc.parallel_access}
    %parallel_loop3A_159 = arith.constant 0 : i32
    %parallel_loop3A_160 = arith.constant 2048 : i32
    %parallel_loop3A_161 = arith.constant 16 : i32
    scf.for %parallel_loop3A_248 = %parallel_loop3A_159 to %parallel_loop3A_160 step %parallel_loop3A_161  : i32 {
      %parallel_loop3A_249 = arith.constant 3 : i32
      %parallel_loop3A_250 = arith.index_cast %parallel_loop3A_249 : i32 to index
      %parallel_loop3A_251 = arith.index_cast %parallel_loop3A_248 : i32 to index
      %parallel_loop3A_252 = tpu.vector_load %arg6[%parallel_loop3A_250, %parallel_loop3A_251] {strides = array<i32>} : memref<8x2048xf32, #tpu.memory_space<vmem>>, vector<1x16xf32>,
      %parallel_loop3A_253 = vector.shape_cast %parallel_loop3A_252 : vector<1x16xf32> to vector<16xf32>
      %parallel_loop3A_254 = arith.constant 45.2548332 : f32
      %parallel_loop3A_255 = vector.broadcast %parallel_loop3A_254 : f32 to vector<16xf32>
      %parallel_loop3A_256 = arith.mulf %parallel_loop3A_253, %parallel_loop3A_255 : vector<16xf32>
      %parallel_loop3A_257 = arith.constant 3 : i32
      %parallel_loop3A_258 = arith.index_cast %parallel_loop3A_257 : i32 to index
      %parallel_loop3A_259 = arith.index_cast %parallel_loop3A_248 : i32 to index
      %parallel_loop3A_260 = tpu.vector_load %arg8[%parallel_loop3A_258, %parallel_loop3A_259] {strides = array<i32>} : memref<8x2048xf32, #tpu.memory_space<vmem>>, vector<1x16xf32>,
      %parallel_loop3A_261 = vector.shape_cast %parallel_loop3A_260 : vector<1x16xf32> to vector<16xf32>
      %parallel_loop3A_262 = vector.shape_cast %parallel_loop3A_256 : vector<16xf32> to vector<1x16xf32>
      tpu.vector_store %arg8[%parallel_loop3A_258, %parallel_loop3A_259], %parallel_loop3A_262 {strides = array<i32>} : memref<8x2048xf32, #tpu.memory_space<vmem>>, vector<1x16xf32>,
    } {sc.loop_unroll_factor = 8 : i64, sc.parallel_access}
    %parallel_loop3A_162 = arith.constant 0 : i32
    %parallel_loop3A_163 = arith.constant 2048 : i32
    %parallel_loop3A_164 = arith.constant 16 : i32
    scf.for %parallel_loop3A_248 = %parallel_loop3A_162 to %parallel_loop3A_163 step %parallel_loop3A_164  : i32 {
      %parallel_loop3A_249 = arith.constant 4 : i32
      %parallel_loop3A_250 = arith.index_cast %parallel_loop3A_249 : i32 to index
      %parallel_loop3A_251 = arith.index_cast %parallel_loop3A_248 : i32 to index
      %parallel_loop3A_252 = tpu.vector_load %arg6[%parallel_loop3A_250, %parallel_loop3A_251] {strides = array<i32>} : memref<8x2048xf32, #tpu.memory_space<vmem>>, vector<1x16xf32>,
      %parallel_loop3A_253 = vector.shape_cast %parallel_loop3A_252 : vector<1x16xf32> to vector<16xf32>
      %parallel_loop3A_254 = arith.constant 45.2548332 : f32
      %parallel_loop3A_255 = vector.broadcast %parallel_loop3A_254 : f32 to vector<16xf32>
      %parallel_loop3A_256 = arith.mulf %parallel_loop3A_253, %parallel_loop3A_255 : vector<16xf32>
      %parallel_loop3A_257 = arith.constant 4 : i32
      %parallel_loop3A_258 = arith.index_cast %parallel_loop3A_257 : i32 to index
      %parallel_loop3A_259 = arith.index_cast %parallel_loop3A_248 : i32 to index
      %parallel_loop3A_260 = tpu.vector_load %arg8[%parallel_loop3A_258, %parallel_loop3A_259] {strides = array<i32>} : memref<8x2048xf32, #tpu.memory_space<vmem>>, vector<1x16xf32>,
      %parallel_loop3A_261 = vector.shape_cast %parallel_loop3A_260 : vector<1x16xf32> to vector<16xf32>
      %parallel_loop3A_262 = vector.shape_cast %parallel_loop3A_256 : vector<16xf32> to vector<1x16xf32>
      tpu.vector_store %arg8[%parallel_loop3A_258, %parallel_loop3A_259], %parallel_loop3A_262 {strides = array<i32>} : memref<8x2048xf32, #tpu.memory_space<vmem>>, vector<1x16xf32>,
    } {sc.loop_unroll_factor = 8 : i64, sc.parallel_access}
    %parallel_loop3A_165 = arith.constant 0 : i32
    %parallel_loop3A_166 = arith.constant 2048 : i32
    %parallel_loop3A_167 = arith.constant 16 : i32
    scf.for %parallel_loop3A_248 = %parallel_loop3A_165 to %parallel_loop3A_166 step %parallel_loop3A_167  : i32 {
      %parallel_loop3A_249 = arith.constant 5 : i32
      %parallel_loop3A_250 = arith.index_cast %parallel_loop3A_249 : i32 to index
      %parallel_loop3A_251 = arith.index_cast %parallel_loop3A_248 : i32 to index
      %parallel_loop3A_252 = tpu.vector_load %arg6[%parallel_loop3A_250, %parallel_loop3A_251] {strides = array<i32>} : memref<8x2048xf32, #tpu.memory_space<vmem>>, vector<1x16xf32>,
      %parallel_loop3A_253 = vector.shape_cast %parallel_loop3A_252 : vector<1x16xf32> to vector<16xf32>
      %parallel_loop3A_254 = arith.constant 45.2548332 : f32
      %parallel_loop3A_255 = vector.broadcast %parallel_loop3A_254 : f32 to vector<16xf32>
      %parallel_loop3A_256 = arith.mulf %parallel_loop3A_253, %parallel_loop3A_255 : vector<16xf32>
      %parallel_loop3A_257 = arith.constant 5 : i32
      %parallel_loop3A_258 = arith.index_cast %parallel_loop3A_257 : i32 to index
      %parallel_loop3A_259 = arith.index_cast %parallel_loop3A_248 : i32 to index
      %parallel_loop3A_260 = tpu.vector_load %arg8[%parallel_loop3A_258, %parallel_loop3A_259] {strides = array<i32>} : memref<8x2048xf32, #tpu.memory_space<vmem>>, vector<1x16xf32>,
      %parallel_loop3A_261 = vector.shape_cast %parallel_loop3A_260 : vector<1x16xf32> to vector<16xf32>
      %parallel_loop3A_262 = vector.shape_cast %parallel_loop3A_256 : vector<16xf32> to vector<1x16xf32>
      tpu.vector_store %arg8[%parallel_loop3A_258, %parallel_loop3A_259], %parallel_loop3A_262 {strides = array<i32>} : memref<8x2048xf32, #tpu.memory_space<vmem>>, vector<1x16xf32>,
    } {sc.loop_unroll_factor = 8 : i64, sc.parallel_access}
    %parallel_loop3A_168 = arith.constant 0 : i32
    %parallel_loop3A_169 = arith.constant 2048 : i32
    %parallel_loop3A_170 = arith.constant 16 : i32
    scf.for %parallel_loop3A_248 = %parallel_loop3A_168 to %parallel_loop3A_169 step %parallel_loop3A_170  : i32 {
      %parallel_loop3A_249 = arith.constant 6 : i32
      %parallel_loop3A_250 = arith.index_cast %parallel_loop3A_249 : i32 to index
      %parallel_loop3A_251 = arith.index_cast %parallel_loop3A_248 : i32 to index
      %parallel_loop3A_252 = tpu.vector_load %arg6[%parallel_loop3A_250, %parallel_loop3A_251] {strides = array<i32>} : memref<8x2048xf32, #tpu.memory_space<vmem>>, vector<1x16xf32>,
      %parallel_loop3A_253 = vector.shape_cast %parallel_loop3A_252 : vector<1x16xf32> to vector<16xf32>
      %parallel_loop3A_254 = arith.constant 45.2548332 : f32
      %parallel_loop3A_255 = vector.broadcast %parallel_loop3A_254 : f32 to vector<16xf32>
      %parallel_loop3A_256 = arith.mulf %parallel_loop3A_253, %parallel_loop3A_255 : vector<16xf32>
      %parallel_loop3A_257 = arith.constant 6 : i32
      %parallel_loop3A_258 = arith.index_cast %parallel_loop3A_257 : i32 to index
      %parallel_loop3A_259 = arith.index_cast %parallel_loop3A_248 : i32 to index
      %parallel_loop3A_260 = tpu.vector_load %arg8[%parallel_loop3A_258, %parallel_loop3A_259] {strides = array<i32>} : memref<8x2048xf32, #tpu.memory_space<vmem>>, vector<1x16xf32>,
      %parallel_loop3A_261 = vector.shape_cast %parallel_loop3A_260 : vector<1x16xf32> to vector<16xf32>
      %parallel_loop3A_262 = vector.shape_cast %parallel_loop3A_256 : vector<16xf32> to vector<1x16xf32>
      tpu.vector_store %arg8[%parallel_loop3A_258, %parallel_loop3A_259], %parallel_loop3A_262 {strides = array<i32>} : memref<8x2048xf32, #tpu.memory_space<vmem>>, vector<1x16xf32>,
    } {sc.loop_unroll_factor = 8 : i64, sc.parallel_access}
    %parallel_loop3A_171 = arith.constant 0 : i32
    %parallel_loop3A_172 = arith.constant 2048 : i32
    %parallel_loop3A_173 = arith.constant 16 : i32
    scf.for %parallel_loop3A_248 = %parallel_loop3A_171 to %parallel_loop3A_172 step %parallel_loop3A_173  : i32 {
      %parallel_loop3A_249 = arith.constant 7 : i32
      %parallel_loop3A_250 = arith.index_cast %parallel_loop3A_249 : i32 to index
      %parallel_loop3A_251 = arith.index_cast %parallel_loop3A_248 : i32 to index
      %parallel_loop3A_252 = tpu.vector_load %arg6[%parallel_loop3A_250, %parallel_loop3A_251] {strides = array<i32>} : memref<8x2048xf32, #tpu.memory_space<vmem>>, vector<1x16xf32>,
      %parallel_loop3A_253 = vector.shape_cast %parallel_loop3A_252 : vector<1x16xf32> to vector<16xf32>
      %parallel_loop3A_254 = arith.constant 45.2548332 : f32
      %parallel_loop3A_255 = vector.broadcast %parallel_loop3A_254 : f32 to vector<16xf32>
      %parallel_loop3A_256 = arith.mulf %parallel_loop3A_253, %parallel_loop3A_255 : vector<16xf32>
      %parallel_loop3A_257 = arith.constant 7 : i32
      %parallel_loop3A_258 = arith.index_cast %parallel_loop3A_257 : i32 to index
      %parallel_loop3A_259 = arith.index_cast %parallel_loop3A_248 : i32 to index
      %parallel_loop3A_260 = tpu.vector_load %arg8[%parallel_loop3A_258, %parallel_loop3A_259] {strides = array<i32>} : memref<8x2048xf32, #tpu.memory_space<vmem>>, vector<1x16xf32>,
      %parallel_loop3A_261 = vector.shape_cast %parallel_loop3A_260 : vector<1x16xf32> to vector<16xf32>
      %parallel_loop3A_262 = vector.shape_cast %parallel_loop3A_256 : vector<16xf32> to vector<1x16xf32>
      tpu.vector_store %arg8[%parallel_loop3A_258, %parallel_loop3A_259], %parallel_loop3A_262 {strides = array<i32>} : memref<8x2048xf32, #tpu.memory_space<vmem>>, vector<1x16xf32>,
    } {sc.loop_unroll_factor = 8 : i64, sc.parallel_access}
    %multiple_of3A_174 = arith.constant 496 : i32
    %multiple_of3A_175 = tpu.assume_multiple %multiple_of3A_174, 8 : i32
    %add3A_176 = arith.addi %mul3A_34, %multiple_of3A_175 : i32
    %dma_start3A_177 = arith.constant 0 : i32
    %dma_start3A_178 = tpu.memref_slice %arg4[%select_n3A, %add3A_176, %dma_start3A_177] : memref<4x4096x2048xf32, #tpu.memory_space<hbm>> -> memref<1x8x2048xf32, #tpu.memory_space<hbm>>
    %dma_start3A_179 = tpu.memref_squeeze %dma_start3A_178 : memref<1x8x2048xf32, #tpu.memory_space<hbm>> -> memref<8x2048xf32, #tpu.memory_space<hbm>>
    %dma_start3A_180 = arith.constant 0 : i32
    %dma_start3A_181 = tpu.memref_slice %arg4[%select_n3A, %add3A_176, %dma_start3A_180] : memref<4x4096x2048xf32, #tpu.memory_space<hbm>> -> memref<1x8x2048xf32, #tpu.memory_space<hbm>>
    %dma_start3A_182 = tpu.memref_squeeze %dma_start3A_181 : memref<1x8x2048xf32, #tpu.memory_space<hbm>> -> memref<8x2048xf32, #tpu.memory_space<hbm>>
    tpu.enqueue_dma source(%arg8 : memref<8x2048xf32, #tpu.memory_space<vmem>>) target(%dma_start3A_182 : memref<8x2048xf32, #tpu.memory_space<hbm>>) target_semaphore(%arg12 : memref<!tpu.dma_semaphore, #tpu.memory_space<semaphore_mem>>)
    %dma_wait3A_183 = arith.constant 0 : i32
    %dma_wait3A_184 = tpu.memref_slice %arg5[%dma_wait3A_183] : memref<512xi32, #tpu.memory_space<vmem>> -> memref<8xi32, #tpu.memory_space<vmem>>
    %dma_wait3A_185 = arith.constant 0 : i32
    %dma_wait3A_186 = arith.constant 0 : i32
    %dma_wait3A_187 = tpu.memref_slice %arg2[%dma_wait3A_185, %dma_wait3A_186] : memref<100000x2048xf32, #tpu.memory_space<hbm>> -> memref<100000x2048xf32, #tpu.memory_space<hbm>>
    tpu.wait_indirect_dma semaphore(%arg11 : memref<!tpu.dma_semaphore, #tpu.memory_space<semaphore_mem>>) src(%dma_wait3A_187 : memref<100000x2048xf32, #tpu.memory_space<hbm>>) dst(%arg7 : memref<8x2048xf32, #tpu.memory_space<vmem>>)
    %dma_wait3A_188 = arith.constant 0 : i32
    %dma_wait3A_189 = arith.constant 0 : i32
    %dma_wait3A_190 = arith.constant 0 : i32
    %dma_wait3A_191 = tpu.memref_slice %arg4[%dma_wait3A_188, %dma_wait3A_189, %dma_wait3A_190] : memref<4x4096x2048xf32, #tpu.memory_space<hbm>> -> memref<1x8x2048xf32, #tpu.memory_space<hbm>>
    %dma_wait3A_192 = tpu.memref_squeeze %dma_wait3A_191 : memref<1x8x2048xf32, #tpu.memory_space<hbm>> -> memref<8x2048xf32, #tpu.memory_space<hbm>>
    %dma_wait3A_193 = arith.constant 0 : i32
    %dma_wait3A_194 = arith.constant 0 : i32
    %dma_wait3A_195 = tpu.memref_slice %arg4[%dma_wait3A_188, %dma_wait3A_193, %dma_wait3A_194] : memref<4x4096x2048xf32, #tpu.memory_space<hbm>> -> memref<1x8x2048xf32, #tpu.memory_space<hbm>>
    %dma_wait3A_196 = tpu.memref_squeeze %dma_wait3A_195 : memref<1x8x2048xf32, #tpu.memory_space<hbm>> -> memref<8x2048xf32, #tpu.memory_space<hbm>>
    tpu.wait_dma2 semaphore(%arg13 : memref<!tpu.dma_semaphore, #tpu.memory_space<semaphore_mem>>) src(%arg9 : memref<8x2048xf32, #tpu.memory_space<vmem>>) dst(%dma_wait3A_196 : memref<8x2048xf32, #tpu.memory_space<hbm>>)
    %parallel_loop3A_197 = arith.constant 0 : i32
    %parallel_loop3A_198 = arith.constant 2048 : i32
    %parallel_loop3A_199 = arith.constant 16 : i32
    scf.for %parallel_loop3A_248 = %parallel_loop3A_197 to %parallel_loop3A_198 step %parallel_loop3A_199  : i32 {
      %parallel_loop3A_249 = arith.constant 0 : i32
      %parallel_loop3A_250 = arith.index_cast %parallel_loop3A_249 : i32 to index
      %parallel_loop3A_251 = arith.index_cast %parallel_loop3A_248 : i32 to index
      %parallel_loop3A_252 = tpu.vector_load %arg7[%parallel_loop3A_250, %parallel_loop3A_251] {strides = array<i32>} : memref<8x2048xf32, #tpu.memory_space<vmem>>, vector<1x16xf32>,
      %parallel_loop3A_253 = vector.shape_cast %parallel_loop3A_252 : vector<1x16xf32> to vector<16xf32>
      %parallel_loop3A_254 = arith.constant 45.2548332 : f32
      %parallel_loop3A_255 = vector.broadcast %parallel_loop3A_254 : f32 to vector<16xf32>
      %parallel_loop3A_256 = arith.mulf %parallel_loop3A_253, %parallel_loop3A_255 : vector<16xf32>
      %parallel_loop3A_257 = arith.constant 0 : i32
      %parallel_loop3A_258 = arith.index_cast %parallel_loop3A_257 : i32 to index
      %parallel_loop3A_259 = arith.index_cast %parallel_loop3A_248 : i32 to index
      %parallel_loop3A_260 = tpu.vector_load %arg9[%parallel_loop3A_258, %parallel_loop3A_259] {strides = array<i32>} : memref<8x2048xf32, #tpu.memory_space<vmem>>, vector<1x16xf32>,
      %parallel_loop3A_261 = vector.shape_cast %parallel_loop3A_260 : vector<1x16xf32> to vector<16xf32>
      %parallel_loop3A_262 = vector.shape_cast %parallel_loop3A_256 : vector<16xf32> to vector<1x16xf32>
      tpu.vector_store %arg9[%parallel_loop3A_258, %parallel_loop3A_259], %parallel_loop3A_262 {strides = array<i32>} : memref<8x2048xf32, #tpu.memory_space<vmem>>, vector<1x16xf32>,
    } {sc.loop_unroll_factor = 8 : i64, sc.parallel_access}
    %parallel_loop3A_200 = arith.constant 0 : i32
    %parallel_loop3A_201 = arith.constant 2048 : i32
    %parallel_loop3A_202 = arith.constant 16 : i32
    scf.for %parallel_loop3A_248 = %parallel_loop3A_200 to %parallel_loop3A_201 step %parallel_loop3A_202  : i32 {
      %parallel_loop3A_249 = arith.constant 1 : i32
      %parallel_loop3A_250 = arith.index_cast %parallel_loop3A_249 : i32 to index
      %parallel_loop3A_251 = arith.index_cast %parallel_loop3A_248 : i32 to index
      %parallel_loop3A_252 = tpu.vector_load %arg7[%parallel_loop3A_250, %parallel_loop3A_251] {strides = array<i32>} : memref<8x2048xf32, #tpu.memory_space<vmem>>, vector<1x16xf32>,
      %parallel_loop3A_253 = vector.shape_cast %parallel_loop3A_252 : vector<1x16xf32> to vector<16xf32>
      %parallel_loop3A_254 = arith.constant 45.2548332 : f32
      %parallel_loop3A_255 = vector.broadcast %parallel_loop3A_254 : f32 to vector<16xf32>
      %parallel_loop3A_256 = arith.mulf %parallel_loop3A_253, %parallel_loop3A_255 : vector<16xf32>
      %parallel_loop3A_257 = arith.constant 1 : i32
      %parallel_loop3A_258 = arith.index_cast %parallel_loop3A_257 : i32 to index
      %parallel_loop3A_259 = arith.index_cast %parallel_loop3A_248 : i32 to index
      %parallel_loop3A_260 = tpu.vector_load %arg9[%parallel_loop3A_258, %parallel_loop3A_259] {strides = array<i32>} : memref<8x2048xf32, #tpu.memory_space<vmem>>, vector<1x16xf32>,
      %parallel_loop3A_261 = vector.shape_cast %parallel_loop3A_260 : vector<1x16xf32> to vector<16xf32>
      %parallel_loop3A_262 = vector.shape_cast %parallel_loop3A_256 : vector<16xf32> to vector<1x16xf32>
      tpu.vector_store %arg9[%parallel_loop3A_258, %parallel_loop3A_259], %parallel_loop3A_262 {strides = array<i32>} : memref<8x2048xf32, #tpu.memory_space<vmem>>, vector<1x16xf32>,
    } {sc.loop_unroll_factor = 8 : i64, sc.parallel_access}
    %parallel_loop3A_203 = arith.constant 0 : i32
    %parallel_loop3A_204 = arith.constant 2048 : i32
    %parallel_loop3A_205 = arith.constant 16 : i32
    scf.for %parallel_loop3A_248 = %parallel_loop3A_203 to %parallel_loop3A_204 step %parallel_loop3A_205  : i32 {
      %parallel_loop3A_249 = arith.constant 2 : i32
      %parallel_loop3A_250 = arith.index_cast %parallel_loop3A_249 : i32 to index
      %parallel_loop3A_251 = arith.index_cast %parallel_loop3A_248 : i32 to index
      %parallel_loop3A_252 = tpu.vector_load %arg7[%parallel_loop3A_250, %parallel_loop3A_251] {strides = array<i32>} : memref<8x2048xf32, #tpu.memory_space<vmem>>, vector<1x16xf32>,
      %parallel_loop3A_253 = vector.shape_cast %parallel_loop3A_252 : vector<1x16xf32> to vector<16xf32>
      %parallel_loop3A_254 = arith.constant 45.2548332 : f32
      %parallel_loop3A_255 = vector.broadcast %parallel_loop3A_254 : f32 to vector<16xf32>
      %parallel_loop3A_256 = arith.mulf %parallel_loop3A_253, %parallel_loop3A_255 : vector<16xf32>
      %parallel_loop3A_257 = arith.constant 2 : i32
      %parallel_loop3A_258 = arith.index_cast %parallel_loop3A_257 : i32 to index
      %parallel_loop3A_259 = arith.index_cast %parallel_loop3A_248 : i32 to index
      %parallel_loop3A_260 = tpu.vector_load %arg9[%parallel_loop3A_258, %parallel_loop3A_259] {strides = array<i32>} : memref<8x2048xf32, #tpu.memory_space<vmem>>, vector<1x16xf32>,
      %parallel_loop3A_261 = vector.shape_cast %parallel_loop3A_260 : vector<1x16xf32> to vector<16xf32>
      %parallel_loop3A_262 = vector.shape_cast %parallel_loop3A_256 : vector<16xf32> to vector<1x16xf32>
      tpu.vector_store %arg9[%parallel_loop3A_258, %parallel_loop3A_259], %parallel_loop3A_262 {strides = array<i32>} : memref<8x2048xf32, #tpu.memory_space<vmem>>, vector<1x16xf32>,
    } {sc.loop_unroll_factor = 8 : i64, sc.parallel_access}
    %parallel_loop3A_206 = arith.constant 0 : i32
    %parallel_loop3A_207 = arith.constant 2048 : i32
    %parallel_loop3A_208 = arith.constant 16 : i32
    scf.for %parallel_loop3A_248 = %parallel_loop3A_206 to %parallel_loop3A_207 step %parallel_loop3A_208  : i32 {
      %parallel_loop3A_249 = arith.constant 3 : i32
      %parallel_loop3A_250 = arith.index_cast %parallel_loop3A_249 : i32 to index
      %parallel_loop3A_251 = arith.index_cast %parallel_loop3A_248 : i32 to index
      %parallel_loop3A_252 = tpu.vector_load %arg7[%parallel_loop3A_250, %parallel_loop3A_251] {strides = array<i32>} : memref<8x2048xf32, #tpu.memory_space<vmem>>, vector<1x16xf32>,
      %parallel_loop3A_253 = vector.shape_cast %parallel_loop3A_252 : vector<1x16xf32> to vector<16xf32>
      %parallel_loop3A_254 = arith.constant 45.2548332 : f32
      %parallel_loop3A_255 = vector.broadcast %parallel_loop3A_254 : f32 to vector<16xf32>
      %parallel_loop3A_256 = arith.mulf %parallel_loop3A_253, %parallel_loop3A_255 : vector<16xf32>
      %parallel_loop3A_257 = arith.constant 3 : i32
      %parallel_loop3A_258 = arith.index_cast %parallel_loop3A_257 : i32 to index
      %parallel_loop3A_259 = arith.index_cast %parallel_loop3A_248 : i32 to index
      %parallel_loop3A_260 = tpu.vector_load %arg9[%parallel_loop3A_258, %parallel_loop3A_259] {strides = array<i32>} : memref<8x2048xf32, #tpu.memory_space<vmem>>, vector<1x16xf32>,
      %parallel_loop3A_261 = vector.shape_cast %parallel_loop3A_260 : vector<1x16xf32> to vector<16xf32>
      %parallel_loop3A_262 = vector.shape_cast %parallel_loop3A_256 : vector<16xf32> to vector<1x16xf32>
      tpu.vector_store %arg9[%parallel_loop3A_258, %parallel_loop3A_259], %parallel_loop3A_262 {strides = array<i32>} : memref<8x2048xf32, #tpu.memory_space<vmem>>, vector<1x16xf32>,
    } {sc.loop_unroll_factor = 8 : i64, sc.parallel_access}
    %parallel_loop3A_209 = arith.constant 0 : i32
    %parallel_loop3A_210 = arith.constant 2048 : i32
    %parallel_loop3A_211 = arith.constant 16 : i32
    scf.for %parallel_loop3A_248 = %parallel_loop3A_209 to %parallel_loop3A_210 step %parallel_loop3A_211  : i32 {
      %parallel_loop3A_249 = arith.constant 4 : i32
      %parallel_loop3A_250 = arith.index_cast %parallel_loop3A_249 : i32 to index
      %parallel_loop3A_251 = arith.index_cast %parallel_loop3A_248 : i32 to index
      %parallel_loop3A_252 = tpu.vector_load %arg7[%parallel_loop3A_250, %parallel_loop3A_251] {strides = array<i32>} : memref<8x2048xf32, #tpu.memory_space<vmem>>, vector<1x16xf32>,
      %parallel_loop3A_253 = vector.shape_cast %parallel_loop3A_252 : vector<1x16xf32> to vector<16xf32>
      %parallel_loop3A_254 = arith.constant 45.2548332 : f32
      %parallel_loop3A_255 = vector.broadcast %parallel_loop3A_254 : f32 to vector<16xf32>
      %parallel_loop3A_256 = arith.mulf %parallel_loop3A_253, %parallel_loop3A_255 : vector<16xf32>
      %parallel_loop3A_257 = arith.constant 4 : i32
      %parallel_loop3A_258 = arith.index_cast %parallel_loop3A_257 : i32 to index
      %parallel_loop3A_259 = arith.index_cast %parallel_loop3A_248 : i32 to index
      %parallel_loop3A_260 = tpu.vector_load %arg9[%parallel_loop3A_258, %parallel_loop3A_259] {strides = array<i32>} : memref<8x2048xf32, #tpu.memory_space<vmem>>, vector<1x16xf32>,
      %parallel_loop3A_261 = vector.shape_cast %parallel_loop3A_260 : vector<1x16xf32> to vector<16xf32>
      %parallel_loop3A_262 = vector.shape_cast %parallel_loop3A_256 : vector<16xf32> to vector<1x16xf32>
      tpu.vector_store %arg9[%parallel_loop3A_258, %parallel_loop3A_259], %parallel_loop3A_262 {strides = array<i32>} : memref<8x2048xf32, #tpu.memory_space<vmem>>, vector<1x16xf32>,
    } {sc.loop_unroll_factor = 8 : i64, sc.parallel_access}
    %parallel_loop3A_212 = arith.constant 0 : i32
    %parallel_loop3A_213 = arith.constant 2048 : i32
    %parallel_loop3A_214 = arith.constant 16 : i32
    scf.for %parallel_loop3A_248 = %parallel_loop3A_212 to %parallel_loop3A_213 step %parallel_loop3A_214  : i32 {
      %parallel_loop3A_249 = arith.constant 5 : i32
      %parallel_loop3A_250 = arith.index_cast %parallel_loop3A_249 : i32 to index
      %parallel_loop3A_251 = arith.index_cast %parallel_loop3A_248 : i32 to index
      %parallel_loop3A_252 = tpu.vector_load %arg7[%parallel_loop3A_250, %parallel_loop3A_251] {strides = array<i32>} : memref<8x2048xf32, #tpu.memory_space<vmem>>, vector<1x16xf32>,
      %parallel_loop3A_253 = vector.shape_cast %parallel_loop3A_252 : vector<1x16xf32> to vector<16xf32>
      %parallel_loop3A_254 = arith.constant 45.2548332 : f32
      %parallel_loop3A_255 = vector.broadcast %parallel_loop3A_254 : f32 to vector<16xf32>
      %parallel_loop3A_256 = arith.mulf %parallel_loop3A_253, %parallel_loop3A_255 : vector<16xf32>
      %parallel_loop3A_257 = arith.constant 5 : i32
      %parallel_loop3A_258 = arith.index_cast %parallel_loop3A_257 : i32 to index
      %parallel_loop3A_259 = arith.index_cast %parallel_loop3A_248 : i32 to index
      %parallel_loop3A_260 = tpu.vector_load %arg9[%parallel_loop3A_258, %parallel_loop3A_259] {strides = array<i32>} : memref<8x2048xf32, #tpu.memory_space<vmem>>, vector<1x16xf32>,
      %parallel_loop3A_261 = vector.shape_cast %parallel_loop3A_260 : vector<1x16xf32> to vector<16xf32>
      %parallel_loop3A_262 = vector.shape_cast %parallel_loop3A_256 : vector<16xf32> to vector<1x16xf32>
      tpu.vector_store %arg9[%parallel_loop3A_258, %parallel_loop3A_259], %parallel_loop3A_262 {strides = array<i32>} : memref<8x2048xf32, #tpu.memory_space<vmem>>, vector<1x16xf32>,
    } {sc.loop_unroll_factor = 8 : i64, sc.parallel_access}
    %parallel_loop3A_215 = arith.constant 0 : i32
    %parallel_loop3A_216 = arith.constant 2048 : i32
    %parallel_loop3A_217 = arith.constant 16 : i32
    scf.for %parallel_loop3A_248 = %parallel_loop3A_215 to %parallel_loop3A_216 step %parallel_loop3A_217  : i32 {
      %parallel_loop3A_249 = arith.constant 6 : i32
      %parallel_loop3A_250 = arith.index_cast %parallel_loop3A_249 : i32 to index
      %parallel_loop3A_251 = arith.index_cast %parallel_loop3A_248 : i32 to index
      %parallel_loop3A_252 = tpu.vector_load %arg7[%parallel_loop3A_250, %parallel_loop3A_251] {strides = array<i32>} : memref<8x2048xf32, #tpu.memory_space<vmem>>, vector<1x16xf32>,
      %parallel_loop3A_253 = vector.shape_cast %parallel_loop3A_252 : vector<1x16xf32> to vector<16xf32>
      %parallel_loop3A_254 = arith.constant 45.2548332 : f32
      %parallel_loop3A_255 = vector.broadcast %parallel_loop3A_254 : f32 to vector<16xf32>
      %parallel_loop3A_256 = arith.mulf %parallel_loop3A_253, %parallel_loop3A_255 : vector<16xf32>
      %parallel_loop3A_257 = arith.constant 6 : i32
      %parallel_loop3A_258 = arith.index_cast %parallel_loop3A_257 : i32 to index
      %parallel_loop3A_259 = arith.index_cast %parallel_loop3A_248 : i32 to index
      %parallel_loop3A_260 = tpu.vector_load %arg9[%parallel_loop3A_258, %parallel_loop3A_259] {strides = array<i32>} : memref<8x2048xf32, #tpu.memory_space<vmem>>, vector<1x16xf32>,
      %parallel_loop3A_261 = vector.shape_cast %parallel_loop3A_260 : vector<1x16xf32> to vector<16xf32>
      %parallel_loop3A_262 = vector.shape_cast %parallel_loop3A_256 : vector<16xf32> to vector<1x16xf32>
      tpu.vector_store %arg9[%parallel_loop3A_258, %parallel_loop3A_259], %parallel_loop3A_262 {strides = array<i32>} : memref<8x2048xf32, #tpu.memory_space<vmem>>, vector<1x16xf32>,
    } {sc.loop_unroll_factor = 8 : i64, sc.parallel_access}
    %parallel_loop3A_218 = arith.constant 0 : i32
    %parallel_loop3A_219 = arith.constant 2048 : i32
    %parallel_loop3A_220 = arith.constant 16 : i32
    scf.for %parallel_loop3A_248 = %parallel_loop3A_218 to %parallel_loop3A_219 step %parallel_loop3A_220  : i32 {
      %parallel_loop3A_249 = arith.constant 7 : i32
      %parallel_loop3A_250 = arith.index_cast %parallel_loop3A_249 : i32 to index
      %parallel_loop3A_251 = arith.index_cast %parallel_loop3A_248 : i32 to index
      %parallel_loop3A_252 = tpu.vector_load %arg7[%parallel_loop3A_250, %parallel_loop3A_251] {strides = array<i32>} : memref<8x2048xf32, #tpu.memory_space<vmem>>, vector<1x16xf32>,
      %parallel_loop3A_253 = vector.shape_cast %parallel_loop3A_252 : vector<1x16xf32> to vector<16xf32>
      %parallel_loop3A_254 = arith.constant 45.2548332 : f32
      %parallel_loop3A_255 = vector.broadcast %parallel_loop3A_254 : f32 to vector<16xf32>
      %parallel_loop3A_256 = arith.mulf %parallel_loop3A_253, %parallel_loop3A_255 : vector<16xf32>
      %parallel_loop3A_257 = arith.constant 7 : i32
      %parallel_loop3A_258 = arith.index_cast %parallel_loop3A_257 : i32 to index
      %parallel_loop3A_259 = arith.index_cast %parallel_loop3A_248 : i32 to index
      %parallel_loop3A_260 = tpu.vector_load %arg9[%parallel_loop3A_258, %parallel_loop3A_259] {strides = array<i32>} : memref<8x2048xf32, #tpu.memory_space<vmem>>, vector<1x16xf32>,
      %parallel_loop3A_261 = vector.shape_cast %parallel_loop3A_260 : vector<1x16xf32> to vector<16xf32>
      %parallel_loop3A_262 = vector.shape_cast %parallel_loop3A_256 : vector<16xf32> to vector<1x16xf32>
      tpu.vector_store %arg9[%parallel_loop3A_258, %parallel_loop3A_259], %parallel_loop3A_262 {strides = array<i32>} : memref<8x2048xf32, #tpu.memory_space<vmem>>, vector<1x16xf32>,
    } {sc.loop_unroll_factor = 8 : i64, sc.parallel_access}
    %multiple_of3A_221 = arith.constant 504 : i32
    %multiple_of3A_222 = tpu.assume_multiple %multiple_of3A_221, 8 : i32
    %add3A_223 = arith.addi %mul3A_34, %multiple_of3A_222 : i32
    %dma_start3A_224 = arith.constant 0 : i32
    %dma_start3A_225 = tpu.memref_slice %arg4[%select_n3A, %add3A_223, %dma_start3A_224] : memref<4x4096x2048xf32, #tpu.memory_space<hbm>> -> memref<1x8x2048xf32, #tpu.memory_space<hbm>>
    %dma_start3A_226 = tpu.memref_squeeze %dma_start3A_225 : memref<1x8x2048xf32, #tpu.memory_space<hbm>> -> memref<8x2048xf32, #tpu.memory_space<hbm>>
    %dma_start3A_227 = arith.constant 0 : i32
    %dma_start3A_228 = tpu.memref_slice %arg4[%select_n3A, %add3A_223, %dma_start3A_227] : memref<4x4096x2048xf32, #tpu.memory_space<hbm>> -> memref<1x8x2048xf32, #tpu.memory_space<hbm>>
    %dma_start3A_229 = tpu.memref_squeeze %dma_start3A_228 : memref<1x8x2048xf32, #tpu.memory_space<hbm>> -> memref<8x2048xf32, #tpu.memory_space<hbm>>
    tpu.enqueue_dma source(%arg9 : memref<8x2048xf32, #tpu.memory_space<vmem>>) target(%dma_start3A_229 : memref<8x2048xf32, #tpu.memory_space<hbm>>) target_semaphore(%arg13 : memref<!tpu.dma_semaphore, #tpu.memory_space<semaphore_mem>>)
    %dma_wait3A_230 = arith.constant 0 : i32
    %dma_wait3A_231 = arith.constant 0 : i32
    %dma_wait3A_232 = arith.constant 0 : i32
    %dma_wait3A_233 = tpu.memref_slice %arg4[%dma_wait3A_230, %dma_wait3A_231, %dma_wait3A_232] : memref<4x4096x2048xf32, #tpu.memory_space<hbm>> -> memref<1x8x2048xf32, #tpu.memory_space<hbm>>
    %dma_wait3A_234 = tpu.memref_squeeze %dma_wait3A_233 : memref<1x8x2048xf32, #tpu.memory_space<hbm>> -> memref<8x2048xf32, #tpu.memory_space<hbm>>
    %dma_wait3A_235 = arith.constant 0 : i32
    %dma_wait3A_236 = arith.constant 0 : i32
    %dma_wait3A_237 = tpu.memref_slice %arg4[%dma_wait3A_230, %dma_wait3A_235, %dma_wait3A_236] : memref<4x4096x2048xf32, #tpu.memory_space<hbm>> -> memref<1x8x2048xf32, #tpu.memory_space<hbm>>
    %dma_wait3A_238 = tpu.memref_squeeze %dma_wait3A_237 : memref<1x8x2048xf32, #tpu.memory_space<hbm>> -> memref<8x2048xf32, #tpu.memory_space<hbm>>
    tpu.wait_dma2 semaphore(%arg12 : memref<!tpu.dma_semaphore, #tpu.memory_space<semaphore_mem>>) src(%arg8 : memref<8x2048xf32, #tpu.memory_space<vmem>>) dst(%dma_wait3A_238 : memref<8x2048xf32, #tpu.memory_space<hbm>>)
    %dma_wait3A_239 = arith.constant 0 : i32
    %dma_wait3A_240 = arith.constant 0 : i32
    %dma_wait3A_241 = arith.constant 0 : i32
    %dma_wait3A_242 = tpu.memref_slice %arg4[%dma_wait3A_239, %dma_wait3A_240, %dma_wait3A_241] : memref<4x4096x2048xf32, #tpu.memory_space<hbm>> -> memref<1x8x2048xf32, #tpu.memory_space<hbm>>
    %dma_wait3A_243 = tpu.memref_squeeze %dma_wait3A_242 : memref<1x8x2048xf32, #tpu.memory_space<hbm>> -> memref<8x2048xf32, #tpu.memory_space<hbm>>
    %dma_wait3A_244 = arith.constant 0 : i32
    %dma_wait3A_245 = arith.constant 0 : i32
    %dma_wait3A_246 = tpu.memref_slice %arg4[%dma_wait3A_239, %dma_wait3A_244, %dma_wait3A_245] : memref<4x4096x2048xf32, #tpu.memory_space<hbm>> -> memref<1x8x2048xf32, #tpu.memory_space<hbm>>
    %dma_wait3A_247 = tpu.memref_squeeze %dma_wait3A_246 : memref<1x8x2048xf32, #tpu.memory_space<hbm>> -> memref<8x2048xf32, #tpu.memory_space<hbm>>
    tpu.wait_dma2 semaphore(%arg13 : memref<!tpu.dma_semaphore, #tpu.memory_space<semaphore_mem>>) src(%arg9 : memref<8x2048xf32, #tpu.memory_space<vmem>>) dst(%dma_wait3A_247 : memref<8x2048xf32, #tpu.memory_space<hbm>>)
    return
  }
}

</mosaic_0001>

<sc_bundles>
// kernel: kernel.3.cloned.1.call-start
scs
__scs_entry_jumppad:
0x0: {  	(pc) =	sbr.rel $0x88, $3  }
0x1: {  	(tag) =	ssettag $0x0;
	lr =	simm.s32 $0x1  }
0x2: {  	[smem:$0x3F9F] =	sst lr;
	_ =	strace $0xD0000000  }
0x3: {  	_ = 	snop  }
0x4: {  	_ = 	snop  }
0x5: {  	_ = 	snop  }
0x6: {  	_ = 	snop  }
0x7: {  	_ = 	snop  }
__scs_overlays_trampoline_lowered:
0x8: {  	[smem:$0x3FAE] =	sst s0  }
0x9: {  	[smem:$0x3FAF] =	sst s1  }
0xa: {  	[smem:$0x3FB0] =	sst s2  }
0xb: {  	[smem:$0x3FB1] =	sst s3  }
0xc: {  	[smem:$0x3FB2] =	sst s4  }
0xd: {  	[smem:$0x3FB3] =	sst s5  }
0xe: {  	[smem:$0x3FB4] =	sst s6  }
0xf: {  	[smem:$0x3FB5] =	sst s7  }
0x10: {  	[smem:$0x3FB6] =	sst s8  }
0x11: {  	[smem:$0x3FB7] =	sst s9;
	s0 =	simm.s32 @!p0 $0x0  }
0x12: {  	s1 =	sld [smem:$0x3F9D];
	s0 =	simm.s32 @p0 $0x1  }
0x13: {  	[smem:$0x3FB8] =	sst s0;
	s0 =	simm.s32 @!p1 $0x0  }
0x14: {  	s2 =	sld [smem:$0x3F9C];
	s0 =	simm.s32 @p1 $0x1  }
0x15: {  	[smem:$0x3FB9] =	sst s0;
	s0 =	simm.s32 @!p2 $0x0  }
0x16: {  	s3 =	sld [smem:$0x3FDB];
	s0 =	simm.s32 @p2 $0x1  }
0x17: {  	s4 =	simm.s32 $0x1BF5;
	[smem:$0x3FBB] =	sst s0  }
0x18: {  	s0 =	sld [smem:$0x3F9E];
	_ =	swait.ge [sflag:s4], $0x0  }
0x19: {  	s7 =	sld [smem:$0x3F9F]  }
0x1a: {  	s8 =	sadd.s32 $0xFFFFE003, lr  }
0x1b: {  	s9 =	sadd.s32 $0xFFFFFEF7, lr;
	s5 =	simm.s32 $0xFFFFFFFF;
	p2 =	slt.u32 s8, $0xFFFFF086  }
0x1c: {  	p1 =	slt.u32 s9, $0xF7A;
	s5 =	simm.s32 @!p2 $0x0  }
0x1d: {  	s5 =	simm.s32 @p1 $0x1;
	p0 =	seq.s32 s7, s2  }
0x1e: {  	s7 =	smul.u32 @!p0 $0xF7A, s2;
	p2 =	seq.s32 @!p0 s5, $0x0  }
0x1f: {  	s9 =	smul.u32 $0xF7A, s1;
	s8 =	simm.s32 @!p0 $0x1BF5;
	p2 =	por !p2, p0  }
0x20: {  	[sflag:s8] =	ssyncset.s32 @!p0 $0xFFFFF086;
	s6 =	sadd.s32 @!p0 s3, s7;
	s7 =	simm.s32 @!p0 $0x108  }
0x21: {  	s3 =	sadd.s32 s3, s9;
	s6 =	sadd.s32 @!p0 $0x88, s6;
	s7 =	simm.s32 @p2 $0x1082  }
0x22: {  	[simem:s7], [sflag:s8] =	dma.local @!p0 [hbm:s6], $0xF7A  }
0x23: {  	s9 =	sor.u32 $0xD0000000, s2;
	s6 =	simm.s32 $0x108;
	_ =	swait.ge @!p0 [sflag:s8], $0x0  }
0x24: {  	s3 =	sadd.s32 $0x88, s3;
	s6 =	simm.s32 @!p1 $0x1082;
	[sflag:s4] =	ssyncset.s32 $0xFFFFF086  }
0x25: {  	[simem:s6], [sflag:s4] =	dma.local [hbm:s3], $0xF7A  }
0x26: {  	[smem:$0x3F9F] =	sst s1;
	(tag) =	ssettag s2;
	_ =	strace s9  }
0x27: {  	s1 =	sld [smem:$0x3FAF]  }
0x28: {  	s2 =	sld [smem:$0x3FB0]  }
0x29: {  	s4 =	sld [smem:$0x3FB2]  }
0x2a: {  	p0 =	seq.s32 s5, $0x0;
	s5 =	sld [smem:$0x3FB3]  }
0x2b: {  	s6 =	sld [smem:$0x3FB4]  }
0x2c: {  	s7 =	sld [smem:$0x3FB5]  }
0x2d: {  	s3 =	simm.s32 $0x108;
	s8 =	sld [smem:$0x3FB6]  }
0x2e: {  	s3 =	simm.s32 @!p0 $0x1082;
	s9 =	sld [smem:$0x3FB7]  }
0x2f: {  	lr =	sadd.s32 s0, s3;
	s0 =	sld [smem:$0x3FAE]  }
0x30: {  	s3 =	sld [smem:$0x3FB1]  }
0x31: {  	[smem:$0x3FBA] =	sst s10  }
0x32: {  	s10 =	sld [smem:$0x3FB8];
	_ =	sdelay $0x3  }
0x33: {  	p0 =	seq.s32 s10, $0x1;
	s10 =	sld [smem:$0x3FBA];
	_ =	sdelay $0x3  }
0x34: {  	[smem:$0x3FBA] =	sst s10  }
0x35: {  	s10 =	sld [smem:$0x3FB9];
	_ =	sdelay $0x3  }
0x36: {  	p1 =	seq.s32 s10, $0x1;
	s10 =	sld [smem:$0x3FBA];
	_ =	sdelay $0x3  }
0x37: {  	[smem:$0x3FBA] =	sst s10  }
0x38: {  	s10 =	sld [smem:$0x3FBB]  }
0x39: {  	_ = 	snop;
	(pc) =	sbr.ind lr, $3  }
0x3a: {  	_ = 	snop  }
0x3b: {  	_ = 	snop  }
0x3c: {  	p2 =	seq.s32 s10, $0x1;
	s10 =	sld [smem:$0x3FBA]  }
0x3d: {  	_ =	shalt  }
0x3e: {  	_ =	shalt  }
0x3f: {  	_ =	shalt  }
0x40: {  	_ =	shalt  }
0x41: {  	_ =	shalt  }
0x42: {  	_ =	shalt  }
0x43: {  	_ =	shalt  }
0x44: {  	_ =	shalt  }
0x45: {  	_ =	shalt  }
0x46: {  	_ =	shalt  }
0x47: {  	_ =	shalt  }
0x48: {  	_ =	shalt  }
0x49: {  	_ =	shalt  }
0x4a: {  	_ =	shalt  }
0x4b: {  	_ =	shalt  }
0x4c: {  	_ =	shalt  }
0x4d: {  	_ =	shalt  }
0x4e: {  	_ =	shalt  }
0x4f: {  	_ =	shalt  }
0x50: {  	_ =	shalt  }
0x51: {  	_ =	shalt  }
0x52: {  	_ =	shalt  }
0x53: {  	_ =	shalt  }
0x54: {  	_ =	shalt  }
0x55: {  	_ =	shalt  }
0x56: {  	_ =	shalt  }
0x57: {  	_ =	shalt  }
0x58: {  	_ =	shalt  }
0x59: {  	_ =	shalt  }
0x5a: {  	_ =	shalt  }
0x5b: {  	_ =	shalt  }
0x5c: {  	_ =	shalt  }
0x5d: {  	_ =	shalt  }
0x5e: {  	_ =	shalt  }
0x5f: {  	_ =	shalt  }
0x60: {  	_ =	shalt  }
0x61: {  	_ =	shalt  }
0x62: {  	_ =	shalt  }
0x63: {  	_ =	shalt  }
0x64: {  	_ =	shalt  }
0x65: {  	_ =	shalt  }
0x66: {  	_ =	shalt  }
0x67: {  	_ =	shalt  }
0x68: {  	_ =	shalt  }
0x69: {  	_ =	shalt  }
0x6a: {  	_ =	shalt  }
0x6b: {  	_ =	shalt  }
0x6c: {  	_ =	shalt  }
0x6d: {  	_ =	shalt  }
0x6e: {  	_ =	shalt  }
0x6f: {  	_ =	shalt  }
0x70: {  	_ =	shalt  }
0x71: {  	_ =	shalt  }
0x72: {  	_ =	shalt  }
0x73: {  	_ =	shalt  }
0x74: {  	_ =	shalt  }
0x75: {  	_ =	shalt  }
0x76: {  	_ =	shalt  }
0x77: {  	_ =	shalt  }
0x78: {  	_ =	shalt  }
0x79: {  	_ =	shalt  }
0x7a: {  	_ =	shalt  }
0x7b: {  	_ =	shalt  }
0x7c: {  	_ =	shalt  }
0x7d: {  	_ =	shalt  }
0x7e: {  	_ =	shalt  }
0x7f: {  	_ =	shalt  }
0x80: {  	_ =	shalt  }
0x81: {  	_ =	shalt  }
0x82: {  	_ =	shalt  }
0x83: {  	_ =	shalt  }
0x84: {  	_ =	shalt  }
0x85: {  	_ =	shalt  }
0x86: {  	_ =	shalt  }
0x87: {  	_ =	shalt  }
.Lfunc_end0:
.L_simem_size_0:
called_computation_lowered:
.L_overlay_start_0:
0x88: {  	s2 =	sld [smem:$0x3FD9]  }
0x89: {  	s3 =	sld [smem:$0x3FFE];
	_ =	sdelay $0x1  }
0x8a: {  	s1 =	srdreg.scid  }
0x8b: {  	s0 =	sand.u32 $0x1, s1  }
0x8c: {  	s17 =	sshll.u32 s0, $0xA;
	s2 =	sadd.s32 s3, s2  }
0x8d: {  	s2 =	sadd.s32 s2, s17  }
0x8e: {  	[smem:$0x3FC6] =	sst s2  }
0x8f: {  	_ = 	snop  }
0x90: {  	s2 =	sld [smem:$0x3FC8]  }
0x91: {  	s18 =	sld [smem:$0x3FD0];
	(tm) =	ssettm $0x1  }
0x92: {  	s4 =	sld [smem:$0x3FFB];
	_ =	sdelay $0x3  }
0x93: {  	_ =	strace s4  }
0x94: {  	s4 =	sld [smem:$0x3FFC];
	_ =	sdelay $0x3  }
0x95: {  	_ =	strace s4  }
0x96: {  	s4 =	sld [smem:$0x3FFD];
	_ =	sdelay $0x3  }
0x97: {  	_ =	strace s4  }
0x98: {  	_ =	strace $0x8FFFFFFF  }
0x99: {  	s19 =	sld [smem:$0x3FDB];
	_ =	sdelay $0x1  }
0x9a: {  	s5 =	simm.s32 $_scs_section_size  }
0x9b: {  	s6 =	simm.s32 $_size__tile_overlayer_lowered;
	s7 =	simm.s32 $_tile_overlayer_lowered  }
0x9c: {  	s22 =	simm.s32 $0x1BFF;
	s21 =	sshll.u32 s7, $0x1;
	s4 =	sadd.s32 s5, s19  }
0x9d: {  	s8 =	simm.s32 $0x0;
	s20 =	sshll.u32 s6, $0x1;
	s6 =	sadd.s32 s21, s4  }
0x9e: {  	[timem:s8], [sflag:s22] =	dma.local [hbm:s6], s20  }
0x9f: {  	_ =	swait.ge [sflag:s22], s20  }
0xa0: {  	s5 =	ssub.s32 $0x0, s20;
	[sflag:s22] =	ssyncset.done $0x0  }
0xa1: {  	[sflag:s22] =	ssyncadd.s32 s5;
	_ =	sdelay $0x1  }
0xa2: {  	s23 =	simm.s32 $0x1B8B  }
0xa3: {  	_ =	swait.ge [sflag:s23], $0x1  }
0xa4: {  	[sflag:s23] =	ssyncset.done $0x0  }
0xa5: {  	s25 =	simm.s32 $0x1B8E;
	s24 =	sld [smem:$0x3FFE];
	[sflag:s23] =	ssyncadd.s32 $0xFFFFFFFF  }
0xa6: {  	s26 =	simm.s32 $execute0_lowered;
	[smem:$0x3FD2] =	sst s25  }
0xa7: {  	s6 =	sshll.u32 s26, $0x1;
	_ =	strace $0x80000046;
	[dreg:$0x1] =	wrdreg $0xFFFFFFFF  }
0xa8: {  	s28 =	simm.s32 $_size_execute0_lowered;
	s4 =	sadd.s32 s4, s6;
	[dreg:$0x0] =	wrdreg $0x0  }
0xa9: {  	s6 =	sshll.u32 s28, $0x1;
	[dreg:$0x2] =	wrdreg s4  }
0xaa: {  	[dreg:$0x3] =	wrdreg s6  }
0xab: {  	[dreg:$0x4] =	wrdreg $0xC0  }
0xac: {  	_ =	task [dreg:s8], $0x5FFFF  }
0xad: {  	[dreg:$0x1] =	wrdreg $0xFFFFFFFF  }
0xae: {  	[dreg:$0x0] =	wrdreg $0x60  }
0xaf: {  	[dreg:$0x2] =	wrdreg s2  }
0xb0: {  	[dreg:$0x3] =	wrdreg s24  }
0xb1: {  	[dreg:$0x4] =	wrdreg s18  }
0xb2: {  	[dreg:$0x5] =	wrdreg $0x9  }
0xb3: {  	_ =	task.clear_ibuf [dreg:s8], $0x6FFFF;
	_ =	strace $0x90000046  }
0xb4: {  	s29 =	simm.s32 $0x9;
	_ =	strace $0x80000048  }
0xb5: {  	_ =	swait.ge [sflag:s29], $0x1  }
0xb6: {  	[sflag:s29] =	ssyncadd.s32 $0xFFFFFFFF  }
0xb7: {  	_ =	strace $0x90000048  }
0xb8: {  	_ =	sfence  }
0xb9: {  	s30 =	sld [smem:$0x0];
	_ =	sdelay $0x2  }
0xba: {  	s31 =	sshll.u32 s1, $0xD;
	s1 =	sshrl.u32 s1, $0x2  }
0xbb: {  	s3 =	sand.u32 $0x4000, s31;
	s1 =	sadd.s32 s1, s30  }
0xbc: {  	s0 =	sor.u32 s3, s0;
	s1 =	sshll.u32 s1, $0x11  }
0xbd: {  	s0 =	sor.u32 s1, s0  }
0xbe: {  	s0 =	sadd.s32 $0x8F2B, s0  }
0xbf: {  	[sflag:s0] =	ssyncadd.remote.s32 $0x1  }
0xc0: {  	_ =	sfence.sel $0xFFFF  }
0xc1: {  	[dreg:$0x0] =	wrdreg $0xFFFFFFFF;
	(pc) =	sbr.abs _section_cstart, $3  }
0xc2: {  	[dreg:$0x1] =	wrdreg $0xFFFFFFFF  }
0xc3: {  	_ =	task.clear_ibuf [dreg:s8], $0x2FFFF;
	_ =	strace $0x9FFFFFFF  }
0xc4: {  	(tm) =	ssettm $0x7FFFFFFF  }
0xc5: {  	_ =	shalt  }
tec
execute0_lowered:
.L_overlay_start_1:
0x0: {  	(tag) =	ssettag $0x1  }
0x1: {  	s1 =	rddreg [dreg:$0x0]  }
0x2: {  	s0 =	rddreg [dreg:$0x1];
	s2 =	srdreg.scid  }
0x3: {  	s7 =	stileid.u32;
	s3 =	rddreg [dreg:$0x2];
	s4 =	simm.s32 $0x0  }
0x4: {  	s31 =	simm.s32 $0x5200;
	s15 =	simm.s32 $0x7200;
	s16 =	simm.s32 $0x7A00  }
0x5: {  	s17 =	simm.s32 $0x1;
	s18 =	simm.s32 $0x8200;
	s12 =	simm.s32 $0x2  }
0x6: {  	s19 =	simm.s32 $0xC200;
	s20 =	simm.s32 $0x3;
	s21 =	simm.s32 $0x4  }
0x7: {  	s23 =	simm.s32 $0x0;
	s2 =	sand.u32 $0x1, s2;
	s5 =	sshll.u32 s7, $0x1  }
0x8: {  	[smem:$0x7FF] =	sst s4;
	s7 =	sshll.u32 s7, $0x15;
	s8 =	sadd.s32 $0x200, s1  }
0x9: {  	s9 =	sadd.s32 $0x300, s1;
	s10 =	sadd.s32 $0x400, s1;
	s11 =	sadd.s32 $0x500, s1  }
0xa: {  	s5 =	sor.u32 s2, s5;
	_ =	strace $0x80000047;
	s2 =	ssub.s32 $0x2, s2  }
0xb: {  	s7 =	sand.u32 $0x1800000, s7;
	s6 =	sshll.u32 s5, $0x6;
	s5 =	sshll.u32 s5, $0x14  }
0xc: {  	s25 =	sshrl.u32 s2, $0x1;
	s0 =	sadd.s32 s6, s0;
	s5 =	sand.u32 $0x700000, s5  }
0xd: {  	s2 =	ssub.s32 s2, s25;
	s0 =	sadd.s32 $0x400, s0;
	s7 =	sor.u32 s7, s5  }
0xe: {  	s30 =	smax.u32 s2, $0x1;
	[dreg:$0x4] =	wrdreg s0;
	s26 =	sshrl.u32 s7, $0x3  }
0xf: {  	s13 =	sadd.s32 $0x600, s1;
	[dreg:$0x9] =	wrdreg s30;
	s0 =	sadd.s32 s3, s26  }
0x10: {  	s14 =	sadd.s32 $0x700, s1;
	s28 =	sadd.s32 $0x800, s0;
	[dreg:$0x5] =	wrdreg s0  }
0x11: {  	v0 =	vlaneseq.u32;
	s6 =	sadd.s32 $0x100, s1;
	s29 =	sadd.s32 $0x1F000, s0;
	[dreg:$0x6] =	wrdreg s28  }
0x12: {  	v1 =	vshrl.u32 v0, $0x3;
	s2 =	simm.s32 $0x5A00;
	s0 =	sadd.s32 $0x1F800, s0;
	[dreg:$0x7] =	wrdreg s29  }
0x13: {  	vm0 =	vmmov $0xffff;
	v0 =	vand.u32 $0x7, v0;
	v1 =	vmul.u32 $0x8, v1;
	s5 =	simm.s32 $0x6A00;
	[dreg:$0x8] =	wrdreg s0;
	s0 =	simm.s32 $0x6200  }
.LBB2_1:
0x14: {  	[dreg:$0xa] =	wrdreg s23  }
0x15: {  	s22 =	rddreg [dreg:$0x4];
	s25 =	simm.s32 $0x5  }
0x16: {  	[tilespmem:s4], [sflag:$0x5] =	stream.linear.gather [hbm4b:s22+s4], $0x200, $0x38;
	[tilespmem:$0x10200] =	vst v63  }
0x17: {  	_ =	swait.ge [sflag:s25], $0x200  }
0x18: {  	[sflag:s25] =	ssyncset.done $0x0  }
0x19: {  	[sflag:s25] =	ssyncadd.s32 $0xFFFFFE00  }
0x1a: {  	v2 =	vld.msk [tilespmem:$0x0], $0xff;
	_ =	sdelay $0x4  }
0x1b: {  	v3 =	vshll.u32 v2, $0x4  }
0x1c: {  	v2 =	vand.u32 $0x7, v2;
	v3 =	vand.u32 $0xFFFFFF80, v3  }
0x1d: {  	v2 =	vor.u32 v2, v3  }
0x1e: {  	v2 =	vperm.xlane v2, v0;
	_ =	sdelay $0x1  }
0x1f: {  	v2 =	vadd.s32 v1, v2;
	_ =	sdelay $0x3  }
0x20: {  	s26 =	simm.s32 $0x200  }
0x21: {  	[tilespmem:s26], [sflag:$0x1] =	stream.indirect_vreg.gather [hbm4b:s1+s4], $0x80, v2, vm0, $0xb8;
	[tilespmem:$0x10200] =	vst v63  }
0x22: {  	s28 =	simm.s32 $0xA00  }
0x23: {  	[tilespmem:s28], [sflag:$0x1] =	stream.indirect_vreg.gather [hbm4b:s6+s4], $0x80, v2, vm0, $0xb8;
	[tilespmem:$0x10200] =	vst v63  }
0x24: {  	s29 =	simm.s32 $0x1200  }
0x25: {  	[tilespmem:s29], [sflag:$0x1] =	stream.indirect_vreg.gather [hbm4b:s8+s4], $0x80, v2, vm0, $0xb8;
	[tilespmem:$0x10200] =	vst v63  }
0x26: {  	s30 =	simm.s32 $0x1A00  }
0x27: {  	[tilespmem:s30], [sflag:$0x1] =	stream.indirect_vreg.gather [hbm4b:s9+s4], $0x80, v2, vm0, $0xb8;
	[tilespmem:$0x10200] =	vst v63  }
0x28: {  	s23 =	simm.s32 $0x2200  }
0x29: {  	[tilespmem:s23], [sflag:$0x1] =	stream.indirect_vreg.gather [hbm4b:s10+s4], $0x80, v2, vm0, $0xb8;
	[tilespmem:$0x10200] =	vst v63  }
0x2a: {  	s24 =	simm.s32 $0x2A00  }
0x2b: {  	[tilespmem:s24], [sflag:$0x1] =	stream.indirect_vreg.gather [hbm4b:s11+s4], $0x80, v2, vm0, $0xb8;
	[tilespmem:$0x10200] =	vst v63  }
0x2c: {  	s25 =	simm.s32 $0x3200  }
0x2d: {  	[tilespmem:s25], [sflag:$0x1] =	stream.indirect_vreg.gather [hbm4b:s13+s4], $0x80, v2, vm0, $0xb8;
	[tilespmem:$0x10200] =	vst v63  }
0x2e: {  	s26 =	simm.s32 $0x3A00  }
0x2f: {  	[tilespmem:s26], [sflag:$0x1] =	stream.indirect_vreg.gather [hbm4b:s14+s4], $0x80, v2, vm0, $0xb8;
	[tilespmem:$0x10200] =	vst v63  }
0x30: {  	v2 =	vld.msk [tilespmem:$0x8], $0xff;
	_ =	sdelay $0x4  }
0x31: {  	v3 =	vshll.u32 v2, $0x4  }
0x32: {  	v2 =	vand.u32 $0x7, v2;
	v3 =	vand.u32 $0xFFFFFF80, v3  }
0x33: {  	v2 =	vor.u32 v2, v3  }
0x34: {  	v2 =	vperm.xlane v2, v0;
	_ =	sdelay $0x1  }
0x35: {  	v2 =	vadd.s32 v1, v2;
	_ =	sdelay $0x3  }
0x36: {  	s28 =	simm.s32 $0x4200  }
0x37: {  	[tilespmem:s28], [sflag:$0x2] =	stream.indirect_vreg.gather [hbm4b:s1+s4], $0x80, v2, vm0, $0xb8;
	[tilespmem:$0x10200] =	vst v63  }
0x38: {  	s29 =	simm.s32 $0x4A00  }
0x39: {  	[tilespmem:s29], [sflag:$0x2] =	stream.indirect_vreg.gather [hbm4b:s6+s4], $0x80, v2, vm0, $0xb8;
	[tilespmem:$0x10200] =	vst v63  }
0x3a: {  	_ = 	snop  }
0x3b: {  	[tilespmem:s31], [sflag:$0x2] =	stream.indirect_vreg.gather [hbm4b:s8+s4], $0x80, v2, vm0, $0xb8;
	[tilespmem:$0x10200] =	vst v63  }
0x3c: {  	_ = 	snop  }
0x3d: {  	[tilespmem:s2], [sflag:$0x2] =	stream.indirect_vreg.gather [hbm4b:s9+s4], $0x80, v2, vm0, $0xb8;
	[tilespmem:$0x10200] =	vst v63  }
0x3e: {  	_ = 	snop  }
0x3f: {  	[tilespmem:s0], [sflag:$0x2] =	stream.indirect_vreg.gather [hbm4b:s10+s4], $0x80, v2, vm0, $0xb8;
	[tilespmem:$0x10200] =	vst v63  }
0x40: {  	_ = 	snop  }
0x41: {  	[tilespmem:s5], [sflag:$0x2] =	stream.indirect_vreg.gather [hbm4b:s11+s4], $0x80, v2, vm0, $0xb8;
	[tilespmem:$0x10200] =	vst v63  }
0x42: {  	_ = 	snop  }
0x43: {  	[tilespmem:s15], [sflag:$0x2] =	stream.indirect_vreg.gather [hbm4b:s13+s4], $0x80, v2, vm0, $0xb8;
	[tilespmem:$0x10200] =	vst v63  }
0x44: {  	_ = 	snop  }
0x45: {  	[tilespmem:s16], [sflag:$0x2] =	stream.indirect_vreg.gather [hbm4b:s14+s4], $0x80, v2, vm0, $0xb8;
	[tilespmem:$0x10200] =	vst v63  }
0x46: {  	_ =	swait.ge [sflag:s17], $0x4000  }
0x47: {  	[sflag:s17] =	ssyncset.done $0x0  }
0x48: {  	s30 =	simm.s32 $0x240;
	[sflag:s17] =	ssyncadd.s32 $0xFFFFC000  }
0x49: {  	v4 =	vld [tilespmem:s30+$0x30]  }
0x4a: {  	v6 =	vld [tilespmem:s30+$0xFFFFFFD0]  }
0x4b: {  	v8 =	vld [tilespmem:s30+$0xFFFFFFE0]  }
0x4c: {  	v5 =	vld [tilespmem:s30+$0xFFFFFFF0]  }
0x4d: {  	v3 =	vld [tilespmem:s30+$0x0]  }
0x4e: {  	v2 =	vld [tilespmem:s30+$0x10];
	v9 =	vmul.f32 $4.525483320e+01, v4  }
0x4f: {  	s22 =	simm.s32 $0x8240;
	s23 =	simm.s32 $0x82F0;
	v4 =	vld [tilespmem:s30+$0x20];
	v7 =	vmul.f32 $4.525483320e+01, v6  }
0x50: {  	s24 =	simm.s32 $0x2F0;
	s25 =	simm.s32 $0x0;
	s26 =	simm.s32 $0x640;
	v6 =	vld [tilespmem:s30+$0xFFFFFFC0];
	v8 =	vmul.f32 $4.525483320e+01, v8;
	[tilespmem:s22+$0x30] =	vst v9  }
.LBB2_2:
0x51: {  	v9 =	vld [tilespmem:s26+$0x30];
	s25 =	sadd.s32 $0x80, s25;
	[tilespmem:s22+$0xFFFFFFD0] =	vst v7;
	v5 =	vmul.f32 $4.525483320e+01, v5  }
0x52: {  	v7 =	vld [tilespmem:s26+$0xFFFFFFD0];
	p0 =	slt.u32 s25, $0x780;
	[tilespmem:s22+$0xFFFFFFE0] =	vst v8;
	v3 =	vmul.f32 $4.525483320e+01, v3  }
0x53: {  	v8 =	vld [tilespmem:s26+$0xFFFFFFE0];
	[tilespmem:s22+$0xFFFFFFF0] =	vst v5;
	v2 =	vmul.f32 $4.525483320e+01, v2  }
.Ltmp0:
0x54: {  	v5 =	vld [tilespmem:s26+$0xFFFFFFF0];
	[tilespmem:s22+$0x0] =	vst v3;
	v4 =	vmul.f32 $4.525483320e+01, v4;
	(pc) =	sbr.rel @p0 .LBB2_2-.Ltmp0, $4  }
0x55: {  	v3 =	vld [tilespmem:s26+$0x0];
	v6 =	vmul.f32 $4.525483320e+01, v6;
	[tilespmem:s22+$0x10] =	vst v2  }
0x56: {  	v2 =	vld [tilespmem:s26+$0x10];
	v9 =	vmul.f32 $4.525483320e+01, v9;
	[tilespmem:s22+$0x20] =	vst v4  }
0x57: {  	v7 =	vmul.f32 $4.525483320e+01, v7;
	v4 =	vld [tilespmem:s26+$0x20];
	[tilespmem:s22+$0xFFFFFFC0] =	vst v6;
	s22 =	sadd.s32 $0x400, s22  }
0x58: {  	v6 =	vld [tilespmem:s26+$0xFFFFFFC0];
	v8 =	vmul.f32 $4.525483320e+01, v8;
	[tilespmem:s22+$0x30] =	vst v9;
	s26 =	sadd.s32 $0x400, s26  }
0x59: {  	[tilespmem:s22+$0xFFFFFFD0] =	vst v7;
	v5 =	vmul.f32 $4.525483320e+01, v5  }
0x5a: {  	[tilespmem:s22+$0xFFFFFFE0] =	vst v8;
	v3 =	vmul.f32 $4.525483320e+01, v3  }
0x5b: {  	[tilespmem:s22+$0xFFFFFFF0] =	vst v5;
	v2 =	vmul.f32 $4.525483320e+01, v2  }
0x5c: {  	[tilespmem:s22+$0x0] =	vst v3;
	v3 =	vmul.f32 $4.525483320e+01, v4  }
0x5d: {  	v4 =	vmul.f32 $4.525483320e+01, v6;
	[tilespmem:s22+$0x10] =	vst v2  }
0x5e: {  	[tilespmem:s22+$0x20] =	vst v3  }
0x5f: {  	[tilespmem:s22+$0xFFFFFFC0] =	vst v4  }
0x60: {  	v4 =	vld [tilespmem:s24+$0x0]  }
0x61: {  	v6 =	vld [tilespmem:s24+$0xFFFFFFA0]  }
0x62: {  	v8 =	vld [tilespmem:s24+$0xFFFFFFB0]  }
0x63: {  	v5 =	vld [tilespmem:s24+$0xFFFFFFC0]  }
0x64: {  	v3 =	vld [tilespmem:s24+$0xFFFFFFD0]  }
0x65: {  	v2 =	vld [tilespmem:s24+$0xFFFFFFE0];
	v9 =	vmul.f32 $4.525483320e+01, v4  }
0x66: {  	s26 =	simm.s32 $0x0;
	v4 =	vld [tilespmem:s24+$0xFFFFFFF0];
	v7 =	vmul.f32 $4.525483320e+01, v6  }
0x67: {  	s25 =	simm.s32 $0x370;
	s22 =	simm.s32 $0x8370;
	v6 =	vld [tilespmem:s24+$0xFFFFFF90];
	v8 =	vmul.f32 $4.525483320e+01, v8;
	s24 =	simm.s32 $0x6F0;
	[tilespmem:s23+$0x0] =	vst v9  }
.LBB2_4:
0x68: {  	v9 =	vld [tilespmem:s24+$0x0];
	s26 =	sadd.s32 $0x80, s26;
	[tilespmem:s23+$0xFFFFFFA0] =	vst v7;
	v5 =	vmul.f32 $4.525483320e+01, v5  }
0x69: {  	v7 =	vld [tilespmem:s24+$0xFFFFFFA0];
	p0 =	slt.u32 s26, $0x780;
	[tilespmem:s23+$0xFFFFFFB0] =	vst v8;
	v3 =	vmul.f32 $4.525483320e+01, v3  }
0x6a: {  	v8 =	vld [tilespmem:s24+$0xFFFFFFB0];
	[tilespmem:s23+$0xFFFFFFC0] =	vst v5;
	v2 =	vmul.f32 $4.525483320e+01, v2  }
.Ltmp1:
0x6b: {  	v5 =	vld [tilespmem:s24+$0xFFFFFFC0];
	[tilespmem:s23+$0xFFFFFFD0] =	vst v3;
	v4 =	vmul.f32 $4.525483320e+01, v4;
	(pc) =	sbr.rel @p0 .LBB2_4-.Ltmp1, $4  }
0x6c: {  	v3 =	vld [tilespmem:s24+$0xFFFFFFD0];
	v6 =	vmul.f32 $4.525483320e+01, v6;
	[tilespmem:s23+$0xFFFFFFE0] =	vst v2  }
0x6d: {  	v2 =	vld [tilespmem:s24+$0xFFFFFFE0];
	v9 =	vmul.f32 $4.525483320e+01, v9;
	[tilespmem:s23+$0xFFFFFFF0] =	vst v4  }
0x6e: {  	v7 =	vmul.f32 $4.525483320e+01, v7;
	v4 =	vld [tilespmem:s24+$0xFFFFFFF0];
	[tilespmem:s23+$0xFFFFFF90] =	vst v6;
	s23 =	sadd.s32 $0x400, s23  }
0x6f: {  	v6 =	vld [tilespmem:s24+$0xFFFFFF90];
	v8 =	vmul.f32 $4.525483320e+01, v8;
	[tilespmem:s23+$0x0] =	vst v9;
	s24 =	sadd.s32 $0x400, s24  }
0x70: {  	[tilespmem:s23+$0xFFFFFFA0] =	vst v7;
	v5 =	vmul.f32 $4.525483320e+01, v5  }
0x71: {  	[tilespmem:s23+$0xFFFFFFB0] =	vst v8;
	v3 =	vmul.f32 $4.525483320e+01, v3  }
0x72: {  	[tilespmem:s23+$0xFFFFFFC0] =	vst v5;
	v2 =	vmul.f32 $4.525483320e+01, v2  }
0x73: {  	[tilespmem:s23+$0xFFFFFFD0] =	vst v3;
	v3 =	vmul.f32 $4.525483320e+01, v4  }
0x74: {  	v4 =	vmul.f32 $4.525483320e+01, v6;
	[tilespmem:s23+$0xFFFFFFE0] =	vst v2  }
0x75: {  	[tilespmem:s23+$0xFFFFFFF0] =	vst v3  }
0x76: {  	[tilespmem:s23+$0xFFFFFF90] =	vst v4  }
0x77: {  	v4 =	vld [tilespmem:s25+$0x0]  }
0x78: {  	v6 =	vld [tilespmem:s25+$0xFFFFFFA0]  }
0x79: {  	v8 =	vld [tilespmem:s25+$0xFFFFFFB0]  }
0x7a: {  	v5 =	vld [tilespmem:s25+$0xFFFFFFC0]  }
0x7b: {  	v3 =	vld [tilespmem:s25+$0xFFFFFFD0]  }
0x7c: {  	v2 =	vld [tilespmem:s25+$0xFFFFFFE0];
	v9 =	vmul.f32 $4.525483320e+01, v4  }
0x7d: {  	s26 =	simm.s32 $0x0;
	v4 =	vld [tilespmem:s25+$0xFFFFFFF0];
	v7 =	vmul.f32 $4.525483320e+01, v6  }
0x7e: {  	s24 =	simm.s32 $0x3F0;
	s23 =	simm.s32 $0x83F0;
	v6 =	vld [tilespmem:s25+$0xFFFFFF90];
	v8 =	vmul.f32 $4.525483320e+01, v8;
	s25 =	simm.s32 $0x770;
	[tilespmem:s22+$0x0] =	vst v9  }
.LBB2_6:
0x7f: {  	v9 =	vld [tilespmem:s25+$0x0];
	s26 =	sadd.s32 $0x80, s26;
	[tilespmem:s22+$0xFFFFFFA0] =	vst v7;
	v5 =	vmul.f32 $4.525483320e+01, v5  }
0x80: {  	v7 =	vld [tilespmem:s25+$0xFFFFFFA0];
	p0 =	slt.u32 s26, $0x780;
	[tilespmem:s22+$0xFFFFFFB0] =	vst v8;
	v3 =	vmul.f32 $4.525483320e+01, v3  }
0x81: {  	v8 =	vld [tilespmem:s25+$0xFFFFFFB0];
	[tilespmem:s22+$0xFFFFFFC0] =	vst v5;
	v2 =	vmul.f32 $4.525483320e+01, v2  }
.Ltmp2:
0x82: {  	v5 =	vld [tilespmem:s25+$0xFFFFFFC0];
	[tilespmem:s22+$0xFFFFFFD0] =	vst v3;
	v4 =	vmul.f32 $4.525483320e+01, v4;
	(pc) =	sbr.rel @p0 .LBB2_6-.Ltmp2, $4  }
0x83: {  	v3 =	vld [tilespmem:s25+$0xFFFFFFD0];
	v6 =	vmul.f32 $4.525483320e+01, v6;
	[tilespmem:s22+$0xFFFFFFE0] =	vst v2  }
0x84: {  	v2 =	vld [tilespmem:s25+$0xFFFFFFE0];
	v9 =	vmul.f32 $4.525483320e+01, v9;
	[tilespmem:s22+$0xFFFFFFF0] =	vst v4  }
0x85: {  	v7 =	vmul.f32 $4.525483320e+01, v7;
	v4 =	vld [tilespmem:s25+$0xFFFFFFF0];
	[tilespmem:s22+$0xFFFFFF90] =	vst v6;
	s22 =	sadd.s32 $0x400, s22  }
0x86: {  	v6 =	vld [tilespmem:s25+$0xFFFFFF90];
	v8 =	vmul.f32 $4.525483320e+01, v8;
	[tilespmem:s22+$0x0] =	vst v9;
	s25 =	sadd.s32 $0x400, s25  }
0x87: {  	[tilespmem:s22+$0xFFFFFFA0] =	vst v7;
	v5 =	vmul.f32 $4.525483320e+01, v5  }
0x88: {  	[tilespmem:s22+$0xFFFFFFB0] =	vst v8;
	v3 =	vmul.f32 $4.525483320e+01, v3  }
0x89: {  	[tilespmem:s22+$0xFFFFFFC0] =	vst v5;
	v2 =	vmul.f32 $4.525483320e+01, v2  }
0x8a: {  	[tilespmem:s22+$0xFFFFFFD0] =	vst v3;
	v3 =	vmul.f32 $4.525483320e+01, v4  }
0x8b: {  	v4 =	vmul.f32 $4.525483320e+01, v6;
	[tilespmem:s22+$0xFFFFFFE0] =	vst v2  }
0x8c: {  	[tilespmem:s22+$0xFFFFFFF0] =	vst v3  }
0x8d: {  	[tilespmem:s22+$0xFFFFFF90] =	vst v4  }
0x8e: {  	v4 =	vld [tilespmem:s24+$0x0]  }
0x8f: {  	v6 =	vld [tilespmem:s24+$0xFFFFFFA0]  }
0x90: {  	v8 =	vld [tilespmem:s24+$0xFFFFFFB0]  }
0x91: {  	v5 =	vld [tilespmem:s24+$0xFFFFFFC0]  }
0x92: {  	v3 =	vld [tilespmem:s24+$0xFFFFFFD0]  }
0x93: {  	v2 =	vld [tilespmem:s24+$0xFFFFFFE0];
	v9 =	vmul.f32 $4.525483320e+01, v4  }
0x94: {  	s26 =	simm.s32 $0x0;
	v4 =	vld [tilespmem:s24+$0xFFFFFFF0];
	v7 =	vmul.f32 $4.525483320e+01, v6  }
0x95: {  	s25 =	simm.s32 $0x470;
	s22 =	simm.s32 $0x8470;
	v6 =	vld [tilespmem:s24+$0xFFFFFF90];
	v8 =	vmul.f32 $4.525483320e+01, v8;
	s24 =	simm.s32 $0x7F0;
	[tilespmem:s23+$0x0] =	vst v9  }
.LBB2_8:
0x96: {  	v9 =	vld [tilespmem:s24+$0x0];
	s26 =	sadd.s32 $0x80, s26;
	[tilespmem:s23+$0xFFFFFFA0] =	vst v7;
	v5 =	vmul.f32 $4.525483320e+01, v5  }
0x97: {  	v7 =	vld [tilespmem:s24+$0xFFFFFFA0];
	p0 =	slt.u32 s26, $0x780;
	[tilespmem:s23+$0xFFFFFFB0] =	vst v8;
	v3 =	vmul.f32 $4.525483320e+01, v3  }
0x98: {  	v8 =	vld [tilespmem:s24+$0xFFFFFFB0];
	[tilespmem:s23+$0xFFFFFFC0] =	vst v5;
	v2 =	vmul.f32 $4.525483320e+01, v2  }
.Ltmp3:
0x99: {  	v5 =	vld [tilespmem:s24+$0xFFFFFFC0];
	[tilespmem:s23+$0xFFFFFFD0] =	vst v3;
	v4 =	vmul.f32 $4.525483320e+01, v4;
	(pc) =	sbr.rel @p0 .LBB2_8-.Ltmp3, $4  }
0x9a: {  	v3 =	vld [tilespmem:s24+$0xFFFFFFD0];
	v6 =	vmul.f32 $4.525483320e+01, v6;
	[tilespmem:s23+$0xFFFFFFE0] =	vst v2  }
0x9b: {  	v2 =	vld [tilespmem:s24+$0xFFFFFFE0];
	v9 =	vmul.f32 $4.525483320e+01, v9;
	[tilespmem:s23+$0xFFFFFFF0] =	vst v4  }
0x9c: {  	v7 =	vmul.f32 $4.525483320e+01, v7;
	v4 =	vld [tilespmem:s24+$0xFFFFFFF0];
	[tilespmem:s23+$0xFFFFFF90] =	vst v6;
	s23 =	sadd.s32 $0x400, s23  }
0x9d: {  	v6 =	vld [tilespmem:s24+$0xFFFFFF90];
	v8 =	vmul.f32 $4.525483320e+01, v8;
	[tilespmem:s23+$0x0] =	vst v9;
	s24 =	sadd.s32 $0x400, s24  }
0x9e: {  	[tilespmem:s23+$0xFFFFFFA0] =	vst v7;
	v5 =	vmul.f32 $4.525483320e+01, v5  }
0x9f: {  	[tilespmem:s23+$0xFFFFFFB0] =	vst v8;
	v3 =	vmul.f32 $4.525483320e+01, v3  }
0xa0: {  	[tilespmem:s23+$0xFFFFFFC0] =	vst v5;
	v2 =	vmul.f32 $4.525483320e+01, v2  }
0xa1: {  	[tilespmem:s23+$0xFFFFFFD0] =	vst v3;
	v3 =	vmul.f32 $4.525483320e+01, v4  }
0xa2: {  	v4 =	vmul.f32 $4.525483320e+01, v6;
	[tilespmem:s23+$0xFFFFFFE0] =	vst v2  }
0xa3: {  	[tilespmem:s23+$0xFFFFFFF0] =	vst v3  }
0xa4: {  	[tilespmem:s23+$0xFFFFFF90] =	vst v4  }
0xa5: {  	v4 =	vld [tilespmem:s25+$0x0]  }
0xa6: {  	v6 =	vld [tilespmem:s25+$0xFFFFFFA0]  }
0xa7: {  	v8 =	vld [tilespmem:s25+$0xFFFFFFB0]  }
0xa8: {  	v5 =	vld [tilespmem:s25+$0xFFFFFFC0]  }
0xa9: {  	v3 =	vld [tilespmem:s25+$0xFFFFFFD0]  }
0xaa: {  	v2 =	vld [tilespmem:s25+$0xFFFFFFE0];
	v9 =	vmul.f32 $4.525483320e+01, v4  }
0xab: {  	s26 =	simm.s32 $0x0;
	v4 =	vld [tilespmem:s25+$0xFFFFFFF0];
	v7 =	vmul.f32 $4.525483320e+01, v6  }
0xac: {  	s24 =	simm.s32 $0x4F0;
	s23 =	simm.s32 $0x84F0;
	v6 =	vld [tilespmem:s25+$0xFFFFFF90];
	v8 =	vmul.f32 $4.525483320e+01, v8;
	s25 =	simm.s32 $0x870;
	[tilespmem:s22+$0x0] =	vst v9  }
.LBB2_10:
0xad: {  	v9 =	vld [tilespmem:s25+$0x0];
	s26 =	sadd.s32 $0x80, s26;
	[tilespmem:s22+$0xFFFFFFA0] =	vst v7;
	v5 =	vmul.f32 $4.525483320e+01, v5  }
0xae: {  	v7 =	vld [tilespmem:s25+$0xFFFFFFA0];
	p0 =	slt.u32 s26, $0x780;
	[tilespmem:s22+$0xFFFFFFB0] =	vst v8;
	v3 =	vmul.f32 $4.525483320e+01, v3  }
0xaf: {  	v8 =	vld [tilespmem:s25+$0xFFFFFFB0];
	[tilespmem:s22+$0xFFFFFFC0] =	vst v5;
	v2 =	vmul.f32 $4.525483320e+01, v2  }
.Ltmp4:
0xb0: {  	v5 =	vld [tilespmem:s25+$0xFFFFFFC0];
	[tilespmem:s22+$0xFFFFFFD0] =	vst v3;
	v4 =	vmul.f32 $4.525483320e+01, v4;
	(pc) =	sbr.rel @p0 .LBB2_10-.Ltmp4, $4  }
0xb1: {  	v3 =	vld [tilespmem:s25+$0xFFFFFFD0];
	v6 =	vmul.f32 $4.525483320e+01, v6;
	[tilespmem:s22+$0xFFFFFFE0] =	vst v2  }
0xb2: {  	v2 =	vld [tilespmem:s25+$0xFFFFFFE0];
	v9 =	vmul.f32 $4.525483320e+01, v9;
	[tilespmem:s22+$0xFFFFFFF0] =	vst v4  }
0xb3: {  	v7 =	vmul.f32 $4.525483320e+01, v7;
	v4 =	vld [tilespmem:s25+$0xFFFFFFF0];
	[tilespmem:s22+$0xFFFFFF90] =	vst v6;
	s22 =	sadd.s32 $0x400, s22  }
0xb4: {  	v6 =	vld [tilespmem:s25+$0xFFFFFF90];
	v8 =	vmul.f32 $4.525483320e+01, v8;
	[tilespmem:s22+$0x0] =	vst v9;
	s25 =	sadd.s32 $0x400, s25  }
0xb5: {  	[tilespmem:s22+$0xFFFFFFA0] =	vst v7;
	v5 =	vmul.f32 $4.525483320e+01, v5  }
0xb6: {  	[tilespmem:s22+$0xFFFFFFB0] =	vst v8;
	v3 =	vmul.f32 $4.525483320e+01, v3  }
0xb7: {  	[tilespmem:s22+$0xFFFFFFC0] =	vst v5;
	v2 =	vmul.f32 $4.525483320e+01, v2  }
0xb8: {  	[tilespmem:s22+$0xFFFFFFD0] =	vst v3;
	v3 =	vmul.f32 $4.525483320e+01, v4  }
0xb9: {  	v4 =	vmul.f32 $4.525483320e+01, v6;
	[tilespmem:s22+$0xFFFFFFE0] =	vst v2  }
0xba: {  	[tilespmem:s22+$0xFFFFFFF0] =	vst v3  }
0xbb: {  	[tilespmem:s22+$0xFFFFFF90] =	vst v4  }
0xbc: {  	v4 =	vld [tilespmem:s24+$0x0]  }
0xbd: {  	v6 =	vld [tilespmem:s24+$0xFFFFFFA0]  }
0xbe: {  	v8 =	vld [tilespmem:s24+$0xFFFFFFB0]  }
0xbf: {  	v5 =	vld [tilespmem:s24+$0xFFFFFFC0]  }
0xc0: {  	v3 =	vld [tilespmem:s24+$0xFFFFFFD0]  }
0xc1: {  	v2 =	vld [tilespmem:s24+$0xFFFFFFE0];
	v9 =	vmul.f32 $4.525483320e+01, v4  }
0xc2: {  	s26 =	simm.s32 $0x0;
	v4 =	vld [tilespmem:s24+$0xFFFFFFF0];
	v7 =	vmul.f32 $4.525483320e+01, v6  }
0xc3: {  	s25 =	simm.s32 $0x570;
	s22 =	simm.s32 $0x8570;
	v6 =	vld [tilespmem:s24+$0xFFFFFF90];
	v8 =	vmul.f32 $4.525483320e+01, v8;
	s24 =	simm.s32 $0x8F0;
	[tilespmem:s23+$0x0] =	vst v9  }
.LBB2_12:
0xc4: {  	v9 =	vld [tilespmem:s24+$0x0];
	s26 =	sadd.s32 $0x80, s26;
	[tilespmem:s23+$0xFFFFFFA0] =	vst v7;
	v5 =	vmul.f32 $4.525483320e+01, v5  }
0xc5: {  	v7 =	vld [tilespmem:s24+$0xFFFFFFA0];
	p0 =	slt.u32 s26, $0x780;
	[tilespmem:s23+$0xFFFFFFB0] =	vst v8;
	v3 =	vmul.f32 $4.525483320e+01, v3  }
0xc6: {  	v8 =	vld [tilespmem:s24+$0xFFFFFFB0];
	[tilespmem:s23+$0xFFFFFFC0] =	vst v5;
	v2 =	vmul.f32 $4.525483320e+01, v2  }
.Ltmp5:
0xc7: {  	v5 =	vld [tilespmem:s24+$0xFFFFFFC0];
	[tilespmem:s23+$0xFFFFFFD0] =	vst v3;
	v4 =	vmul.f32 $4.525483320e+01, v4;
	(pc) =	sbr.rel @p0 .LBB2_12-.Ltmp5, $4  }
0xc8: {  	v3 =	vld [tilespmem:s24+$0xFFFFFFD0];
	v6 =	vmul.f32 $4.525483320e+01, v6;
	[tilespmem:s23+$0xFFFFFFE0] =	vst v2  }
0xc9: {  	v2 =	vld [tilespmem:s24+$0xFFFFFFE0];
	v9 =	vmul.f32 $4.525483320e+01, v9;
	[tilespmem:s23+$0xFFFFFFF0] =	vst v4  }
0xca: {  	v7 =	vmul.f32 $4.525483320e+01, v7;
	v4 =	vld [tilespmem:s24+$0xFFFFFFF0];
	[tilespmem:s23+$0xFFFFFF90] =	vst v6;
	s23 =	sadd.s32 $0x400, s23  }
0xcb: {  	v6 =	vld [tilespmem:s24+$0xFFFFFF90];
	v8 =	vmul.f32 $4.525483320e+01, v8;
	[tilespmem:s23+$0x0] =	vst v9;
	s24 =	sadd.s32 $0x400, s24  }
0xcc: {  	[tilespmem:s23+$0xFFFFFFA0] =	vst v7;
	v5 =	vmul.f32 $4.525483320e+01, v5  }
0xcd: {  	[tilespmem:s23+$0xFFFFFFB0] =	vst v8;
	v3 =	vmul.f32 $4.525483320e+01, v3  }
0xce: {  	[tilespmem:s23+$0xFFFFFFC0] =	vst v5;
	v2 =	vmul.f32 $4.525483320e+01, v2  }
0xcf: {  	[tilespmem:s23+$0xFFFFFFD0] =	vst v3;
	v3 =	vmul.f32 $4.525483320e+01, v4  }
0xd0: {  	v4 =	vmul.f32 $4.525483320e+01, v6;
	[tilespmem:s23+$0xFFFFFFE0] =	vst v2  }
0xd1: {  	[tilespmem:s23+$0xFFFFFFF0] =	vst v3  }
0xd2: {  	[tilespmem:s23+$0xFFFFFF90] =	vst v4  }
0xd3: {  	v4 =	vld [tilespmem:s25+$0x0]  }
0xd4: {  	v6 =	vld [tilespmem:s25+$0xFFFFFFA0]  }
0xd5: {  	v8 =	vld [tilespmem:s25+$0xFFFFFFB0]  }
0xd6: {  	v5 =	vld [tilespmem:s25+$0xFFFFFFC0]  }
0xd7: {  	v3 =	vld [tilespmem:s25+$0xFFFFFFD0]  }
0xd8: {  	v2 =	vld [tilespmem:s25+$0xFFFFFFE0];
	v9 =	vmul.f32 $4.525483320e+01, v4  }
0xd9: {  	s26 =	simm.s32 $0x0;
	v4 =	vld [tilespmem:s25+$0xFFFFFFF0];
	v7 =	vmul.f32 $4.525483320e+01, v6  }
0xda: {  	s24 =	simm.s32 $0x5F0;
	s23 =	simm.s32 $0x85F0;
	v6 =	vld [tilespmem:s25+$0xFFFFFF90];
	v8 =	vmul.f32 $4.525483320e+01, v8;
	s25 =	simm.s32 $0x970;
	[tilespmem:s22+$0x0] =	vst v9  }
.LBB2_14:
0xdb: {  	v9 =	vld [tilespmem:s25+$0x0];
	s26 =	sadd.s32 $0x80, s26;
	[tilespmem:s22+$0xFFFFFFA0] =	vst v7;
	v5 =	vmul.f32 $4.525483320e+01, v5  }
0xdc: {  	v7 =	vld [tilespmem:s25+$0xFFFFFFA0];
	p0 =	slt.u32 s26, $0x780;
	[tilespmem:s22+$0xFFFFFFB0] =	vst v8;
	v3 =	vmul.f32 $4.525483320e+01, v3  }
0xdd: {  	v8 =	vld [tilespmem:s25+$0xFFFFFFB0];
	[tilespmem:s22+$0xFFFFFFC0] =	vst v5;
	v2 =	vmul.f32 $4.525483320e+01, v2  }
.Ltmp6:
0xde: {  	v5 =	vld [tilespmem:s25+$0xFFFFFFC0];
	[tilespmem:s22+$0xFFFFFFD0] =	vst v3;
	v4 =	vmul.f32 $4.525483320e+01, v4;
	(pc) =	sbr.rel @p0 .LBB2_14-.Ltmp6, $4  }
0xdf: {  	v3 =	vld [tilespmem:s25+$0xFFFFFFD0];
	v6 =	vmul.f32 $4.525483320e+01, v6;
	[tilespmem:s22+$0xFFFFFFE0] =	vst v2  }
0xe0: {  	v2 =	vld [tilespmem:s25+$0xFFFFFFE0];
	v9 =	vmul.f32 $4.525483320e+01, v9;
	[tilespmem:s22+$0xFFFFFFF0] =	vst v4  }
0xe1: {  	v7 =	vmul.f32 $4.525483320e+01, v7;
	v4 =	vld [tilespmem:s25+$0xFFFFFFF0];
	[tilespmem:s22+$0xFFFFFF90] =	vst v6;
	s22 =	sadd.s32 $0x400, s22  }
0xe2: {  	v6 =	vld [tilespmem:s25+$0xFFFFFF90];
	v8 =	vmul.f32 $4.525483320e+01, v8;
	[tilespmem:s22+$0x0] =	vst v9;
	s25 =	sadd.s32 $0x400, s25  }
0xe3: {  	[tilespmem:s22+$0xFFFFFFA0] =	vst v7;
	v5 =	vmul.f32 $4.525483320e+01, v5  }
0xe4: {  	[tilespmem:s22+$0xFFFFFFB0] =	vst v8;
	v3 =	vmul.f32 $4.525483320e+01, v3  }
0xe5: {  	[tilespmem:s22+$0xFFFFFFC0] =	vst v5;
	v2 =	vmul.f32 $4.525483320e+01, v2  }
0xe6: {  	[tilespmem:s22+$0xFFFFFFD0] =	vst v3;
	v3 =	vmul.f32 $4.525483320e+01, v4  }
0xe7: {  	v4 =	vmul.f32 $4.525483320e+01, v6;
	[tilespmem:s22+$0xFFFFFFE0] =	vst v2  }
0xe8: {  	[tilespmem:s22+$0xFFFFFFF0] =	vst v3  }
0xe9: {  	[tilespmem:s22+$0xFFFFFF90] =	vst v4  }
0xea: {  	v4 =	vld [tilespmem:s24+$0x0]  }
0xeb: {  	v6 =	vld [tilespmem:s24+$0xFFFFFFA0]  }
0xec: {  	v8 =	vld [tilespmem:s24+$0xFFFFFFB0]  }
0xed: {  	v5 =	vld [tilespmem:s24+$0xFFFFFFC0]  }
0xee: {  	v3 =	vld [tilespmem:s24+$0xFFFFFFD0]  }
0xef: {  	v2 =	vld [tilespmem:s24+$0xFFFFFFE0];
	v9 =	vmul.f32 $4.525483320e+01, v4  }
0xf0: {  	v4 =	vld [tilespmem:s24+$0xFFFFFFF0];
	v7 =	vmul.f32 $4.525483320e+01, v6  }
0xf1: {  	s22 =	simm.s32 $0x0;
	v6 =	vld [tilespmem:s24+$0xFFFFFF90];
	v8 =	vmul.f32 $4.525483320e+01, v8;
	s24 =	simm.s32 $0x9F0;
	[tilespmem:s23+$0x0] =	vst v9  }
.LBB2_16:
0xf2: {  	v9 =	vld [tilespmem:s24+$0x0];
	s22 =	sadd.s32 $0x80, s22;
	[tilespmem:s23+$0xFFFFFFA0] =	vst v7;
	v5 =	vmul.f32 $4.525483320e+01, v5  }
0xf3: {  	v7 =	vld [tilespmem:s24+$0xFFFFFFA0];
	p0 =	slt.u32 s22, $0x780;
	[tilespmem:s23+$0xFFFFFFB0] =	vst v8;
	v3 =	vmul.f32 $4.525483320e+01, v3  }
0xf4: {  	v8 =	vld [tilespmem:s24+$0xFFFFFFB0];
	[tilespmem:s23+$0xFFFFFFC0] =	vst v5;
	v2 =	vmul.f32 $4.525483320e+01, v2  }
.Ltmp7:
0xf5: {  	v5 =	vld [tilespmem:s24+$0xFFFFFFC0];
	[tilespmem:s23+$0xFFFFFFD0] =	vst v3;
	v4 =	vmul.f32 $4.525483320e+01, v4;
	(pc) =	sbr.rel @p0 .LBB2_16-.Ltmp7, $4  }
0xf6: {  	v3 =	vld [tilespmem:s24+$0xFFFFFFD0];
	v6 =	vmul.f32 $4.525483320e+01, v6;
	[tilespmem:s23+$0xFFFFFFE0] =	vst v2  }
0xf7: {  	v2 =	vld [tilespmem:s24+$0xFFFFFFE0];
	v9 =	vmul.f32 $4.525483320e+01, v9;
	[tilespmem:s23+$0xFFFFFFF0] =	vst v4  }
0xf8: {  	v7 =	vmul.f32 $4.525483320e+01, v7;
	v4 =	vld [tilespmem:s24+$0xFFFFFFF0];
	[tilespmem:s23+$0xFFFFFF90] =	vst v6;
	s23 =	sadd.s32 $0x400, s23  }
0xf9: {  	v6 =	vld [tilespmem:s24+$0xFFFFFF90];
	v8 =	vmul.f32 $4.525483320e+01, v8;
	[tilespmem:s23+$0x0] =	vst v9;
	s24 =	sadd.s32 $0x400, s24  }
0xfa: {  	[tilespmem:s23+$0xFFFFFFA0] =	vst v7;
	v5 =	vmul.f32 $4.525483320e+01, v5  }
0xfb: {  	[tilespmem:s23+$0xFFFFFFB0] =	vst v8;
	v3 =	vmul.f32 $4.525483320e+01, v3  }
0xfc: {  	[tilespmem:s23+$0xFFFFFFC0] =	vst v5;
	v2 =	vmul.f32 $4.525483320e+01, v2  }
0xfd: {  	[tilespmem:s23+$0xFFFFFFD0] =	vst v3;
	v3 =	vmul.f32 $4.525483320e+01, v4  }
0xfe: {  	v4 =	vmul.f32 $4.525483320e+01, v6;
	[tilespmem:s23+$0xFFFFFFE0] =	vst v2  }
0xff: {  	[tilespmem:s23+$0xFFFFFFF0] =	vst v3  }
0x100: {  	[tilespmem:s23+$0xFFFFFF90] =	vst v4  }
0x101: {  	s22 =	rddreg [dreg:$0x5]  }
0x102: {  	[hbm4b:s22+s4] =	stream.linear.scatter [tilespmem:s18], [sflag:$0x3], $0x4000, $0x38;
	[tilespmem:$0x10200] =	vst v63  }
0x103: {  	v2 =	vld.msk [tilespmem:$0x10], $0xff;
	_ =	sdelay $0x4  }
0x104: {  	v3 =	vshll.u32 v2, $0x4  }
0x105: {  	v2 =	vand.u32 $0x7, v2;
	v3 =	vand.u32 $0xFFFFFF80, v3  }
0x106: {  	v2 =	vor.u32 v2, v3  }
0x107: {  	v2 =	vperm.xlane v2, v0;
	_ =	sdelay $0x1  }
0x108: {  	v2 =	vadd.s32 v1, v2;
	_ =	sdelay $0x3  }
0x109: {  	s29 =	simm.s32 $0x200  }
0x10a: {  	[tilespmem:s29], [sflag:$0x1] =	stream.indirect_vreg.gather [hbm4b:s1+s4], $0x80, v2, vm0, $0xb8;
	[tilespmem:$0x10200] =	vst v63  }
0x10b: {  	s30 =	simm.s32 $0xA00  }
0x10c: {  	[tilespmem:s30], [sflag:$0x1] =	stream.indirect_vreg.gather [hbm4b:s6+s4], $0x80, v2, vm0, $0xb8;
	[tilespmem:$0x10200] =	vst v63  }
0x10d: {  	s23 =	simm.s32 $0x1200  }
0x10e: {  	[tilespmem:s23], [sflag:$0x1] =	stream.indirect_vreg.gather [hbm4b:s8+s4], $0x80, v2, vm0, $0xb8;
	[tilespmem:$0x10200] =	vst v63  }
0x10f: {  	s24 =	simm.s32 $0x1A00  }
0x110: {  	[tilespmem:s24], [sflag:$0x1] =	stream.indirect_vreg.gather [hbm4b:s9+s4], $0x80, v2, vm0, $0xb8;
	[tilespmem:$0x10200] =	vst v63  }
0x111: {  	s25 =	simm.s32 $0x2200  }
0x112: {  	[tilespmem:s25], [sflag:$0x1] =	stream.indirect_vreg.gather [hbm4b:s10+s4], $0x80, v2, vm0, $0xb8;
	[tilespmem:$0x10200] =	vst v63  }
0x113: {  	s26 =	simm.s32 $0x2A00  }
0x114: {  	[tilespmem:s26], [sflag:$0x1] =	stream.indirect_vreg.gather [hbm4b:s11+s4], $0x80, v2, vm0, $0xb8;
	[tilespmem:$0x10200] =	vst v63  }
0x115: {  	s28 =	simm.s32 $0x3200  }
0x116: {  	[tilespmem:s28], [sflag:$0x1] =	stream.indirect_vreg.gather [hbm4b:s13+s4], $0x80, v2, vm0, $0xb8;
	[tilespmem:$0x10200] =	vst v63  }
0x117: {  	s29 =	simm.s32 $0x3A00  }
0x118: {  	[tilespmem:s29], [sflag:$0x1] =	stream.indirect_vreg.gather [hbm4b:s14+s4], $0x80, v2, vm0, $0xb8;
	[tilespmem:$0x10200] =	vst v63  }
0x119: {  	_ =	swait.ge [sflag:s12], $0x4000  }
0x11a: {  	[sflag:s12] =	ssyncset.done $0x0  }
0x11b: {  	s30 =	simm.s32 $0x4240;
	[sflag:s12] =	ssyncadd.s32 $0xFFFFC000  }
0x11c: {  	v4 =	vld [tilespmem:s30+$0x30]  }
0x11d: {  	v6 =	vld [tilespmem:s30+$0xFFFFFFD0]  }
0x11e: {  	v8 =	vld [tilespmem:s30+$0xFFFFFFE0]  }
0x11f: {  	v5 =	vld [tilespmem:s30+$0xFFFFFFF0]  }
0x120: {  	v3 =	vld [tilespmem:s30+$0x0]  }
0x121: {  	v2 =	vld [tilespmem:s30+$0x10];
	v9 =	vmul.f32 $4.525483320e+01, v4  }
0x122: {  	s22 =	simm.s32 $0xC240;
	s23 =	simm.s32 $0xC2F0;
	v4 =	vld [tilespmem:s30+$0x20];
	v7 =	vmul.f32 $4.525483320e+01, v6  }
0x123: {  	s24 =	simm.s32 $0x42F0;
	s25 =	simm.s32 $0x0;
	s26 =	simm.s32 $0x4640;
	v6 =	vld [tilespmem:s30+$0xFFFFFFC0];
	v8 =	vmul.f32 $4.525483320e+01, v8;
	[tilespmem:s22+$0x30] =	vst v9  }
.LBB2_18:
0x124: {  	v9 =	vld [tilespmem:s26+$0x30];
	s25 =	sadd.s32 $0x80, s25;
	[tilespmem:s22+$0xFFFFFFD0] =	vst v7;
	v5 =	vmul.f32 $4.525483320e+01, v5  }
0x125: {  	v7 =	vld [tilespmem:s26+$0xFFFFFFD0];
	p0 =	slt.u32 s25, $0x780;
	[tilespmem:s22+$0xFFFFFFE0] =	vst v8;
	v3 =	vmul.f32 $4.525483320e+01, v3  }
0x126: {  	v8 =	vld [tilespmem:s26+$0xFFFFFFE0];
	[tilespmem:s22+$0xFFFFFFF0] =	vst v5;
	v2 =	vmul.f32 $4.525483320e+01, v2  }
.Ltmp8:
0x127: {  	v5 =	vld [tilespmem:s26+$0xFFFFFFF0];
	[tilespmem:s22+$0x0] =	vst v3;
	v4 =	vmul.f32 $4.525483320e+01, v4;
	(pc) =	sbr.rel @p0 .LBB2_18-.Ltmp8, $4  }
0x128: {  	v3 =	vld [tilespmem:s26+$0x0];
	v6 =	vmul.f32 $4.525483320e+01, v6;
	[tilespmem:s22+$0x10] =	vst v2  }
0x129: {  	v2 =	vld [tilespmem:s26+$0x10];
	v9 =	vmul.f32 $4.525483320e+01, v9;
	[tilespmem:s22+$0x20] =	vst v4  }
0x12a: {  	v7 =	vmul.f32 $4.525483320e+01, v7;
	v4 =	vld [tilespmem:s26+$0x20];
	[tilespmem:s22+$0xFFFFFFC0] =	vst v6;
	s22 =	sadd.s32 $0x400, s22  }
0x12b: {  	v6 =	vld [tilespmem:s26+$0xFFFFFFC0];
	v8 =	vmul.f32 $4.525483320e+01, v8;
	[tilespmem:s22+$0x30] =	vst v9;
	s26 =	sadd.s32 $0x400, s26  }
0x12c: {  	[tilespmem:s22+$0xFFFFFFD0] =	vst v7;
	v5 =	vmul.f32 $4.525483320e+01, v5  }
0x12d: {  	[tilespmem:s22+$0xFFFFFFE0] =	vst v8;
	v3 =	vmul.f32 $4.525483320e+01, v3  }
0x12e: {  	[tilespmem:s22+$0xFFFFFFF0] =	vst v5;
	v2 =	vmul.f32 $4.525483320e+01, v2  }
0x12f: {  	[tilespmem:s22+$0x0] =	vst v3;
	v3 =	vmul.f32 $4.525483320e+01, v4  }
0x130: {  	v4 =	vmul.f32 $4.525483320e+01, v6;
	[tilespmem:s22+$0x10] =	vst v2  }
0x131: {  	[tilespmem:s22+$0x20] =	vst v3  }
0x132: {  	[tilespmem:s22+$0xFFFFFFC0] =	vst v4  }
0x133: {  	v4 =	vld [tilespmem:s24+$0x0]  }
0x134: {  	v6 =	vld [tilespmem:s24+$0xFFFFFFA0]  }
0x135: {  	v8 =	vld [tilespmem:s24+$0xFFFFFFB0]  }
0x136: {  	v5 =	vld [tilespmem:s24+$0xFFFFFFC0]  }
0x137: {  	v3 =	vld [tilespmem:s24+$0xFFFFFFD0]  }
0x138: {  	v2 =	vld [tilespmem:s24+$0xFFFFFFE0];
	v9 =	vmul.f32 $4.525483320e+01, v4  }
0x139: {  	s26 =	simm.s32 $0x0;
	v4 =	vld [tilespmem:s24+$0xFFFFFFF0];
	v7 =	vmul.f32 $4.525483320e+01, v6  }
0x13a: {  	s25 =	simm.s32 $0x4370;
	s22 =	simm.s32 $0xC370;
	v6 =	vld [tilespmem:s24+$0xFFFFFF90];
	v8 =	vmul.f32 $4.525483320e+01, v8;
	s24 =	simm.s32 $0x46F0;
	[tilespmem:s23+$0x0] =	vst v9  }
.LBB2_20:
0x13b: {  	v9 =	vld [tilespmem:s24+$0x0];
	s26 =	sadd.s32 $0x80, s26;
	[tilespmem:s23+$0xFFFFFFA0] =	vst v7;
	v5 =	vmul.f32 $4.525483320e+01, v5  }
0x13c: {  	v7 =	vld [tilespmem:s24+$0xFFFFFFA0];
	p0 =	slt.u32 s26, $0x780;
	[tilespmem:s23+$0xFFFFFFB0] =	vst v8;
	v3 =	vmul.f32 $4.525483320e+01, v3  }
0x13d: {  	v8 =	vld [tilespmem:s24+$0xFFFFFFB0];
	[tilespmem:s23+$0xFFFFFFC0] =	vst v5;
	v2 =	vmul.f32 $4.525483320e+01, v2  }
.Ltmp9:
0x13e: {  	v5 =	vld [tilespmem:s24+$0xFFFFFFC0];
	[tilespmem:s23+$0xFFFFFFD0] =	vst v3;
	v4 =	vmul.f32 $4.525483320e+01, v4;
	(pc) =	sbr.rel @p0 .LBB2_20-.Ltmp9, $4  }
0x13f: {  	v3 =	vld [tilespmem:s24+$0xFFFFFFD0];
	v6 =	vmul.f32 $4.525483320e+01, v6;
	[tilespmem:s23+$0xFFFFFFE0] =	vst v2  }
0x140: {  	v2 =	vld [tilespmem:s24+$0xFFFFFFE0];
	v9 =	vmul.f32 $4.525483320e+01, v9;
	[tilespmem:s23+$0xFFFFFFF0] =	vst v4  }
0x141: {  	v7 =	vmul.f32 $4.525483320e+01, v7;
	v4 =	vld [tilespmem:s24+$0xFFFFFFF0];
	[tilespmem:s23+$0xFFFFFF90] =	vst v6;
	s23 =	sadd.s32 $0x400, s23  }
0x142: {  	v6 =	vld [tilespmem:s24+$0xFFFFFF90];
	v8 =	vmul.f32 $4.525483320e+01, v8;
	[tilespmem:s23+$0x0] =	vst v9;
	s24 =	sadd.s32 $0x400, s24  }
0x143: {  	[tilespmem:s23+$0xFFFFFFA0] =	vst v7;
	v5 =	vmul.f32 $4.525483320e+01, v5  }
0x144: {  	[tilespmem:s23+$0xFFFFFFB0] =	vst v8;
	v3 =	vmul.f32 $4.525483320e+01, v3  }
0x145: {  	[tilespmem:s23+$0xFFFFFFC0] =	vst v5;
	v2 =	vmul.f32 $4.525483320e+01, v2  }
0x146: {  	[tilespmem:s23+$0xFFFFFFD0] =	vst v3;
	v3 =	vmul.f32 $4.525483320e+01, v4  }
0x147: {  	v4 =	vmul.f32 $4.525483320e+01, v6;
	[tilespmem:s23+$0xFFFFFFE0] =	vst v2  }
0x148: {  	[tilespmem:s23+$0xFFFFFFF0] =	vst v3  }
0x149: {  	[tilespmem:s23+$0xFFFFFF90] =	vst v4  }
0x14a: {  	v4 =	vld [tilespmem:s25+$0x0]  }
0x14b: {  	v6 =	vld [tilespmem:s25+$0xFFFFFFA0]  }
0x14c: {  	v8 =	vld [tilespmem:s25+$0xFFFFFFB0]  }
0x14d: {  	v5 =	vld [tilespmem:s25+$0xFFFFFFC0]  }
0x14e: {  	v3 =	vld [tilespmem:s25+$0xFFFFFFD0]  }
0x14f: {  	v2 =	vld [tilespmem:s25+$0xFFFFFFE0];
	v9 =	vmul.f32 $4.525483320e+01, v4  }
0x150: {  	s26 =	simm.s32 $0x0;
	v4 =	vld [tilespmem:s25+$0xFFFFFFF0];
	v7 =	vmul.f32 $4.525483320e+01, v6  }
0x151: {  	s24 =	simm.s32 $0x43F0;
	s23 =	simm.s32 $0xC3F0;
	v6 =	vld [tilespmem:s25+$0xFFFFFF90];
	v8 =	vmul.f32 $4.525483320e+01, v8;
	s25 =	simm.s32 $0x4770;
	[tilespmem:s22+$0x0] =	vst v9  }
.LBB2_22:
0x152: {  	v9 =	vld [tilespmem:s25+$0x0];
	s26 =	sadd.s32 $0x80, s26;
	[tilespmem:s22+$0xFFFFFFA0] =	vst v7;
	v5 =	vmul.f32 $4.525483320e+01, v5  }
0x153: {  	v7 =	vld [tilespmem:s25+$0xFFFFFFA0];
	p0 =	slt.u32 s26, $0x780;
	[tilespmem:s22+$0xFFFFFFB0] =	vst v8;
	v3 =	vmul.f32 $4.525483320e+01, v3  }
0x154: {  	v8 =	vld [tilespmem:s25+$0xFFFFFFB0];
	[tilespmem:s22+$0xFFFFFFC0] =	vst v5;
	v2 =	vmul.f32 $4.525483320e+01, v2  }
.Ltmp10:
0x155: {  	v5 =	vld [tilespmem:s25+$0xFFFFFFC0];
	[tilespmem:s22+$0xFFFFFFD0] =	vst v3;
	v4 =	vmul.f32 $4.525483320e+01, v4;
	(pc) =	sbr.rel @p0 .LBB2_22-.Ltmp10, $4  }
0x156: {  	v3 =	vld [tilespmem:s25+$0xFFFFFFD0];
	v6 =	vmul.f32 $4.525483320e+01, v6;
	[tilespmem:s22+$0xFFFFFFE0] =	vst v2  }
0x157: {  	v2 =	vld [tilespmem:s25+$0xFFFFFFE0];
	v9 =	vmul.f32 $4.525483320e+01, v9;
	[tilespmem:s22+$0xFFFFFFF0] =	vst v4  }
0x158: {  	v7 =	vmul.f32 $4.525483320e+01, v7;
	v4 =	vld [tilespmem:s25+$0xFFFFFFF0];
	[tilespmem:s22+$0xFFFFFF90] =	vst v6;
	s22 =	sadd.s32 $0x400, s22  }
0x159: {  	v6 =	vld [tilespmem:s25+$0xFFFFFF90];
	v8 =	vmul.f32 $4.525483320e+01, v8;
	[tilespmem:s22+$0x0] =	vst v9;
	s25 =	sadd.s32 $0x400, s25  }
0x15a: {  	[tilespmem:s22+$0xFFFFFFA0] =	vst v7;
	v5 =	vmul.f32 $4.525483320e+01, v5  }
0x15b: {  	[tilespmem:s22+$0xFFFFFFB0] =	vst v8;
	v3 =	vmul.f32 $4.525483320e+01, v3  }
0x15c: {  	[tilespmem:s22+$0xFFFFFFC0] =	vst v5;
	v2 =	vmul.f32 $4.525483320e+01, v2  }
0x15d: {  	[tilespmem:s22+$0xFFFFFFD0] =	vst v3;
	v3 =	vmul.f32 $4.525483320e+01, v4  }
0x15e: {  	v4 =	vmul.f32 $4.525483320e+01, v6;
	[tilespmem:s22+$0xFFFFFFE0] =	vst v2  }
0x15f: {  	[tilespmem:s22+$0xFFFFFFF0] =	vst v3  }
0x160: {  	[tilespmem:s22+$0xFFFFFF90] =	vst v4  }
0x161: {  	v4 =	vld [tilespmem:s24+$0x0]  }
0x162: {  	v6 =	vld [tilespmem:s24+$0xFFFFFFA0]  }
0x163: {  	v8 =	vld [tilespmem:s24+$0xFFFFFFB0]  }
0x164: {  	v5 =	vld [tilespmem:s24+$0xFFFFFFC0]  }
0x165: {  	v3 =	vld [tilespmem:s24+$0xFFFFFFD0]  }
0x166: {  	v2 =	vld [tilespmem:s24+$0xFFFFFFE0];
	v9 =	vmul.f32 $4.525483320e+01, v4  }
0x167: {  	s26 =	simm.s32 $0x0;
	v4 =	vld [tilespmem:s24+$0xFFFFFFF0];
	v7 =	vmul.f32 $4.525483320e+01, v6  }
0x168: {  	s25 =	simm.s32 $0x4470;
	s22 =	simm.s32 $0xC470;
	v6 =	vld [tilespmem:s24+$0xFFFFFF90];
	v8 =	vmul.f32 $4.525483320e+01, v8;
	s24 =	simm.s32 $0x47F0;
	[tilespmem:s23+$0x0] =	vst v9  }
.LBB2_24:
0x169: {  	v9 =	vld [tilespmem:s24+$0x0];
	s26 =	sadd.s32 $0x80, s26;
	[tilespmem:s23+$0xFFFFFFA0] =	vst v7;
	v5 =	vmul.f32 $4.525483320e+01, v5  }
0x16a: {  	v7 =	vld [tilespmem:s24+$0xFFFFFFA0];
	p0 =	slt.u32 s26, $0x780;
	[tilespmem:s23+$0xFFFFFFB0] =	vst v8;
	v3 =	vmul.f32 $4.525483320e+01, v3  }
0x16b: {  	v8 =	vld [tilespmem:s24+$0xFFFFFFB0];
	[tilespmem:s23+$0xFFFFFFC0] =	vst v5;
	v2 =	vmul.f32 $4.525483320e+01, v2  }
.Ltmp11:
0x16c: {  	v5 =	vld [tilespmem:s24+$0xFFFFFFC0];
	[tilespmem:s23+$0xFFFFFFD0] =	vst v3;
	v4 =	vmul.f32 $4.525483320e+01, v4;
	(pc) =	sbr.rel @p0 .LBB2_24-.Ltmp11, $4  }
0x16d: {  	v3 =	vld [tilespmem:s24+$0xFFFFFFD0];
	v6 =	vmul.f32 $4.525483320e+01, v6;
	[tilespmem:s23+$0xFFFFFFE0] =	vst v2  }
0x16e: {  	v2 =	vld [tilespmem:s24+$0xFFFFFFE0];
	v9 =	vmul.f32 $4.525483320e+01, v9;
	[tilespmem:s23+$0xFFFFFFF0] =	vst v4  }
0x16f: {  	v7 =	vmul.f32 $4.525483320e+01, v7;
	v4 =	vld [tilespmem:s24+$0xFFFFFFF0];
	[tilespmem:s23+$0xFFFFFF90] =	vst v6;
	s23 =	sadd.s32 $0x400, s23  }
0x170: {  	v6 =	vld [tilespmem:s24+$0xFFFFFF90];
	v8 =	vmul.f32 $4.525483320e+01, v8;
	[tilespmem:s23+$0x0] =	vst v9;
	s24 =	sadd.s32 $0x400, s24  }
0x171: {  	[tilespmem:s23+$0xFFFFFFA0] =	vst v7;
	v5 =	vmul.f32 $4.525483320e+01, v5  }
0x172: {  	[tilespmem:s23+$0xFFFFFFB0] =	vst v8;
	v3 =	vmul.f32 $4.525483320e+01, v3  }
0x173: {  	[tilespmem:s23+$0xFFFFFFC0] =	vst v5;
	v2 =	vmul.f32 $4.525483320e+01, v2  }
0x174: {  	[tilespmem:s23+$0xFFFFFFD0] =	vst v3;
	v3 =	vmul.f32 $4.525483320e+01, v4  }
0x175: {  	v4 =	vmul.f32 $4.525483320e+01, v6;
	[tilespmem:s23+$0xFFFFFFE0] =	vst v2  }
0x176: {  	[tilespmem:s23+$0xFFFFFFF0] =	vst v3  }
0x177: {  	[tilespmem:s23+$0xFFFFFF90] =	vst v4  }
0x178: {  	v4 =	vld [tilespmem:s25+$0x0]  }
0x179: {  	v6 =	vld [tilespmem:s25+$0xFFFFFFA0]  }
0x17a: {  	v8 =	vld [tilespmem:s25+$0xFFFFFFB0]  }
0x17b: {  	v5 =	vld [tilespmem:s25+$0xFFFFFFC0]  }
0x17c: {  	v3 =	vld [tilespmem:s25+$0xFFFFFFD0]  }
0x17d: {  	v2 =	vld [tilespmem:s25+$0xFFFFFFE0];
	v9 =	vmul.f32 $4.525483320e+01, v4  }
0x17e: {  	s26 =	simm.s32 $0x0;
	v4 =	vld [tilespmem:s25+$0xFFFFFFF0];
	v7 =	vmul.f32 $4.525483320e+01, v6  }
0x17f: {  	s24 =	simm.s32 $0x44F0;
	s23 =	simm.s32 $0xC4F0;
	v6 =	vld [tilespmem:s25+$0xFFFFFF90];
	v8 =	vmul.f32 $4.525483320e+01, v8;
	s25 =	simm.s32 $0x4870;
	[tilespmem:s22+$0x0] =	vst v9  }
.LBB2_26:
0x180: {  	v9 =	vld [tilespmem:s25+$0x0];
	s26 =	sadd.s32 $0x80, s26;
	[tilespmem:s22+$0xFFFFFFA0] =	vst v7;
	v5 =	vmul.f32 $4.525483320e+01, v5  }
0x181: {  	v7 =	vld [tilespmem:s25+$0xFFFFFFA0];
	p0 =	slt.u32 s26, $0x780;
	[tilespmem:s22+$0xFFFFFFB0] =	vst v8;
	v3 =	vmul.f32 $4.525483320e+01, v3  }
0x182: {  	v8 =	vld [tilespmem:s25+$0xFFFFFFB0];
	[tilespmem:s22+$0xFFFFFFC0] =	vst v5;
	v2 =	vmul.f32 $4.525483320e+01, v2  }
.Ltmp12:
0x183: {  	v5 =	vld [tilespmem:s25+$0xFFFFFFC0];
	[tilespmem:s22+$0xFFFFFFD0] =	vst v3;
	v4 =	vmul.f32 $4.525483320e+01, v4;
	(pc) =	sbr.rel @p0 .LBB2_26-.Ltmp12, $4  }
0x184: {  	v3 =	vld [tilespmem:s25+$0xFFFFFFD0];
	v6 =	vmul.f32 $4.525483320e+01, v6;
	[tilespmem:s22+$0xFFFFFFE0] =	vst v2  }
0x185: {  	v2 =	vld [tilespmem:s25+$0xFFFFFFE0];
	v9 =	vmul.f32 $4.525483320e+01, v9;
	[tilespmem:s22+$0xFFFFFFF0] =	vst v4  }
0x186: {  	v7 =	vmul.f32 $4.525483320e+01, v7;
	v4 =	vld [tilespmem:s25+$0xFFFFFFF0];
	[tilespmem:s22+$0xFFFFFF90] =	vst v6;
	s22 =	sadd.s32 $0x400, s22  }
0x187: {  	v6 =	vld [tilespmem:s25+$0xFFFFFF90];
	v8 =	vmul.f32 $4.525483320e+01, v8;
	[tilespmem:s22+$0x0] =	vst v9;
	s25 =	sadd.s32 $0x400, s25  }
0x188: {  	[tilespmem:s22+$0xFFFFFFA0] =	vst v7;
	v5 =	vmul.f32 $4.525483320e+01, v5  }
0x189: {  	[tilespmem:s22+$0xFFFFFFB0] =	vst v8;
	v3 =	vmul.f32 $4.525483320e+01, v3  }
0x18a: {  	[tilespmem:s22+$0xFFFFFFC0] =	vst v5;
	v2 =	vmul.f32 $4.525483320e+01, v2  }
0x18b: {  	[tilespmem:s22+$0xFFFFFFD0] =	vst v3;
	v3 =	vmul.f32 $4.525483320e+01, v4  }
0x18c: {  	v4 =	vmul.f32 $4.525483320e+01, v6;
	[tilespmem:s22+$0xFFFFFFE0] =	vst v2  }
0x18d: {  	[tilespmem:s22+$0xFFFFFFF0] =	vst v3  }
0x18e: {  	[tilespmem:s22+$0xFFFFFF90] =	vst v4  }
0x18f: {  	v4 =	vld [tilespmem:s24+$0x0]  }
0x190: {  	v6 =	vld [tilespmem:s24+$0xFFFFFFA0]  }
0x191: {  	v8 =	vld [tilespmem:s24+$0xFFFFFFB0]  }
0x192: {  	v5 =	vld [tilespmem:s24+$0xFFFFFFC0]  }
0x193: {  	v3 =	vld [tilespmem:s24+$0xFFFFFFD0]  }
0x194: {  	v2 =	vld [tilespmem:s24+$0xFFFFFFE0];
	v9 =	vmul.f32 $4.525483320e+01, v4  }
0x195: {  	s26 =	simm.s32 $0x0;
	v4 =	vld [tilespmem:s24+$0xFFFFFFF0];
	v7 =	vmul.f32 $4.525483320e+01, v6  }
0x196: {  	s25 =	simm.s32 $0x4570;
	s22 =	simm.s32 $0xC570;
	v6 =	vld [tilespmem:s24+$0xFFFFFF90];
	v8 =	vmul.f32 $4.525483320e+01, v8;
	s24 =	simm.s32 $0x48F0;
	[tilespmem:s23+$0x0] =	vst v9  }
.LBB2_28:
0x197: {  	v9 =	vld [tilespmem:s24+$0x0];
	s26 =	sadd.s32 $0x80, s26;
	[tilespmem:s23+$0xFFFFFFA0] =	vst v7;
	v5 =	vmul.f32 $4.525483320e+01, v5  }
0x198: {  	v7 =	vld [tilespmem:s24+$0xFFFFFFA0];
	p0 =	slt.u32 s26, $0x780;
	[tilespmem:s23+$0xFFFFFFB0] =	vst v8;
	v3 =	vmul.f32 $4.525483320e+01, v3  }
0x199: {  	v8 =	vld [tilespmem:s24+$0xFFFFFFB0];
	[tilespmem:s23+$0xFFFFFFC0] =	vst v5;
	v2 =	vmul.f32 $4.525483320e+01, v2  }
.Ltmp13:
0x19a: {  	v5 =	vld [tilespmem:s24+$0xFFFFFFC0];
	[tilespmem:s23+$0xFFFFFFD0] =	vst v3;
	v4 =	vmul.f32 $4.525483320e+01, v4;
	(pc) =	sbr.rel @p0 .LBB2_28-.Ltmp13, $4  }
0x19b: {  	v3 =	vld [tilespmem:s24+$0xFFFFFFD0];
	v6 =	vmul.f32 $4.525483320e+01, v6;
	[tilespmem:s23+$0xFFFFFFE0] =	vst v2  }
0x19c: {  	v2 =	vld [tilespmem:s24+$0xFFFFFFE0];
	v9 =	vmul.f32 $4.525483320e+01, v9;
	[tilespmem:s23+$0xFFFFFFF0] =	vst v4  }
0x19d: {  	v7 =	vmul.f32 $4.525483320e+01, v7;
	v4 =	vld [tilespmem:s24+$0xFFFFFFF0];
	[tilespmem:s23+$0xFFFFFF90] =	vst v6;
	s23 =	sadd.s32 $0x400, s23  }
0x19e: {  	v6 =	vld [tilespmem:s24+$0xFFFFFF90];
	v8 =	vmul.f32 $4.525483320e+01, v8;
	[tilespmem:s23+$0x0] =	vst v9;
	s24 =	sadd.s32 $0x400, s24  }
0x19f: {  	[tilespmem:s23+$0xFFFFFFA0] =	vst v7;
	v5 =	vmul.f32 $4.525483320e+01, v5  }
0x1a0: {  	[tilespmem:s23+$0xFFFFFFB0] =	vst v8;
	v3 =	vmul.f32 $4.525483320e+01, v3  }
0x1a1: {  	[tilespmem:s23+$0xFFFFFFC0] =	vst v5;
	v2 =	vmul.f32 $4.525483320e+01, v2  }
0x1a2: {  	[tilespmem:s23+$0xFFFFFFD0] =	vst v3;
	v3 =	vmul.f32 $4.525483320e+01, v4  }
0x1a3: {  	v4 =	vmul.f32 $4.525483320e+01, v6;
	[tilespmem:s23+$0xFFFFFFE0] =	vst v2  }
0x1a4: {  	[tilespmem:s23+$0xFFFFFFF0] =	vst v3  }
0x1a5: {  	[tilespmem:s23+$0xFFFFFF90] =	vst v4  }
0x1a6: {  	v4 =	vld [tilespmem:s25+$0x0]  }
0x1a7: {  	v6 =	vld [tilespmem:s25+$0xFFFFFFA0]  }
0x1a8: {  	v8 =	vld [tilespmem:s25+$0xFFFFFFB0]  }
0x1a9: {  	v5 =	vld [tilespmem:s25+$0xFFFFFFC0]  }
0x1aa: {  	v3 =	vld [tilespmem:s25+$0xFFFFFFD0]  }
0x1ab: {  	v2 =	vld [tilespmem:s25+$0xFFFFFFE0];
	v9 =	vmul.f32 $4.525483320e+01, v4  }
0x1ac: {  	s26 =	simm.s32 $0x0;
	v4 =	vld [tilespmem:s25+$0xFFFFFFF0];
	v7 =	vmul.f32 $4.525483320e+01, v6  }
0x1ad: {  	s24 =	simm.s32 $0x45F0;
	s23 =	simm.s32 $0xC5F0;
	v6 =	vld [tilespmem:s25+$0xFFFFFF90];
	v8 =	vmul.f32 $4.525483320e+01, v8;
	s25 =	simm.s32 $0x4970;
	[tilespmem:s22+$0x0] =	vst v9  }
.LBB2_30:
0x1ae: {  	v9 =	vld [tilespmem:s25+$0x0];
	s26 =	sadd.s32 $0x80, s26;
	[tilespmem:s22+$0xFFFFFFA0] =	vst v7;
	v5 =	vmul.f32 $4.525483320e+01, v5  }
0x1af: {  	v7 =	vld [tilespmem:s25+$0xFFFFFFA0];
	p0 =	slt.u32 s26, $0x780;
	[tilespmem:s22+$0xFFFFFFB0] =	vst v8;
	v3 =	vmul.f32 $4.525483320e+01, v3  }
0x1b0: {  	v8 =	vld [tilespmem:s25+$0xFFFFFFB0];
	[tilespmem:s22+$0xFFFFFFC0] =	vst v5;
	v2 =	vmul.f32 $4.525483320e+01, v2  }
.Ltmp14:
0x1b1: {  	v5 =	vld [tilespmem:s25+$0xFFFFFFC0];
	[tilespmem:s22+$0xFFFFFFD0] =	vst v3;
	v4 =	vmul.f32 $4.525483320e+01, v4;
	(pc) =	sbr.rel @p0 .LBB2_30-.Ltmp14, $4  }
0x1b2: {  	v3 =	vld [tilespmem:s25+$0xFFFFFFD0];
	v6 =	vmul.f32 $4.525483320e+01, v6;
	[tilespmem:s22+$0xFFFFFFE0] =	vst v2  }
0x1b3: {  	v2 =	vld [tilespmem:s25+$0xFFFFFFE0];
	v9 =	vmul.f32 $4.525483320e+01, v9;
	[tilespmem:s22+$0xFFFFFFF0] =	vst v4  }
0x1b4: {  	v7 =	vmul.f32 $4.525483320e+01, v7;
	v4 =	vld [tilespmem:s25+$0xFFFFFFF0];
	[tilespmem:s22+$0xFFFFFF90] =	vst v6;
	s22 =	sadd.s32 $0x400, s22  }
0x1b5: {  	v6 =	vld [tilespmem:s25+$0xFFFFFF90];
	v8 =	vmul.f32 $4.525483320e+01, v8;
	[tilespmem:s22+$0x0] =	vst v9;
	s25 =	sadd.s32 $0x400, s25  }
0x1b6: {  	[tilespmem:s22+$0xFFFFFFA0] =	vst v7;
	v5 =	vmul.f32 $4.525483320e+01, v5  }
0x1b7: {  	[tilespmem:s22+$0xFFFFFFB0] =	vst v8;
	v3 =	vmul.f32 $4.525483320e+01, v3  }
0x1b8: {  	[tilespmem:s22+$0xFFFFFFC0] =	vst v5;
	v2 =	vmul.f32 $4.525483320e+01, v2  }
0x1b9: {  	[tilespmem:s22+$0xFFFFFFD0] =	vst v3;
	v3 =	vmul.f32 $4.525483320e+01, v4  }
0x1ba: {  	v4 =	vmul.f32 $4.525483320e+01, v6;
	[tilespmem:s22+$0xFFFFFFE0] =	vst v2  }
0x1bb: {  	[tilespmem:s22+$0xFFFFFFF0] =	vst v3  }
0x1bc: {  	[tilespmem:s22+$0xFFFFFF90] =	vst v4  }
0x1bd: {  	v4 =	vld [tilespmem:s24+$0x0]  }
0x1be: {  	v6 =	vld [tilespmem:s24+$0xFFFFFFA0]  }
0x1bf: {  	v8 =	vld [tilespmem:s24+$0xFFFFFFB0]  }
0x1c0: {  	v5 =	vld [tilespmem:s24+$0xFFFFFFC0]  }
0x1c1: {  	v3 =	vld [tilespmem:s24+$0xFFFFFFD0]  }
0x1c2: {  	v2 =	vld [tilespmem:s24+$0xFFFFFFE0];
	v9 =	vmul.f32 $4.525483320e+01, v4  }
0x1c3: {  	v4 =	vld [tilespmem:s24+$0xFFFFFFF0];
	v7 =	vmul.f32 $4.525483320e+01, v6  }
0x1c4: {  	s22 =	simm.s32 $0x0;
	v6 =	vld [tilespmem:s24+$0xFFFFFF90];
	v8 =	vmul.f32 $4.525483320e+01, v8;
	s24 =	simm.s32 $0x49F0;
	[tilespmem:s23+$0x0] =	vst v9  }
.LBB2_32:
0x1c5: {  	v9 =	vld [tilespmem:s24+$0x0];
	s22 =	sadd.s32 $0x80, s22;
	[tilespmem:s23+$0xFFFFFFA0] =	vst v7;
	v5 =	vmul.f32 $4.525483320e+01, v5  }
0x1c6: {  	v7 =	vld [tilespmem:s24+$0xFFFFFFA0];
	p0 =	slt.u32 s22, $0x780;
	[tilespmem:s23+$0xFFFFFFB0] =	vst v8;
	v3 =	vmul.f32 $4.525483320e+01, v3  }
0x1c7: {  	v8 =	vld [tilespmem:s24+$0xFFFFFFB0];
	[tilespmem:s23+$0xFFFFFFC0] =	vst v5;
	v2 =	vmul.f32 $4.525483320e+01, v2  }
.Ltmp15:
0x1c8: {  	v5 =	vld [tilespmem:s24+$0xFFFFFFC0];
	[tilespmem:s23+$0xFFFFFFD0] =	vst v3;
	v4 =	vmul.f32 $4.525483320e+01, v4;
	(pc) =	sbr.rel @p0 .LBB2_32-.Ltmp15, $4  }
0x1c9: {  	v3 =	vld [tilespmem:s24+$0xFFFFFFD0];
	v6 =	vmul.f32 $4.525483320e+01, v6;
	[tilespmem:s23+$0xFFFFFFE0] =	vst v2  }
0x1ca: {  	v2 =	vld [tilespmem:s24+$0xFFFFFFE0];
	v9 =	vmul.f32 $4.525483320e+01, v9;
	[tilespmem:s23+$0xFFFFFFF0] =	vst v4  }
0x1cb: {  	v7 =	vmul.f32 $4.525483320e+01, v7;
	v4 =	vld [tilespmem:s24+$0xFFFFFFF0];
	[tilespmem:s23+$0xFFFFFF90] =	vst v6;
	s23 =	sadd.s32 $0x400, s23  }
0x1cc: {  	v6 =	vld [tilespmem:s24+$0xFFFFFF90];
	v8 =	vmul.f32 $4.525483320e+01, v8;
	[tilespmem:s23+$0x0] =	vst v9;
	s24 =	sadd.s32 $0x400, s24  }
0x1cd: {  	[tilespmem:s23+$0xFFFFFFA0] =	vst v7;
	v5 =	vmul.f32 $4.525483320e+01, v5  }
0x1ce: {  	[tilespmem:s23+$0xFFFFFFB0] =	vst v8;
	v3 =	vmul.f32 $4.525483320e+01, v3  }
0x1cf: {  	[tilespmem:s23+$0xFFFFFFC0] =	vst v5;
	v2 =	vmul.f32 $4.525483320e+01, v2  }
0x1d0: {  	[tilespmem:s23+$0xFFFFFFD0] =	vst v3;
	v3 =	vmul.f32 $4.525483320e+01, v4  }
0x1d1: {  	v63 =	vmul.f32 $4.525483320e+01, v6;
	[tilespmem:s23+$0xFFFFFFE0] =	vst v2  }
0x1d2: {  	[tilespmem:s23+$0xFFFFFFF0] =	vst v3  }
0x1d3: {  	[tilespmem:s23+$0xFFFFFF90] =	vst v63  }
0x1d4: {  	s22 =	rddreg [dreg:$0x6]  }
0x1d5: {  	[hbm4b:s22+s4] =	stream.linear.scatter [tilespmem:s19], [sflag:$0x4], $0x4000, $0x38;
	[tilespmem:$0x10200] =	vst v63  }
0x1d6: {  	v2 =	vld.msk [tilespmem:$0x18], $0xff;
	_ =	sdelay $0x4  }
0x1d7: {  	v3 =	vshll.u32 v2, $0x4  }
0x1d8: {  	v2 =	vand.u32 $0x7, v2;
	v3 =	vand.u32 $0xFFFFFF80, v3  }
0x1d9: {  	v2 =	vor.u32 v2, v3  }
0x1da: {  	v2 =	vperm.xlane v2, v0;
	_ =	sdelay $0x1  }
0x1db: {  	v2 =	vadd.s32 v1, v2;
	_ =	sdelay $0x3  }
0x1dc: {  	s29 =	simm.s32 $0x4200  }
0x1dd: {  	[tilespmem:s29], [sflag:$0x2] =	stream.indirect_vreg.gather [hbm4b:s1+s4], $0x80, v2, vm0, $0xb8;
	[tilespmem:$0x10200] =	vst v63  }
0x1de: {  	s30 =	simm.s32 $0x4A00  }
0x1df: {  	[tilespmem:s30], [sflag:$0x2] =	stream.indirect_vreg.gather [hbm4b:s6+s4], $0x80, v2, vm0, $0xb8;
	[tilespmem:$0x10200] =	vst v63  }
0x1e0: {  	_ = 	snop  }
0x1e1: {  	[tilespmem:s31], [sflag:$0x2] =	stream.indirect_vreg.gather [hbm4b:s8+s4], $0x80, v2, vm0, $0xb8;
	[tilespmem:$0x10200] =	vst v63  }
0x1e2: {  	_ = 	snop  }
0x1e3: {  	[tilespmem:s2], [sflag:$0x2] =	stream.indirect_vreg.gather [hbm4b:s9+s4], $0x80, v2, vm0, $0xb8;
	[tilespmem:$0x10200] =	vst v63  }
0x1e4: {  	_ = 	snop  }
0x1e5: {  	[tilespmem:s0], [sflag:$0x2] =	stream.indirect_vreg.gather [hbm4b:s10+s4], $0x80, v2, vm0, $0xb8;
	[tilespmem:$0x10200] =	vst v63  }
0x1e6: {  	_ = 	snop  }
0x1e7: {  	[tilespmem:s5], [sflag:$0x2] =	stream.indirect_vreg.gather [hbm4b:s11+s4], $0x80, v2, vm0, $0xb8;
	[tilespmem:$0x10200] =	vst v63  }
0x1e8: {  	_ = 	snop  }
0x1e9: {  	[tilespmem:s15], [sflag:$0x2] =	stream.indirect_vreg.gather [hbm4b:s13+s4], $0x80, v2, vm0, $0xb8;
	[tilespmem:$0x10200] =	vst v63  }
0x1ea: {  	s22 =	simm.s32 $0x1  }
0x1eb: {  	[tilespmem:s16], [sflag:$0x2] =	stream.indirect_vreg.gather [hbm4b:s14+s4], $0x80, v2, vm0, $0xb8;
	[tilespmem:$0x10200] =	vst v63  }
.LBB2_34:
0x1ec: {  	_ =	swait.ge [sflag:s17], $0x4000  }
0x1ed: {  	[sflag:s17] =	ssyncset.done $0x0  }
0x1ee: {  	[sflag:s17] =	ssyncadd.s32 $0xFFFFC000  }
0x1ef: {  	_ =	swait.ge [sflag:s20], $0x4000  }
0x1f0: {  	[sflag:s20] =	ssyncset.done $0x0  }
0x1f1: {  	s24 =	simm.s32 $0x240;
	[sflag:s20] =	ssyncadd.s32 $0xFFFFC000  }
0x1f2: {  	v4 =	vld [tilespmem:s24+$0x30]  }
0x1f3: {  	v6 =	vld [tilespmem:s24+$0xFFFFFFD0]  }
0x1f4: {  	v8 =	vld [tilespmem:s24+$0xFFFFFFE0]  }
0x1f5: {  	v5 =	vld [tilespmem:s24+$0xFFFFFFF0]  }
0x1f6: {  	v3 =	vld [tilespmem:s24+$0x0]  }
0x1f7: {  	v2 =	vld [tilespmem:s24+$0x10];
	v9 =	vmul.f32 $4.525483320e+01, v4  }
0x1f8: {  	s23 =	simm.s32 $0x8240;
	v4 =	vld [tilespmem:s24+$0x20];
	v7 =	vmul.f32 $4.525483320e+01, v6  }
0x1f9: {  	s25 =	simm.s32 $0x0;
	s26 =	simm.s32 $0x640;
	v6 =	vld [tilespmem:s24+$0xFFFFFFC0];
	v8 =	vmul.f32 $4.525483320e+01, v8;
	[tilespmem:s23+$0x30] =	vst v9  }
.LBB2_35:
0x1fa: {  	v9 =	vld [tilespmem:s26+$0x30];
	s25 =	sadd.s32 $0x80, s25;
	[tilespmem:s23+$0xFFFFFFD0] =	vst v7;
	v5 =	vmul.f32 $4.525483320e+01, v5  }
0x1fb: {  	v7 =	vld [tilespmem:s26+$0xFFFFFFD0];
	p0 =	slt.u32 s25, $0x780;
	[tilespmem:s23+$0xFFFFFFE0] =	vst v8;
	v3 =	vmul.f32 $4.525483320e+01, v3  }
0x1fc: {  	v8 =	vld [tilespmem:s26+$0xFFFFFFE0];
	[tilespmem:s23+$0xFFFFFFF0] =	vst v5;
	v2 =	vmul.f32 $4.525483320e+01, v2  }
.Ltmp16:
0x1fd: {  	v5 =	vld [tilespmem:s26+$0xFFFFFFF0];
	[tilespmem:s23+$0x0] =	vst v3;
	v4 =	vmul.f32 $4.525483320e+01, v4;
	(pc) =	sbr.rel @p0 .LBB2_35-.Ltmp16, $4  }
0x1fe: {  	v3 =	vld [tilespmem:s26+$0x0];
	v6 =	vmul.f32 $4.525483320e+01, v6;
	[tilespmem:s23+$0x10] =	vst v2  }
0x1ff: {  	v2 =	vld [tilespmem:s26+$0x10];
	v9 =	vmul.f32 $4.525483320e+01, v9;
	[tilespmem:s23+$0x20] =	vst v4  }
0x200: {  	s28 =	simm.s32 $0x2F0;
	v7 =	vmul.f32 $4.525483320e+01, v7;
	v4 =	vld [tilespmem:s26+$0x20];
	[tilespmem:s23+$0xFFFFFFC0] =	vst v6;
	s23 =	sadd.s32 $0x400, s23  }
0x201: {  	s24 =	simm.s32 $0x82F0;
	v6 =	vld [tilespmem:s26+$0xFFFFFFC0];
	v8 =	vmul.f32 $4.525483320e+01, v8;
	[tilespmem:s23+$0x30] =	vst v9;
	s26 =	sadd.s32 $0x400, s26  }
0x202: {  	[tilespmem:s23+$0xFFFFFFD0] =	vst v7;
	v5 =	vmul.f32 $4.525483320e+01, v5  }
0x203: {  	[tilespmem:s23+$0xFFFFFFE0] =	vst v8;
	v3 =	vmul.f32 $4.525483320e+01, v3  }
0x204: {  	[tilespmem:s23+$0xFFFFFFF0] =	vst v5;
	v2 =	vmul.f32 $4.525483320e+01, v2  }
0x205: {  	[tilespmem:s23+$0x0] =	vst v3;
	v3 =	vmul.f32 $4.525483320e+01, v4  }
0x206: {  	v4 =	vmul.f32 $4.525483320e+01, v6;
	[tilespmem:s23+$0x10] =	vst v2  }
0x207: {  	[tilespmem:s23+$0x20] =	vst v3  }
0x208: {  	[tilespmem:s23+$0xFFFFFFC0] =	vst v4  }
0x209: {  	v4 =	vld [tilespmem:s28+$0x0]  }
0x20a: {  	v6 =	vld [tilespmem:s28+$0xFFFFFFA0]  }
0x20b: {  	v8 =	vld [tilespmem:s28+$0xFFFFFFB0]  }
0x20c: {  	v5 =	vld [tilespmem:s28+$0xFFFFFFC0]  }
0x20d: {  	v3 =	vld [tilespmem:s28+$0xFFFFFFD0]  }
0x20e: {  	v2 =	vld [tilespmem:s28+$0xFFFFFFE0];
	v9 =	vmul.f32 $4.525483320e+01, v4  }
0x20f: {  	v4 =	vld [tilespmem:s28+$0xFFFFFFF0];
	v7 =	vmul.f32 $4.525483320e+01, v6  }
0x210: {  	s25 =	simm.s32 $0x0;
	s26 =	simm.s32 $0x6F0;
	v6 =	vld [tilespmem:s28+$0xFFFFFF90];
	v8 =	vmul.f32 $4.525483320e+01, v8;
	[tilespmem:s24+$0x0] =	vst v9  }
.LBB2_37:
0x211: {  	v9 =	vld [tilespmem:s26+$0x0];
	s25 =	sadd.s32 $0x80, s25;
	[tilespmem:s24+$0xFFFFFFA0] =	vst v7;
	v5 =	vmul.f32 $4.525483320e+01, v5  }
0x212: {  	v7 =	vld [tilespmem:s26+$0xFFFFFFA0];
	p0 =	slt.u32 s25, $0x780;
	[tilespmem:s24+$0xFFFFFFB0] =	vst v8;
	v3 =	vmul.f32 $4.525483320e+01, v3  }
0x213: {  	v8 =	vld [tilespmem:s26+$0xFFFFFFB0];
	[tilespmem:s24+$0xFFFFFFC0] =	vst v5;
	v2 =	vmul.f32 $4.525483320e+01, v2  }
.Ltmp17:
0x214: {  	v5 =	vld [tilespmem:s26+$0xFFFFFFC0];
	[tilespmem:s24+$0xFFFFFFD0] =	vst v3;
	v4 =	vmul.f32 $4.525483320e+01, v4;
	(pc) =	sbr.rel @p0 .LBB2_37-.Ltmp17, $4  }
0x215: {  	v3 =	vld [tilespmem:s26+$0xFFFFFFD0];
	v6 =	vmul.f32 $4.525483320e+01, v6;
	[tilespmem:s24+$0xFFFFFFE0] =	vst v2  }
0x216: {  	s28 =	simm.s32 $0x370;
	v2 =	vld [tilespmem:s26+$0xFFFFFFE0];
	v9 =	vmul.f32 $4.525483320e+01, v9;
	[tilespmem:s24+$0xFFFFFFF0] =	vst v4  }
0x217: {  	s23 =	simm.s32 $0x8370;
	v7 =	vmul.f32 $4.525483320e+01, v7;
	v4 =	vld [tilespmem:s26+$0xFFFFFFF0];
	[tilespmem:s24+$0xFFFFFF90] =	vst v6;
	s24 =	sadd.s32 $0x400, s24  }
0x218: {  	v6 =	vld [tilespmem:s26+$0xFFFFFF90];
	v8 =	vmul.f32 $4.525483320e+01, v8;
	[tilespmem:s24+$0x0] =	vst v9;
	s26 =	sadd.s32 $0x400, s26  }
0x219: {  	[tilespmem:s24+$0xFFFFFFA0] =	vst v7;
	v5 =	vmul.f32 $4.525483320e+01, v5  }
0x21a: {  	[tilespmem:s24+$0xFFFFFFB0] =	vst v8;
	v3 =	vmul.f32 $4.525483320e+01, v3  }
0x21b: {  	[tilespmem:s24+$0xFFFFFFC0] =	vst v5;
	v2 =	vmul.f32 $4.525483320e+01, v2  }
0x21c: {  	[tilespmem:s24+$0xFFFFFFD0] =	vst v3;
	v3 =	vmul.f32 $4.525483320e+01, v4  }
0x21d: {  	v4 =	vmul.f32 $4.525483320e+01, v6;
	[tilespmem:s24+$0xFFFFFFE0] =	vst v2  }
0x21e: {  	[tilespmem:s24+$0xFFFFFFF0] =	vst v3  }
0x21f: {  	[tilespmem:s24+$0xFFFFFF90] =	vst v4  }
0x220: {  	v4 =	vld [tilespmem:s28+$0x0]  }
0x221: {  	v6 =	vld [tilespmem:s28+$0xFFFFFFA0]  }
0x222: {  	v8 =	vld [tilespmem:s28+$0xFFFFFFB0]  }
0x223: {  	v5 =	vld [tilespmem:s28+$0xFFFFFFC0]  }
0x224: {  	v3 =	vld [tilespmem:s28+$0xFFFFFFD0]  }
0x225: {  	v2 =	vld [tilespmem:s28+$0xFFFFFFE0];
	v9 =	vmul.f32 $4.525483320e+01, v4  }
0x226: {  	v4 =	vld [tilespmem:s28+$0xFFFFFFF0];
	v7 =	vmul.f32 $4.525483320e+01, v6  }
0x227: {  	s25 =	simm.s32 $0x0;
	s26 =	simm.s32 $0x770;
	v6 =	vld [tilespmem:s28+$0xFFFFFF90];
	v8 =	vmul.f32 $4.525483320e+01, v8;
	[tilespmem:s23+$0x0] =	vst v9  }
.LBB2_39:
0x228: {  	v9 =	vld [tilespmem:s26+$0x0];
	s25 =	sadd.s32 $0x80, s25;
	[tilespmem:s23+$0xFFFFFFA0] =	vst v7;
	v5 =	vmul.f32 $4.525483320e+01, v5  }
0x229: {  	v7 =	vld [tilespmem:s26+$0xFFFFFFA0];
	p0 =	slt.u32 s25, $0x780;
	[tilespmem:s23+$0xFFFFFFB0] =	vst v8;
	v3 =	vmul.f32 $4.525483320e+01, v3  }
0x22a: {  	v8 =	vld [tilespmem:s26+$0xFFFFFFB0];
	[tilespmem:s23+$0xFFFFFFC0] =	vst v5;
	v2 =	vmul.f32 $4.525483320e+01, v2  }
.Ltmp18:
0x22b: {  	v5 =	vld [tilespmem:s26+$0xFFFFFFC0];
	[tilespmem:s23+$0xFFFFFFD0] =	vst v3;
	v4 =	vmul.f32 $4.525483320e+01, v4;
	(pc) =	sbr.rel @p0 .LBB2_39-.Ltmp18, $4  }
0x22c: {  	v3 =	vld [tilespmem:s26+$0xFFFFFFD0];
	v6 =	vmul.f32 $4.525483320e+01, v6;
	[tilespmem:s23+$0xFFFFFFE0] =	vst v2  }
0x22d: {  	v2 =	vld [tilespmem:s26+$0xFFFFFFE0];
	v9 =	vmul.f32 $4.525483320e+01, v9;
	[tilespmem:s23+$0xFFFFFFF0] =	vst v4  }
0x22e: {  	s28 =	simm.s32 $0x3F0;
	v7 =	vmul.f32 $4.525483320e+01, v7;
	v4 =	vld [tilespmem:s26+$0xFFFFFFF0];
	[tilespmem:s23+$0xFFFFFF90] =	vst v6;
	s23 =	sadd.s32 $0x400, s23  }
0x22f: {  	s24 =	simm.s32 $0x83F0;
	v6 =	vld [tilespmem:s26+$0xFFFFFF90];
	v8 =	vmul.f32 $4.525483320e+01, v8;
	[tilespmem:s23+$0x0] =	vst v9;
	s26 =	sadd.s32 $0x400, s26  }
0x230: {  	[tilespmem:s23+$0xFFFFFFA0] =	vst v7;
	v5 =	vmul.f32 $4.525483320e+01, v5  }
0x231: {  	[tilespmem:s23+$0xFFFFFFB0] =	vst v8;
	v3 =	vmul.f32 $4.525483320e+01, v3  }
0x232: {  	[tilespmem:s23+$0xFFFFFFC0] =	vst v5;
	v2 =	vmul.f32 $4.525483320e+01, v2  }
0x233: {  	[tilespmem:s23+$0xFFFFFFD0] =	vst v3;
	v3 =	vmul.f32 $4.525483320e+01, v4  }
0x234: {  	v4 =	vmul.f32 $4.525483320e+01, v6;
	[tilespmem:s23+$0xFFFFFFE0] =	vst v2  }
0x235: {  	[tilespmem:s23+$0xFFFFFFF0] =	vst v3  }
0x236: {  	[tilespmem:s23+$0xFFFFFF90] =	vst v4  }
0x237: {  	v4 =	vld [tilespmem:s28+$0x0]  }
0x238: {  	v6 =	vld [tilespmem:s28+$0xFFFFFFA0]  }
0x239: {  	v8 =	vld [tilespmem:s28+$0xFFFFFFB0]  }
0x23a: {  	v5 =	vld [tilespmem:s28+$0xFFFFFFC0]  }
0x23b: {  	v3 =	vld [tilespmem:s28+$0xFFFFFFD0]  }
0x23c: {  	v2 =	vld [tilespmem:s28+$0xFFFFFFE0];
	v9 =	vmul.f32 $4.525483320e+01, v4  }
0x23d: {  	v4 =	vld [tilespmem:s28+$0xFFFFFFF0];
	v7 =	vmul.f32 $4.525483320e+01, v6  }
0x23e: {  	s25 =	simm.s32 $0x0;
	s26 =	simm.s32 $0x7F0;
	v6 =	vld [tilespmem:s28+$0xFFFFFF90];
	v8 =	vmul.f32 $4.525483320e+01, v8;
	[tilespmem:s24+$0x0] =	vst v9  }
.LBB2_41:
0x23f: {  	v9 =	vld [tilespmem:s26+$0x0];
	s25 =	sadd.s32 $0x80, s25;
	[tilespmem:s24+$0xFFFFFFA0] =	vst v7;
	v5 =	vmul.f32 $4.525483320e+01, v5  }
0x240: {  	v7 =	vld [tilespmem:s26+$0xFFFFFFA0];
	p0 =	slt.u32 s25, $0x780;
	[tilespmem:s24+$0xFFFFFFB0] =	vst v8;
	v3 =	vmul.f32 $4.525483320e+01, v3  }
0x241: {  	v8 =	vld [tilespmem:s26+$0xFFFFFFB0];
	[tilespmem:s24+$0xFFFFFFC0] =	vst v5;
	v2 =	vmul.f32 $4.525483320e+01, v2  }
.Ltmp19:
0x242: {  	v5 =	vld [tilespmem:s26+$0xFFFFFFC0];
	[tilespmem:s24+$0xFFFFFFD0] =	vst v3;
	v4 =	vmul.f32 $4.525483320e+01, v4;
	(pc) =	sbr.rel @p0 .LBB2_41-.Ltmp19, $4  }
0x243: {  	v3 =	vld [tilespmem:s26+$0xFFFFFFD0];
	v6 =	vmul.f32 $4.525483320e+01, v6;
	[tilespmem:s24+$0xFFFFFFE0] =	vst v2  }
0x244: {  	s28 =	simm.s32 $0x470;
	v2 =	vld [tilespmem:s26+$0xFFFFFFE0];
	v9 =	vmul.f32 $4.525483320e+01, v9;
	[tilespmem:s24+$0xFFFFFFF0] =	vst v4  }
0x245: {  	s23 =	simm.s32 $0x8470;
	v7 =	vmul.f32 $4.525483320e+01, v7;
	v4 =	vld [tilespmem:s26+$0xFFFFFFF0];
	[tilespmem:s24+$0xFFFFFF90] =	vst v6;
	s24 =	sadd.s32 $0x400, s24  }
0x246: {  	v6 =	vld [tilespmem:s26+$0xFFFFFF90];
	v8 =	vmul.f32 $4.525483320e+01, v8;
	[tilespmem:s24+$0x0] =	vst v9;
	s26 =	sadd.s32 $0x400, s26  }
0x247: {  	[tilespmem:s24+$0xFFFFFFA0] =	vst v7;
	v5 =	vmul.f32 $4.525483320e+01, v5  }
0x248: {  	[tilespmem:s24+$0xFFFFFFB0] =	vst v8;
	v3 =	vmul.f32 $4.525483320e+01, v3  }
0x249: {  	[tilespmem:s24+$0xFFFFFFC0] =	vst v5;
	v2 =	vmul.f32 $4.525483320e+01, v2  }
0x24a: {  	[tilespmem:s24+$0xFFFFFFD0] =	vst v3;
	v3 =	vmul.f32 $4.525483320e+01, v4  }
0x24b: {  	v4 =	vmul.f32 $4.525483320e+01, v6;
	[tilespmem:s24+$0xFFFFFFE0] =	vst v2  }
0x24c: {  	[tilespmem:s24+$0xFFFFFFF0] =	vst v3  }
0x24d: {  	[tilespmem:s24+$0xFFFFFF90] =	vst v4  }
0x24e: {  	v4 =	vld [tilespmem:s28+$0x0]  }
0x24f: {  	v6 =	vld [tilespmem:s28+$0xFFFFFFA0]  }
0x250: {  	v8 =	vld [tilespmem:s28+$0xFFFFFFB0]  }
0x251: {  	v5 =	vld [tilespmem:s28+$0xFFFFFFC0]  }
0x252: {  	v3 =	vld [tilespmem:s28+$0xFFFFFFD0]  }
0x253: {  	v2 =	vld [tilespmem:s28+$0xFFFFFFE0];
	v9 =	vmul.f32 $4.525483320e+01, v4  }
0x254: {  	v4 =	vld [tilespmem:s28+$0xFFFFFFF0];
	v7 =	vmul.f32 $4.525483320e+01, v6  }
0x255: {  	s25 =	simm.s32 $0x0;
	s26 =	simm.s32 $0x870;
	v6 =	vld [tilespmem:s28+$0xFFFFFF90];
	v8 =	vmul.f32 $4.525483320e+01, v8;
	[tilespmem:s23+$0x0] =	vst v9  }
.LBB2_43:
0x256: {  	v9 =	vld [tilespmem:s26+$0x0];
	s25 =	sadd.s32 $0x80, s25;
	[tilespmem:s23+$0xFFFFFFA0] =	vst v7;
	v5 =	vmul.f32 $4.525483320e+01, v5  }
0x257: {  	v7 =	vld [tilespmem:s26+$0xFFFFFFA0];
	p0 =	slt.u32 s25, $0x780;
	[tilespmem:s23+$0xFFFFFFB0] =	vst v8;
	v3 =	vmul.f32 $4.525483320e+01, v3  }
0x258: {  	v8 =	vld [tilespmem:s26+$0xFFFFFFB0];
	[tilespmem:s23+$0xFFFFFFC0] =	vst v5;
	v2 =	vmul.f32 $4.525483320e+01, v2  }
.Ltmp20:
0x259: {  	v5 =	vld [tilespmem:s26+$0xFFFFFFC0];
	[tilespmem:s23+$0xFFFFFFD0] =	vst v3;
	v4 =	vmul.f32 $4.525483320e+01, v4;
	(pc) =	sbr.rel @p0 .LBB2_43-.Ltmp20, $4  }
0x25a: {  	v3 =	vld [tilespmem:s26+$0xFFFFFFD0];
	v6 =	vmul.f32 $4.525483320e+01, v6;
	[tilespmem:s23+$0xFFFFFFE0] =	vst v2  }
0x25b: {  	v2 =	vld [tilespmem:s26+$0xFFFFFFE0];
	v9 =	vmul.f32 $4.525483320e+01, v9;
	[tilespmem:s23+$0xFFFFFFF0] =	vst v4  }
0x25c: {  	s28 =	simm.s32 $0x4F0;
	v7 =	vmul.f32 $4.525483320e+01, v7;
	v4 =	vld [tilespmem:s26+$0xFFFFFFF0];
	[tilespmem:s23+$0xFFFFFF90] =	vst v6;
	s23 =	sadd.s32 $0x400, s23  }
0x25d: {  	s24 =	simm.s32 $0x84F0;
	v6 =	vld [tilespmem:s26+$0xFFFFFF90];
	v8 =	vmul.f32 $4.525483320e+01, v8;
	[tilespmem:s23+$0x0] =	vst v9;
	s26 =	sadd.s32 $0x400, s26  }
0x25e: {  	[tilespmem:s23+$0xFFFFFFA0] =	vst v7;
	v5 =	vmul.f32 $4.525483320e+01, v5  }
0x25f: {  	[tilespmem:s23+$0xFFFFFFB0] =	vst v8;
	v3 =	vmul.f32 $4.525483320e+01, v3  }
0x260: {  	[tilespmem:s23+$0xFFFFFFC0] =	vst v5;
	v2 =	vmul.f32 $4.525483320e+01, v2  }
0x261: {  	[tilespmem:s23+$0xFFFFFFD0] =	vst v3;
	v3 =	vmul.f32 $4.525483320e+01, v4  }
0x262: {  	v4 =	vmul.f32 $4.525483320e+01, v6;
	[tilespmem:s23+$0xFFFFFFE0] =	vst v2  }
0x263: {  	[tilespmem:s23+$0xFFFFFFF0] =	vst v3  }
0x264: {  	[tilespmem:s23+$0xFFFFFF90] =	vst v4  }
0x265: {  	v4 =	vld [tilespmem:s28+$0x0]  }
0x266: {  	v6 =	vld [tilespmem:s28+$0xFFFFFFA0]  }
0x267: {  	v8 =	vld [tilespmem:s28+$0xFFFFFFB0]  }
0x268: {  	v5 =	vld [tilespmem:s28+$0xFFFFFFC0]  }
0x269: {  	v3 =	vld [tilespmem:s28+$0xFFFFFFD0]  }
0x26a: {  	v2 =	vld [tilespmem:s28+$0xFFFFFFE0];
	v9 =	vmul.f32 $4.525483320e+01, v4  }
0x26b: {  	v4 =	vld [tilespmem:s28+$0xFFFFFFF0];
	v7 =	vmul.f32 $4.525483320e+01, v6  }
0x26c: {  	s25 =	simm.s32 $0x0;
	s26 =	simm.s32 $0x8F0;
	v6 =	vld [tilespmem:s28+$0xFFFFFF90];
	v8 =	vmul.f32 $4.525483320e+01, v8;
	[tilespmem:s24+$0x0] =	vst v9  }
.LBB2_45:
0x26d: {  	v9 =	vld [tilespmem:s26+$0x0];
	s25 =	sadd.s32 $0x80, s25;
	[tilespmem:s24+$0xFFFFFFA0] =	vst v7;
	v5 =	vmul.f32 $4.525483320e+01, v5  }
0x26e: {  	v7 =	vld [tilespmem:s26+$0xFFFFFFA0];
	p0 =	slt.u32 s25, $0x780;
	[tilespmem:s24+$0xFFFFFFB0] =	vst v8;
	v3 =	vmul.f32 $4.525483320e+01, v3  }
0x26f: {  	v8 =	vld [tilespmem:s26+$0xFFFFFFB0];
	[tilespmem:s24+$0xFFFFFFC0] =	vst v5;
	v2 =	vmul.f32 $4.525483320e+01, v2  }
.Ltmp21:
0x270: {  	v5 =	vld [tilespmem:s26+$0xFFFFFFC0];
	[tilespmem:s24+$0xFFFFFFD0] =	vst v3;
	v4 =	vmul.f32 $4.525483320e+01, v4;
	(pc) =	sbr.rel @p0 .LBB2_45-.Ltmp21, $4  }
0x271: {  	v3 =	vld [tilespmem:s26+$0xFFFFFFD0];
	v6 =	vmul.f32 $4.525483320e+01, v6;
	[tilespmem:s24+$0xFFFFFFE0] =	vst v2  }
0x272: {  	s28 =	simm.s32 $0x570;
	v2 =	vld [tilespmem:s26+$0xFFFFFFE0];
	v9 =	vmul.f32 $4.525483320e+01, v9;
	[tilespmem:s24+$0xFFFFFFF0] =	vst v4  }
0x273: {  	s23 =	simm.s32 $0x8570;
	v7 =	vmul.f32 $4.525483320e+01, v7;
	v4 =	vld [tilespmem:s26+$0xFFFFFFF0];
	[tilespmem:s24+$0xFFFFFF90] =	vst v6;
	s24 =	sadd.s32 $0x400, s24  }
0x274: {  	v6 =	vld [tilespmem:s26+$0xFFFFFF90];
	v8 =	vmul.f32 $4.525483320e+01, v8;
	[tilespmem:s24+$0x0] =	vst v9;
	s26 =	sadd.s32 $0x400, s26  }
0x275: {  	[tilespmem:s24+$0xFFFFFFA0] =	vst v7;
	v5 =	vmul.f32 $4.525483320e+01, v5  }
0x276: {  	[tilespmem:s24+$0xFFFFFFB0] =	vst v8;
	v3 =	vmul.f32 $4.525483320e+01, v3  }
0x277: {  	[tilespmem:s24+$0xFFFFFFC0] =	vst v5;
	v2 =	vmul.f32 $4.525483320e+01, v2  }
0x278: {  	[tilespmem:s24+$0xFFFFFFD0] =	vst v3;
	v3 =	vmul.f32 $4.525483320e+01, v4  }
0x279: {  	v4 =	vmul.f32 $4.525483320e+01, v6;
	[tilespmem:s24+$0xFFFFFFE0] =	vst v2  }
0x27a: {  	[tilespmem:s24+$0xFFFFFFF0] =	vst v3  }
0x27b: {  	[tilespmem:s24+$0xFFFFFF90] =	vst v4  }
0x27c: {  	v4 =	vld [tilespmem:s28+$0x0]  }
0x27d: {  	v6 =	vld [tilespmem:s28+$0xFFFFFFA0]  }
0x27e: {  	v8 =	vld [tilespmem:s28+$0xFFFFFFB0]  }
0x27f: {  	v5 =	vld [tilespmem:s28+$0xFFFFFFC0]  }
0x280: {  	v3 =	vld [tilespmem:s28+$0xFFFFFFD0]  }
0x281: {  	v2 =	vld [tilespmem:s28+$0xFFFFFFE0];
	v9 =	vmul.f32 $4.525483320e+01, v4  }
0x282: {  	v4 =	vld [tilespmem:s28+$0xFFFFFFF0];
	v7 =	vmul.f32 $4.525483320e+01, v6  }
0x283: {  	s25 =	simm.s32 $0x0;
	s26 =	simm.s32 $0x970;
	v6 =	vld [tilespmem:s28+$0xFFFFFF90];
	v8 =	vmul.f32 $4.525483320e+01, v8;
	[tilespmem:s23+$0x0] =	vst v9  }
.LBB2_47:
0x284: {  	v9 =	vld [tilespmem:s26+$0x0];
	s25 =	sadd.s32 $0x80, s25;
	[tilespmem:s23+$0xFFFFFFA0] =	vst v7;
	v5 =	vmul.f32 $4.525483320e+01, v5  }
0x285: {  	v7 =	vld [tilespmem:s26+$0xFFFFFFA0];
	p0 =	slt.u32 s25, $0x780;
	[tilespmem:s23+$0xFFFFFFB0] =	vst v8;
	v3 =	vmul.f32 $4.525483320e+01, v3  }
0x286: {  	v8 =	vld [tilespmem:s26+$0xFFFFFFB0];
	[tilespmem:s23+$0xFFFFFFC0] =	vst v5;
	v2 =	vmul.f32 $4.525483320e+01, v2  }
.Ltmp22:
0x287: {  	v5 =	vld [tilespmem:s26+$0xFFFFFFC0];
	[tilespmem:s23+$0xFFFFFFD0] =	vst v3;
	v4 =	vmul.f32 $4.525483320e+01, v4;
	(pc) =	sbr.rel @p0 .LBB2_47-.Ltmp22, $4  }
0x288: {  	v3 =	vld [tilespmem:s26+$0xFFFFFFD0];
	v6 =	vmul.f32 $4.525483320e+01, v6;
	[tilespmem:s23+$0xFFFFFFE0] =	vst v2  }
0x289: {  	v2 =	vld [tilespmem:s26+$0xFFFFFFE0];
	v9 =	vmul.f32 $4.525483320e+01, v9;
	[tilespmem:s23+$0xFFFFFFF0] =	vst v4  }
0x28a: {  	s28 =	simm.s32 $0x5F0;
	v7 =	vmul.f32 $4.525483320e+01, v7;
	v4 =	vld [tilespmem:s26+$0xFFFFFFF0];
	[tilespmem:s23+$0xFFFFFF90] =	vst v6;
	s23 =	sadd.s32 $0x400, s23  }
0x28b: {  	s24 =	simm.s32 $0x85F0;
	v6 =	vld [tilespmem:s26+$0xFFFFFF90];
	v8 =	vmul.f32 $4.525483320e+01, v8;
	[tilespmem:s23+$0x0] =	vst v9;
	s26 =	sadd.s32 $0x400, s26  }
0x28c: {  	[tilespmem:s23+$0xFFFFFFA0] =	vst v7;
	v5 =	vmul.f32 $4.525483320e+01, v5  }
0x28d: {  	[tilespmem:s23+$0xFFFFFFB0] =	vst v8;
	v3 =	vmul.f32 $4.525483320e+01, v3  }
0x28e: {  	[tilespmem:s23+$0xFFFFFFC0] =	vst v5;
	v2 =	vmul.f32 $4.525483320e+01, v2  }
0x28f: {  	[tilespmem:s23+$0xFFFFFFD0] =	vst v3;
	v3 =	vmul.f32 $4.525483320e+01, v4  }
0x290: {  	v4 =	vmul.f32 $4.525483320e+01, v6;
	[tilespmem:s23+$0xFFFFFFE0] =	vst v2  }
0x291: {  	[tilespmem:s23+$0xFFFFFFF0] =	vst v3  }
0x292: {  	[tilespmem:s23+$0xFFFFFF90] =	vst v4  }
0x293: {  	v4 =	vld [tilespmem:s28+$0x0]  }
0x294: {  	v6 =	vld [tilespmem:s28+$0xFFFFFFA0]  }
0x295: {  	v8 =	vld [tilespmem:s28+$0xFFFFFFB0]  }
0x296: {  	v5 =	vld [tilespmem:s28+$0xFFFFFFC0]  }
0x297: {  	v3 =	vld [tilespmem:s28+$0xFFFFFFD0]  }
0x298: {  	v2 =	vld [tilespmem:s28+$0xFFFFFFE0];
	v9 =	vmul.f32 $4.525483320e+01, v4  }
0x299: {  	v4 =	vld [tilespmem:s28+$0xFFFFFFF0];
	v7 =	vmul.f32 $4.525483320e+01, v6  }
0x29a: {  	s25 =	simm.s32 $0x9F0;
	s23 =	simm.s32 $0x0;
	v6 =	vld [tilespmem:s28+$0xFFFFFF90];
	v8 =	vmul.f32 $4.525483320e+01, v8;
	[tilespmem:s24+$0x0] =	vst v9  }
.LBB2_49:
0x29b: {  	v9 =	vld [tilespmem:s25+$0x0];
	s23 =	sadd.s32 $0x80, s23;
	[tilespmem:s24+$0xFFFFFFA0] =	vst v7;
	v5 =	vmul.f32 $4.525483320e+01, v5  }
0x29c: {  	v7 =	vld [tilespmem:s25+$0xFFFFFFA0];
	p0 =	slt.u32 s23, $0x780;
	[tilespmem:s24+$0xFFFFFFB0] =	vst v8;
	v3 =	vmul.f32 $4.525483320e+01, v3  }
0x29d: {  	v8 =	vld [tilespmem:s25+$0xFFFFFFB0];
	[tilespmem:s24+$0xFFFFFFC0] =	vst v5;
	v2 =	vmul.f32 $4.525483320e+01, v2  }
.Ltmp23:
0x29e: {  	v5 =	vld [tilespmem:s25+$0xFFFFFFC0];
	[tilespmem:s24+$0xFFFFFFD0] =	vst v3;
	v4 =	vmul.f32 $4.525483320e+01, v4;
	(pc) =	sbr.rel @p0 .LBB2_49-.Ltmp23, $4  }
0x29f: {  	v3 =	vld [tilespmem:s25+$0xFFFFFFD0];
	v6 =	vmul.f32 $4.525483320e+01, v6;
	[tilespmem:s24+$0xFFFFFFE0] =	vst v2  }
0x2a0: {  	v2 =	vld [tilespmem:s25+$0xFFFFFFE0];
	v9 =	vmul.f32 $4.525483320e+01, v9;
	[tilespmem:s24+$0xFFFFFFF0] =	vst v4  }
0x2a1: {  	v7 =	vmul.f32 $4.525483320e+01, v7;
	v4 =	vld [tilespmem:s25+$0xFFFFFFF0];
	[tilespmem:s24+$0xFFFFFF90] =	vst v6;
	s24 =	sadd.s32 $0x400, s24  }
0x2a2: {  	v6 =	vld [tilespmem:s25+$0xFFFFFF90];
	v8 =	vmul.f32 $4.525483320e+01, v8;
	[tilespmem:s24+$0x0] =	vst v9;
	s25 =	sadd.s32 $0x400, s25  }
0x2a3: {  	[tilespmem:s24+$0xFFFFFFA0] =	vst v7;
	v5 =	vmul.f32 $4.525483320e+01, v5  }
0x2a4: {  	[tilespmem:s24+$0xFFFFFFB0] =	vst v8;
	v3 =	vmul.f32 $4.525483320e+01, v3  }
0x2a5: {  	[tilespmem:s24+$0xFFFFFFC0] =	vst v5;
	v2 =	vmul.f32 $4.525483320e+01, v2  }
0x2a6: {  	s23 =	sshll.u32 s22, $0xF;
	[tilespmem:s24+$0xFFFFFFD0] =	vst v3;
	v3 =	vmul.f32 $4.525483320e+01, v4  }
0x2a7: {  	s23 =	sor.u32 s23, s7;
	v4 =	vmul.f32 $4.525483320e+01, v6;
	[tilespmem:s24+$0xFFFFFFE0] =	vst v2  }
0x2a8: {  	s26 =	sshll.u32 s22, $0x4;
	s23 =	sshrl.u32 s23, $0x3;
	[tilespmem:s24+$0xFFFFFFF0] =	vst v3  }
0x2a9: {  	s25 =	sadd.s32 s3, s23;
	[tilespmem:s24+$0xFFFFFF90] =	vst v4;
	s24 =	sand.u32 $0x3FFFFFF0, s26  }
0x2aa: {  	[hbm4b:s25+s4] =	stream.linear.scatter [tilespmem:s18], [sflag:$0x3], $0x4000, $0x38;
	[tilespmem:$0x10200] =	vst v63  }
0x2ab: {  	v2 =	vld.msk [tilespmem:s24+$0x10], $0xff;
	_ =	sdelay $0x4  }
0x2ac: {  	v3 =	vshll.u32 v2, $0x4  }
0x2ad: {  	v2 =	vand.u32 $0x7, v2;
	v3 =	vand.u32 $0xFFFFFF80, v3  }
0x2ae: {  	v2 =	vor.u32 v2, v3  }
0x2af: {  	v2 =	vperm.xlane v2, v0;
	_ =	sdelay $0x1  }
0x2b0: {  	v2 =	vadd.s32 v1, v2;
	_ =	sdelay $0x3  }
0x2b1: {  	s25 =	simm.s32 $0x200  }
0x2b2: {  	[tilespmem:s25], [sflag:$0x1] =	stream.indirect_vreg.gather [hbm4b:s1+s4], $0x80, v2, vm0, $0xb8;
	[tilespmem:$0x10200] =	vst v63  }
0x2b3: {  	s30 =	simm.s32 $0xA00  }
0x2b4: {  	[tilespmem:s30], [sflag:$0x1] =	stream.indirect_vreg.gather [hbm4b:s6+s4], $0x80, v2, vm0, $0xb8;
	[tilespmem:$0x10200] =	vst v63  }
0x2b5: {  	s26 =	simm.s32 $0x1200  }
0x2b6: {  	[tilespmem:s26], [sflag:$0x1] =	stream.indirect_vreg.gather [hbm4b:s8+s4], $0x80, v2, vm0, $0xb8;
	[tilespmem:$0x10200] =	vst v63  }
0x2b7: {  	s30 =	simm.s32 $0x1A00  }
0x2b8: {  	[tilespmem:s30], [sflag:$0x1] =	stream.indirect_vreg.gather [hbm4b:s9+s4], $0x80, v2, vm0, $0xb8;
	[tilespmem:$0x10200] =	vst v63  }
0x2b9: {  	s26 =	simm.s32 $0x2200  }
0x2ba: {  	[tilespmem:s26], [sflag:$0x1] =	stream.indirect_vreg.gather [hbm4b:s10+s4], $0x80, v2, vm0, $0xb8;
	[tilespmem:$0x10200] =	vst v63  }
0x2bb: {  	s30 =	simm.s32 $0x2A00  }
0x2bc: {  	[tilespmem:s30], [sflag:$0x1] =	stream.indirect_vreg.gather [hbm4b:s11+s4], $0x80, v2, vm0, $0xb8;
	[tilespmem:$0x10200] =	vst v63  }
0x2bd: {  	s26 =	simm.s32 $0x3200  }
0x2be: {  	[tilespmem:s26], [sflag:$0x1] =	stream.indirect_vreg.gather [hbm4b:s13+s4], $0x80, v2, vm0, $0xb8;
	[tilespmem:$0x10200] =	vst v63  }
0x2bf: {  	s30 =	simm.s32 $0x3A00  }
0x2c0: {  	[tilespmem:s30], [sflag:$0x1] =	stream.indirect_vreg.gather [hbm4b:s14+s4], $0x80, v2, vm0, $0xb8;
	[tilespmem:$0x10200] =	vst v63  }
0x2c1: {  	_ =	swait.ge [sflag:s12], $0x4000  }
0x2c2: {  	[sflag:s12] =	ssyncset.done $0x0  }
0x2c3: {  	[sflag:s12] =	ssyncadd.s32 $0xFFFFC000  }
0x2c4: {  	_ =	swait.ge [sflag:s21], $0x4000  }
0x2c5: {  	[sflag:s21] =	ssyncset.done $0x0  }
0x2c6: {  	s26 =	simm.s32 $0x4240;
	[sflag:s21] =	ssyncadd.s32 $0xFFFFC000  }
0x2c7: {  	v4 =	vld [tilespmem:s26+$0x30]  }
0x2c8: {  	v6 =	vld [tilespmem:s26+$0xFFFFFFD0]  }
0x2c9: {  	v8 =	vld [tilespmem:s26+$0xFFFFFFE0]  }
0x2ca: {  	v5 =	vld [tilespmem:s26+$0xFFFFFFF0]  }
0x2cb: {  	v3 =	vld [tilespmem:s26+$0x0]  }
0x2cc: {  	v2 =	vld [tilespmem:s26+$0x10];
	v9 =	vmul.f32 $4.525483320e+01, v4  }
0x2cd: {  	s25 =	simm.s32 $0xC240;
	v4 =	vld [tilespmem:s26+$0x20];
	v7 =	vmul.f32 $4.525483320e+01, v6  }
0x2ce: {  	s28 =	simm.s32 $0x0;
	s29 =	simm.s32 $0x4640;
	v6 =	vld [tilespmem:s26+$0xFFFFFFC0];
	v8 =	vmul.f32 $4.525483320e+01, v8;
	[tilespmem:s25+$0x30] =	vst v9  }
.LBB2_51:
0x2cf: {  	v9 =	vld [tilespmem:s29+$0x30];
	s28 =	sadd.s32 $0x80, s28;
	[tilespmem:s25+$0xFFFFFFD0] =	vst v7;
	v5 =	vmul.f32 $4.525483320e+01, v5  }
0x2d0: {  	v7 =	vld [tilespmem:s29+$0xFFFFFFD0];
	p0 =	slt.u32 s28, $0x780;
	[tilespmem:s25+$0xFFFFFFE0] =	vst v8;
	v3 =	vmul.f32 $4.525483320e+01, v3  }
0x2d1: {  	v8 =	vld [tilespmem:s29+$0xFFFFFFE0];
	[tilespmem:s25+$0xFFFFFFF0] =	vst v5;
	v2 =	vmul.f32 $4.525483320e+01, v2  }
.Ltmp24:
0x2d2: {  	v5 =	vld [tilespmem:s29+$0xFFFFFFF0];
	[tilespmem:s25+$0x0] =	vst v3;
	v4 =	vmul.f32 $4.525483320e+01, v4;
	(pc) =	sbr.rel @p0 .LBB2_51-.Ltmp24, $4  }
0x2d3: {  	v3 =	vld [tilespmem:s29+$0x0];
	v6 =	vmul.f32 $4.525483320e+01, v6;
	[tilespmem:s25+$0x10] =	vst v2  }
0x2d4: {  	v2 =	vld [tilespmem:s29+$0x10];
	v9 =	vmul.f32 $4.525483320e+01, v9;
	[tilespmem:s25+$0x20] =	vst v4  }
0x2d5: {  	s30 =	simm.s32 $0x42F0;
	v7 =	vmul.f32 $4.525483320e+01, v7;
	v4 =	vld [tilespmem:s29+$0x20];
	[tilespmem:s25+$0xFFFFFFC0] =	vst v6;
	s25 =	sadd.s32 $0x400, s25  }
0x2d6: {  	s26 =	simm.s32 $0xC2F0;
	v6 =	vld [tilespmem:s29+$0xFFFFFFC0];
	v8 =	vmul.f32 $4.525483320e+01, v8;
	[tilespmem:s25+$0x30] =	vst v9;
	s29 =	sadd.s32 $0x400, s29  }
0x2d7: {  	[tilespmem:s25+$0xFFFFFFD0] =	vst v7;
	v5 =	vmul.f32 $4.525483320e+01, v5  }
0x2d8: {  	[tilespmem:s25+$0xFFFFFFE0] =	vst v8;
	v3 =	vmul.f32 $4.525483320e+01, v3  }
0x2d9: {  	[tilespmem:s25+$0xFFFFFFF0] =	vst v5;
	v2 =	vmul.f32 $4.525483320e+01, v2  }
0x2da: {  	[tilespmem:s25+$0x0] =	vst v3;
	v3 =	vmul.f32 $4.525483320e+01, v4  }
0x2db: {  	v4 =	vmul.f32 $4.525483320e+01, v6;
	[tilespmem:s25+$0x10] =	vst v2  }
0x2dc: {  	[tilespmem:s25+$0x20] =	vst v3  }
0x2dd: {  	[tilespmem:s25+$0xFFFFFFC0] =	vst v4  }
0x2de: {  	v4 =	vld [tilespmem:s30+$0x0]  }
0x2df: {  	v6 =	vld [tilespmem:s30+$0xFFFFFFA0]  }
0x2e0: {  	v8 =	vld [tilespmem:s30+$0xFFFFFFB0]  }
0x2e1: {  	v5 =	vld [tilespmem:s30+$0xFFFFFFC0]  }
0x2e2: {  	v3 =	vld [tilespmem:s30+$0xFFFFFFD0]  }
0x2e3: {  	v2 =	vld [tilespmem:s30+$0xFFFFFFE0];
	v9 =	vmul.f32 $4.525483320e+01, v4  }
0x2e4: {  	v4 =	vld [tilespmem:s30+$0xFFFFFFF0];
	v7 =	vmul.f32 $4.525483320e+01, v6  }
0x2e5: {  	s28 =	simm.s32 $0x0;
	s29 =	simm.s32 $0x46F0;
	v6 =	vld [tilespmem:s30+$0xFFFFFF90];
	v8 =	vmul.f32 $4.525483320e+01, v8;
	[tilespmem:s26+$0x0] =	vst v9  }
.LBB2_53:
0x2e6: {  	v9 =	vld [tilespmem:s29+$0x0];
	s28 =	sadd.s32 $0x80, s28;
	[tilespmem:s26+$0xFFFFFFA0] =	vst v7;
	v5 =	vmul.f32 $4.525483320e+01, v5  }
0x2e7: {  	v7 =	vld [tilespmem:s29+$0xFFFFFFA0];
	p0 =	slt.u32 s28, $0x780;
	[tilespmem:s26+$0xFFFFFFB0] =	vst v8;
	v3 =	vmul.f32 $4.525483320e+01, v3  }
0x2e8: {  	v8 =	vld [tilespmem:s29+$0xFFFFFFB0];
	[tilespmem:s26+$0xFFFFFFC0] =	vst v5;
	v2 =	vmul.f32 $4.525483320e+01, v2  }
.Ltmp25:
0x2e9: {  	v5 =	vld [tilespmem:s29+$0xFFFFFFC0];
	[tilespmem:s26+$0xFFFFFFD0] =	vst v3;
	v4 =	vmul.f32 $4.525483320e+01, v4;
	(pc) =	sbr.rel @p0 .LBB2_53-.Ltmp25, $4  }
0x2ea: {  	v3 =	vld [tilespmem:s29+$0xFFFFFFD0];
	v6 =	vmul.f32 $4.525483320e+01, v6;
	[tilespmem:s26+$0xFFFFFFE0] =	vst v2  }
0x2eb: {  	s30 =	simm.s32 $0x4370;
	v2 =	vld [tilespmem:s29+$0xFFFFFFE0];
	v9 =	vmul.f32 $4.525483320e+01, v9;
	[tilespmem:s26+$0xFFFFFFF0] =	vst v4  }
0x2ec: {  	s25 =	simm.s32 $0xC370;
	v7 =	vmul.f32 $4.525483320e+01, v7;
	v4 =	vld [tilespmem:s29+$0xFFFFFFF0];
	[tilespmem:s26+$0xFFFFFF90] =	vst v6;
	s26 =	sadd.s32 $0x400, s26  }
0x2ed: {  	v6 =	vld [tilespmem:s29+$0xFFFFFF90];
	v8 =	vmul.f32 $4.525483320e+01, v8;
	[tilespmem:s26+$0x0] =	vst v9;
	s29 =	sadd.s32 $0x400, s29  }
0x2ee: {  	[tilespmem:s26+$0xFFFFFFA0] =	vst v7;
	v5 =	vmul.f32 $4.525483320e+01, v5  }
0x2ef: {  	[tilespmem:s26+$0xFFFFFFB0] =	vst v8;
	v3 =	vmul.f32 $4.525483320e+01, v3  }
0x2f0: {  	[tilespmem:s26+$0xFFFFFFC0] =	vst v5;
	v2 =	vmul.f32 $4.525483320e+01, v2  }
0x2f1: {  	[tilespmem:s26+$0xFFFFFFD0] =	vst v3;
	v3 =	vmul.f32 $4.525483320e+01, v4  }
0x2f2: {  	v4 =	vmul.f32 $4.525483320e+01, v6;
	[tilespmem:s26+$0xFFFFFFE0] =	vst v2  }
0x2f3: {  	[tilespmem:s26+$0xFFFFFFF0] =	vst v3  }
0x2f4: {  	[tilespmem:s26+$0xFFFFFF90] =	vst v4  }
0x2f5: {  	v4 =	vld [tilespmem:s30+$0x0]  }
0x2f6: {  	v6 =	vld [tilespmem:s30+$0xFFFFFFA0]  }
0x2f7: {  	v8 =	vld [tilespmem:s30+$0xFFFFFFB0]  }
0x2f8: {  	v5 =	vld [tilespmem:s30+$0xFFFFFFC0]  }
0x2f9: {  	v3 =	vld [tilespmem:s30+$0xFFFFFFD0]  }
0x2fa: {  	v2 =	vld [tilespmem:s30+$0xFFFFFFE0];
	v9 =	vmul.f32 $4.525483320e+01, v4  }
0x2fb: {  	v4 =	vld [tilespmem:s30+$0xFFFFFFF0];
	v7 =	vmul.f32 $4.525483320e+01, v6  }
0x2fc: {  	s28 =	simm.s32 $0x0;
	s29 =	simm.s32 $0x4770;
	v6 =	vld [tilespmem:s30+$0xFFFFFF90];
	v8 =	vmul.f32 $4.525483320e+01, v8;
	[tilespmem:s25+$0x0] =	vst v9  }
.LBB2_55:
0x2fd: {  	v9 =	vld [tilespmem:s29+$0x0];
	s28 =	sadd.s32 $0x80, s28;
	[tilespmem:s25+$0xFFFFFFA0] =	vst v7;
	v5 =	vmul.f32 $4.525483320e+01, v5  }
0x2fe: {  	v7 =	vld [tilespmem:s29+$0xFFFFFFA0];
	p0 =	slt.u32 s28, $0x780;
	[tilespmem:s25+$0xFFFFFFB0] =	vst v8;
	v3 =	vmul.f32 $4.525483320e+01, v3  }
0x2ff: {  	v8 =	vld [tilespmem:s29+$0xFFFFFFB0];
	[tilespmem:s25+$0xFFFFFFC0] =	vst v5;
	v2 =	vmul.f32 $4.525483320e+01, v2  }
.Ltmp26:
0x300: {  	v5 =	vld [tilespmem:s29+$0xFFFFFFC0];
	[tilespmem:s25+$0xFFFFFFD0] =	vst v3;
	v4 =	vmul.f32 $4.525483320e+01, v4;
	(pc) =	sbr.rel @p0 .LBB2_55-.Ltmp26, $4  }
0x301: {  	v3 =	vld [tilespmem:s29+$0xFFFFFFD0];
	v6 =	vmul.f32 $4.525483320e+01, v6;
	[tilespmem:s25+$0xFFFFFFE0] =	vst v2  }
0x302: {  	v2 =	vld [tilespmem:s29+$0xFFFFFFE0];
	v9 =	vmul.f32 $4.525483320e+01, v9;
	[tilespmem:s25+$0xFFFFFFF0] =	vst v4  }
0x303: {  	s30 =	simm.s32 $0x43F0;
	v7 =	vmul.f32 $4.525483320e+01, v7;
	v4 =	vld [tilespmem:s29+$0xFFFFFFF0];
	[tilespmem:s25+$0xFFFFFF90] =	vst v6;
	s25 =	sadd.s32 $0x400, s25  }
0x304: {  	s26 =	simm.s32 $0xC3F0;
	v6 =	vld [tilespmem:s29+$0xFFFFFF90];
	v8 =	vmul.f32 $4.525483320e+01, v8;
	[tilespmem:s25+$0x0] =	vst v9;
	s29 =	sadd.s32 $0x400, s29  }
0x305: {  	[tilespmem:s25+$0xFFFFFFA0] =	vst v7;
	v5 =	vmul.f32 $4.525483320e+01, v5  }
0x306: {  	[tilespmem:s25+$0xFFFFFFB0] =	vst v8;
	v3 =	vmul.f32 $4.525483320e+01, v3  }
0x307: {  	[tilespmem:s25+$0xFFFFFFC0] =	vst v5;
	v2 =	vmul.f32 $4.525483320e+01, v2  }
0x308: {  	[tilespmem:s25+$0xFFFFFFD0] =	vst v3;
	v3 =	vmul.f32 $4.525483320e+01, v4  }
0x309: {  	v4 =	vmul.f32 $4.525483320e+01, v6;
	[tilespmem:s25+$0xFFFFFFE0] =	vst v2  }
0x30a: {  	[tilespmem:s25+$0xFFFFFFF0] =	vst v3  }
0x30b: {  	[tilespmem:s25+$0xFFFFFF90] =	vst v4  }
0x30c: {  	v4 =	vld [tilespmem:s30+$0x0]  }
0x30d: {  	v6 =	vld [tilespmem:s30+$0xFFFFFFA0]  }
0x30e: {  	v8 =	vld [tilespmem:s30+$0xFFFFFFB0]  }
0x30f: {  	v5 =	vld [tilespmem:s30+$0xFFFFFFC0]  }
0x310: {  	v3 =	vld [tilespmem:s30+$0xFFFFFFD0]  }
0x311: {  	v2 =	vld [tilespmem:s30+$0xFFFFFFE0];
	v9 =	vmul.f32 $4.525483320e+01, v4  }
0x312: {  	v4 =	vld [tilespmem:s30+$0xFFFFFFF0];
	v7 =	vmul.f32 $4.525483320e+01, v6  }
0x313: {  	s28 =	simm.s32 $0x0;
	s29 =	simm.s32 $0x47F0;
	v6 =	vld [tilespmem:s30+$0xFFFFFF90];
	v8 =	vmul.f32 $4.525483320e+01, v8;
	[tilespmem:s26+$0x0] =	vst v9  }
.LBB2_57:
0x314: {  	v9 =	vld [tilespmem:s29+$0x0];
	s28 =	sadd.s32 $0x80, s28;
	[tilespmem:s26+$0xFFFFFFA0] =	vst v7;
	v5 =	vmul.f32 $4.525483320e+01, v5  }
0x315: {  	v7 =	vld [tilespmem:s29+$0xFFFFFFA0];
	p0 =	slt.u32 s28, $0x780;
	[tilespmem:s26+$0xFFFFFFB0] =	vst v8;
	v3 =	vmul.f32 $4.525483320e+01, v3  }
0x316: {  	v8 =	vld [tilespmem:s29+$0xFFFFFFB0];
	[tilespmem:s26+$0xFFFFFFC0] =	vst v5;
	v2 =	vmul.f32 $4.525483320e+01, v2  }
.Ltmp27:
0x317: {  	v5 =	vld [tilespmem:s29+$0xFFFFFFC0];
	[tilespmem:s26+$0xFFFFFFD0] =	vst v3;
	v4 =	vmul.f32 $4.525483320e+01, v4;
	(pc) =	sbr.rel @p0 .LBB2_57-.Ltmp27, $4  }
0x318: {  	v3 =	vld [tilespmem:s29+$0xFFFFFFD0];
	v6 =	vmul.f32 $4.525483320e+01, v6;
	[tilespmem:s26+$0xFFFFFFE0] =	vst v2  }
0x319: {  	s30 =	simm.s32 $0x4470;
	v2 =	vld [tilespmem:s29+$0xFFFFFFE0];
	v9 =	vmul.f32 $4.525483320e+01, v9;
	[tilespmem:s26+$0xFFFFFFF0] =	vst v4  }
0x31a: {  	s25 =	simm.s32 $0xC470;
	v7 =	vmul.f32 $4.525483320e+01, v7;
	v4 =	vld [tilespmem:s29+$0xFFFFFFF0];
	[tilespmem:s26+$0xFFFFFF90] =	vst v6;
	s26 =	sadd.s32 $0x400, s26  }
0x31b: {  	v6 =	vld [tilespmem:s29+$0xFFFFFF90];
	v8 =	vmul.f32 $4.525483320e+01, v8;
	[tilespmem:s26+$0x0] =	vst v9;
	s29 =	sadd.s32 $0x400, s29  }
0x31c: {  	[tilespmem:s26+$0xFFFFFFA0] =	vst v7;
	v5 =	vmul.f32 $4.525483320e+01, v5  }
0x31d: {  	[tilespmem:s26+$0xFFFFFFB0] =	vst v8;
	v3 =	vmul.f32 $4.525483320e+01, v3  }
0x31e: {  	[tilespmem:s26+$0xFFFFFFC0] =	vst v5;
	v2 =	vmul.f32 $4.525483320e+01, v2  }
0x31f: {  	[tilespmem:s26+$0xFFFFFFD0] =	vst v3;
	v3 =	vmul.f32 $4.525483320e+01, v4  }
0x320: {  	v4 =	vmul.f32 $4.525483320e+01, v6;
	[tilespmem:s26+$0xFFFFFFE0] =	vst v2  }
0x321: {  	[tilespmem:s26+$0xFFFFFFF0] =	vst v3  }
0x322: {  	[tilespmem:s26+$0xFFFFFF90] =	vst v4  }
0x323: {  	v4 =	vld [tilespmem:s30+$0x0]  }
0x324: {  	v6 =	vld [tilespmem:s30+$0xFFFFFFA0]  }
0x325: {  	v8 =	vld [tilespmem:s30+$0xFFFFFFB0]  }
0x326: {  	v5 =	vld [tilespmem:s30+$0xFFFFFFC0]  }
0x327: {  	v3 =	vld [tilespmem:s30+$0xFFFFFFD0]  }
0x328: {  	v2 =	vld [tilespmem:s30+$0xFFFFFFE0];
	v9 =	vmul.f32 $4.525483320e+01, v4  }
0x329: {  	v4 =	vld [tilespmem:s30+$0xFFFFFFF0];
	v7 =	vmul.f32 $4.525483320e+01, v6  }
0x32a: {  	s28 =	simm.s32 $0x0;
	s29 =	simm.s32 $0x4870;
	v6 =	vld [tilespmem:s30+$0xFFFFFF90];
	v8 =	vmul.f32 $4.525483320e+01, v8;
	[tilespmem:s25+$0x0] =	vst v9  }
.LBB2_59:
0x32b: {  	v9 =	vld [tilespmem:s29+$0x0];
	s28 =	sadd.s32 $0x80, s28;
	[tilespmem:s25+$0xFFFFFFA0] =	vst v7;
	v5 =	vmul.f32 $4.525483320e+01, v5  }
0x32c: {  	v7 =	vld [tilespmem:s29+$0xFFFFFFA0];
	p0 =	slt.u32 s28, $0x780;
	[tilespmem:s25+$0xFFFFFFB0] =	vst v8;
	v3 =	vmul.f32 $4.525483320e+01, v3  }
0x32d: {  	v8 =	vld [tilespmem:s29+$0xFFFFFFB0];
	[tilespmem:s25+$0xFFFFFFC0] =	vst v5;
	v2 =	vmul.f32 $4.525483320e+01, v2  }
.Ltmp28:
0x32e: {  	v5 =	vld [tilespmem:s29+$0xFFFFFFC0];
	[tilespmem:s25+$0xFFFFFFD0] =	vst v3;
	v4 =	vmul.f32 $4.525483320e+01, v4;
	(pc) =	sbr.rel @p0 .LBB2_59-.Ltmp28, $4  }
0x32f: {  	v3 =	vld [tilespmem:s29+$0xFFFFFFD0];
	v6 =	vmul.f32 $4.525483320e+01, v6;
	[tilespmem:s25+$0xFFFFFFE0] =	vst v2  }
0x330: {  	v2 =	vld [tilespmem:s29+$0xFFFFFFE0];
	v9 =	vmul.f32 $4.525483320e+01, v9;
	[tilespmem:s25+$0xFFFFFFF0] =	vst v4  }
0x331: {  	s30 =	simm.s32 $0x44F0;
	v7 =	vmul.f32 $4.525483320e+01, v7;
	v4 =	vld [tilespmem:s29+$0xFFFFFFF0];
	[tilespmem:s25+$0xFFFFFF90] =	vst v6;
	s25 =	sadd.s32 $0x400, s25  }
0x332: {  	s26 =	simm.s32 $0xC4F0;
	v6 =	vld [tilespmem:s29+$0xFFFFFF90];
	v8 =	vmul.f32 $4.525483320e+01, v8;
	[tilespmem:s25+$0x0] =	vst v9;
	s29 =	sadd.s32 $0x400, s29  }
0x333: {  	[tilespmem:s25+$0xFFFFFFA0] =	vst v7;
	v5 =	vmul.f32 $4.525483320e+01, v5  }
0x334: {  	[tilespmem:s25+$0xFFFFFFB0] =	vst v8;
	v3 =	vmul.f32 $4.525483320e+01, v3  }
0x335: {  	[tilespmem:s25+$0xFFFFFFC0] =	vst v5;
	v2 =	vmul.f32 $4.525483320e+01, v2  }
0x336: {  	[tilespmem:s25+$0xFFFFFFD0] =	vst v3;
	v3 =	vmul.f32 $4.525483320e+01, v4  }
0x337: {  	v4 =	vmul.f32 $4.525483320e+01, v6;
	[tilespmem:s25+$0xFFFFFFE0] =	vst v2  }
0x338: {  	[tilespmem:s25+$0xFFFFFFF0] =	vst v3  }
0x339: {  	[tilespmem:s25+$0xFFFFFF90] =	vst v4  }
0x33a: {  	v4 =	vld [tilespmem:s30+$0x0]  }
0x33b: {  	v6 =	vld [tilespmem:s30+$0xFFFFFFA0]  }
0x33c: {  	v8 =	vld [tilespmem:s30+$0xFFFFFFB0]  }
0x33d: {  	v5 =	vld [tilespmem:s30+$0xFFFFFFC0]  }
0x33e: {  	v3 =	vld [tilespmem:s30+$0xFFFFFFD0]  }
0x33f: {  	v2 =	vld [tilespmem:s30+$0xFFFFFFE0];
	v9 =	vmul.f32 $4.525483320e+01, v4  }
0x340: {  	v4 =	vld [tilespmem:s30+$0xFFFFFFF0];
	v7 =	vmul.f32 $4.525483320e+01, v6  }
0x341: {  	s28 =	simm.s32 $0x0;
	s29 =	simm.s32 $0x48F0;
	v6 =	vld [tilespmem:s30+$0xFFFFFF90];
	v8 =	vmul.f32 $4.525483320e+01, v8;
	[tilespmem:s26+$0x0] =	vst v9  }
.LBB2_61:
0x342: {  	v9 =	vld [tilespmem:s29+$0x0];
	s28 =	sadd.s32 $0x80, s28;
	[tilespmem:s26+$0xFFFFFFA0] =	vst v7;
	v5 =	vmul.f32 $4.525483320e+01, v5  }
0x343: {  	v7 =	vld [tilespmem:s29+$0xFFFFFFA0];
	p0 =	slt.u32 s28, $0x780;
	[tilespmem:s26+$0xFFFFFFB0] =	vst v8;
	v3 =	vmul.f32 $4.525483320e+01, v3  }
0x344: {  	v8 =	vld [tilespmem:s29+$0xFFFFFFB0];
	[tilespmem:s26+$0xFFFFFFC0] =	vst v5;
	v2 =	vmul.f32 $4.525483320e+01, v2  }
.Ltmp29:
0x345: {  	v5 =	vld [tilespmem:s29+$0xFFFFFFC0];
	[tilespmem:s26+$0xFFFFFFD0] =	vst v3;
	v4 =	vmul.f32 $4.525483320e+01, v4;
	(pc) =	sbr.rel @p0 .LBB2_61-.Ltmp29, $4  }
0x346: {  	v3 =	vld [tilespmem:s29+$0xFFFFFFD0];
	v6 =	vmul.f32 $4.525483320e+01, v6;
	[tilespmem:s26+$0xFFFFFFE0] =	vst v2  }
0x347: {  	s30 =	simm.s32 $0x4570;
	v2 =	vld [tilespmem:s29+$0xFFFFFFE0];
	v9 =	vmul.f32 $4.525483320e+01, v9;
	[tilespmem:s26+$0xFFFFFFF0] =	vst v4  }
0x348: {  	s25 =	simm.s32 $0xC570;
	v7 =	vmul.f32 $4.525483320e+01, v7;
	v4 =	vld [tilespmem:s29+$0xFFFFFFF0];
	[tilespmem:s26+$0xFFFFFF90] =	vst v6;
	s26 =	sadd.s32 $0x400, s26  }
0x349: {  	v6 =	vld [tilespmem:s29+$0xFFFFFF90];
	v8 =	vmul.f32 $4.525483320e+01, v8;
	[tilespmem:s26+$0x0] =	vst v9;
	s29 =	sadd.s32 $0x400, s29  }
0x34a: {  	[tilespmem:s26+$0xFFFFFFA0] =	vst v7;
	v5 =	vmul.f32 $4.525483320e+01, v5  }
0x34b: {  	[tilespmem:s26+$0xFFFFFFB0] =	vst v8;
	v3 =	vmul.f32 $4.525483320e+01, v3  }
0x34c: {  	[tilespmem:s26+$0xFFFFFFC0] =	vst v5;
	v2 =	vmul.f32 $4.525483320e+01, v2  }
0x34d: {  	[tilespmem:s26+$0xFFFFFFD0] =	vst v3;
	v3 =	vmul.f32 $4.525483320e+01, v4  }
0x34e: {  	v4 =	vmul.f32 $4.525483320e+01, v6;
	[tilespmem:s26+$0xFFFFFFE0] =	vst v2  }
0x34f: {  	[tilespmem:s26+$0xFFFFFFF0] =	vst v3  }
0x350: {  	[tilespmem:s26+$0xFFFFFF90] =	vst v4  }
0x351: {  	v4 =	vld [tilespmem:s30+$0x0]  }
0x352: {  	v6 =	vld [tilespmem:s30+$0xFFFFFFA0]  }
0x353: {  	v8 =	vld [tilespmem:s30+$0xFFFFFFB0]  }
0x354: {  	v5 =	vld [tilespmem:s30+$0xFFFFFFC0]  }
0x355: {  	v3 =	vld [tilespmem:s30+$0xFFFFFFD0]  }
0x356: {  	v2 =	vld [tilespmem:s30+$0xFFFFFFE0];
	v9 =	vmul.f32 $4.525483320e+01, v4  }
0x357: {  	v4 =	vld [tilespmem:s30+$0xFFFFFFF0];
	v7 =	vmul.f32 $4.525483320e+01, v6  }
0x358: {  	s28 =	simm.s32 $0x0;
	s29 =	simm.s32 $0x4970;
	v6 =	vld [tilespmem:s30+$0xFFFFFF90];
	v8 =	vmul.f32 $4.525483320e+01, v8;
	[tilespmem:s25+$0x0] =	vst v9  }
.LBB2_63:
0x359: {  	v9 =	vld [tilespmem:s29+$0x0];
	s28 =	sadd.s32 $0x80, s28;
	[tilespmem:s25+$0xFFFFFFA0] =	vst v7;
	v5 =	vmul.f32 $4.525483320e+01, v5  }
0x35a: {  	v7 =	vld [tilespmem:s29+$0xFFFFFFA0];
	p0 =	slt.u32 s28, $0x780;
	[tilespmem:s25+$0xFFFFFFB0] =	vst v8;
	v3 =	vmul.f32 $4.525483320e+01, v3  }
0x35b: {  	v8 =	vld [tilespmem:s29+$0xFFFFFFB0];
	[tilespmem:s25+$0xFFFFFFC0] =	vst v5;
	v2 =	vmul.f32 $4.525483320e+01, v2  }
.Ltmp30:
0x35c: {  	v5 =	vld [tilespmem:s29+$0xFFFFFFC0];
	[tilespmem:s25+$0xFFFFFFD0] =	vst v3;
	v4 =	vmul.f32 $4.525483320e+01, v4;
	(pc) =	sbr.rel @p0 .LBB2_63-.Ltmp30, $4  }
0x35d: {  	v3 =	vld [tilespmem:s29+$0xFFFFFFD0];
	v6 =	vmul.f32 $4.525483320e+01, v6;
	[tilespmem:s25+$0xFFFFFFE0] =	vst v2  }
0x35e: {  	v2 =	vld [tilespmem:s29+$0xFFFFFFE0];
	v9 =	vmul.f32 $4.525483320e+01, v9;
	[tilespmem:s25+$0xFFFFFFF0] =	vst v4  }
0x35f: {  	s30 =	simm.s32 $0x45F0;
	v7 =	vmul.f32 $4.525483320e+01, v7;
	v4 =	vld [tilespmem:s29+$0xFFFFFFF0];
	[tilespmem:s25+$0xFFFFFF90] =	vst v6;
	s25 =	sadd.s32 $0x400, s25  }
0x360: {  	s26 =	simm.s32 $0xC5F0;
	v6 =	vld [tilespmem:s29+$0xFFFFFF90];
	v8 =	vmul.f32 $4.525483320e+01, v8;
	[tilespmem:s25+$0x0] =	vst v9;
	s29 =	sadd.s32 $0x400, s29  }
0x361: {  	[tilespmem:s25+$0xFFFFFFA0] =	vst v7;
	v5 =	vmul.f32 $4.525483320e+01, v5  }
0x362: {  	[tilespmem:s25+$0xFFFFFFB0] =	vst v8;
	v3 =	vmul.f32 $4.525483320e+01, v3  }
0x363: {  	[tilespmem:s25+$0xFFFFFFC0] =	vst v5;
	v2 =	vmul.f32 $4.525483320e+01, v2  }
0x364: {  	[tilespmem:s25+$0xFFFFFFD0] =	vst v3;
	v3 =	vmul.f32 $4.525483320e+01, v4  }
0x365: {  	v4 =	vmul.f32 $4.525483320e+01, v6;
	[tilespmem:s25+$0xFFFFFFE0] =	vst v2  }
0x366: {  	[tilespmem:s25+$0xFFFFFFF0] =	vst v3  }
0x367: {  	[tilespmem:s25+$0xFFFFFF90] =	vst v4  }
0x368: {  	v4 =	vld [tilespmem:s30+$0x0]  }
0x369: {  	v6 =	vld [tilespmem:s30+$0xFFFFFFA0]  }
0x36a: {  	v8 =	vld [tilespmem:s30+$0xFFFFFFB0]  }
0x36b: {  	v5 =	vld [tilespmem:s30+$0xFFFFFFC0]  }
0x36c: {  	v3 =	vld [tilespmem:s30+$0xFFFFFFD0]  }
0x36d: {  	v2 =	vld [tilespmem:s30+$0xFFFFFFE0];
	v9 =	vmul.f32 $4.525483320e+01, v4  }
0x36e: {  	v4 =	vld [tilespmem:s30+$0xFFFFFFF0];
	v7 =	vmul.f32 $4.525483320e+01, v6  }
0x36f: {  	s28 =	simm.s32 $0x49F0;
	s25 =	simm.s32 $0x0;
	v6 =	vld [tilespmem:s30+$0xFFFFFF90];
	v8 =	vmul.f32 $4.525483320e+01, v8;
	[tilespmem:s26+$0x0] =	vst v9  }
.LBB2_65:
0x370: {  	v9 =	vld [tilespmem:s28+$0x0];
	s25 =	sadd.s32 $0x80, s25;
	[tilespmem:s26+$0xFFFFFFA0] =	vst v7;
	v5 =	vmul.f32 $4.525483320e+01, v5  }
0x371: {  	v7 =	vld [tilespmem:s28+$0xFFFFFFA0];
	p0 =	slt.u32 s25, $0x780;
	[tilespmem:s26+$0xFFFFFFB0] =	vst v8;
	v3 =	vmul.f32 $4.525483320e+01, v3  }
0x372: {  	v8 =	vld [tilespmem:s28+$0xFFFFFFB0];
	[tilespmem:s26+$0xFFFFFFC0] =	vst v5;
	v2 =	vmul.f32 $4.525483320e+01, v2  }
.Ltmp31:
0x373: {  	v5 =	vld [tilespmem:s28+$0xFFFFFFC0];
	[tilespmem:s26+$0xFFFFFFD0] =	vst v3;
	v4 =	vmul.f32 $4.525483320e+01, v4;
	(pc) =	sbr.rel @p0 .LBB2_65-.Ltmp31, $4  }
0x374: {  	v3 =	vld [tilespmem:s28+$0xFFFFFFD0];
	v6 =	vmul.f32 $4.525483320e+01, v6;
	[tilespmem:s26+$0xFFFFFFE0] =	vst v2  }
0x375: {  	v2 =	vld [tilespmem:s28+$0xFFFFFFE0];
	v9 =	vmul.f32 $4.525483320e+01, v9;
	[tilespmem:s26+$0xFFFFFFF0] =	vst v4  }
0x376: {  	v7 =	vmul.f32 $4.525483320e+01, v7;
	v4 =	vld [tilespmem:s28+$0xFFFFFFF0];
	[tilespmem:s26+$0xFFFFFF90] =	vst v6;
	s26 =	sadd.s32 $0x400, s26  }
0x377: {  	v6 =	vld [tilespmem:s28+$0xFFFFFF90];
	v8 =	vmul.f32 $4.525483320e+01, v8;
	[tilespmem:s26+$0x0] =	vst v9;
	s28 =	sadd.s32 $0x400, s28  }
0x378: {  	[tilespmem:s26+$0xFFFFFFA0] =	vst v7;
	v5 =	vmul.f32 $4.525483320e+01, v5  }
0x379: {  	[tilespmem:s26+$0xFFFFFFB0] =	vst v8;
	v3 =	vmul.f32 $4.525483320e+01, v3  }
0x37a: {  	[tilespmem:s26+$0xFFFFFFC0] =	vst v5;
	v2 =	vmul.f32 $4.525483320e+01, v2  }
0x37b: {  	[tilespmem:s26+$0xFFFFFFD0] =	vst v3;
	v3 =	vmul.f32 $4.525483320e+01, v4  }
0x37c: {  	v63 =	vmul.f32 $4.525483320e+01, v6;
	[tilespmem:s26+$0xFFFFFFE0] =	vst v2  }
0x37d: {  	s23 =	sadd.s32 s23, s3;
	[tilespmem:s26+$0xFFFFFFF0] =	vst v3  }
0x37e: {  	s23 =	sadd.s32 $0x800, s23;
	[tilespmem:s26+$0xFFFFFF90] =	vst v63  }
0x37f: {  	[hbm4b:s23+s4] =	stream.linear.scatter [tilespmem:s19], [sflag:$0x4], $0x4000, $0x38;
	[tilespmem:$0x10200] =	vst v63  }
0x380: {  	v2 =	vld.msk [tilespmem:s24+$0x18], $0xff;
	_ =	sdelay $0x4  }
0x381: {  	v3 =	vshll.u32 v2, $0x4  }
0x382: {  	v2 =	vand.u32 $0x7, v2;
	v3 =	vand.u32 $0xFFFFFF80, v3  }
0x383: {  	v2 =	vor.u32 v2, v3  }
0x384: {  	v2 =	vperm.xlane v2, v0;
	_ =	sdelay $0x1  }
0x385: {  	v2 =	vadd.s32 v1, v2;
	_ =	sdelay $0x3  }
0x386: {  	s29 =	simm.s32 $0x4200  }
0x387: {  	[tilespmem:s29], [sflag:$0x2] =	stream.indirect_vreg.gather [hbm4b:s1+s4], $0x80, v2, vm0, $0xb8;
	[tilespmem:$0x10200] =	vst v63  }
0x388: {  	s30 =	simm.s32 $0x4A00  }
0x389: {  	[tilespmem:s30], [sflag:$0x2] =	stream.indirect_vreg.gather [hbm4b:s6+s4], $0x80, v2, vm0, $0xb8;
	[tilespmem:$0x10200] =	vst v63  }
0x38a: {  	_ = 	snop  }
0x38b: {  	[tilespmem:s31], [sflag:$0x2] =	stream.indirect_vreg.gather [hbm4b:s8+s4], $0x80, v2, vm0, $0xb8;
	[tilespmem:$0x10200] =	vst v63  }
0x38c: {  	_ = 	snop  }
0x38d: {  	[tilespmem:s2], [sflag:$0x2] =	stream.indirect_vreg.gather [hbm4b:s9+s4], $0x80, v2, vm0, $0xb8;
	[tilespmem:$0x10200] =	vst v63  }
0x38e: {  	s22 =	sadd.s32 $0x1, s22  }
0x38f: {  	[tilespmem:s0], [sflag:$0x2] =	stream.indirect_vreg.gather [hbm4b:s10+s4], $0x80, v2, vm0, $0xb8;
	[tilespmem:$0x10200] =	vst v63  }
0x390: {  	p0 =	sne.s32 s22, $0x1F  }
0x391: {  	[tilespmem:s5], [sflag:$0x2] =	stream.indirect_vreg.gather [hbm4b:s11+s4], $0x80, v2, vm0, $0xb8;
	[tilespmem:$0x10200] =	vst v63  }
.Ltmp32:
0x392: {  	_ = 	snop;
	(pc) =	sbr.rel @p0 .LBB2_34-.Ltmp32, $4  }
0x393: {  	_ = 	snop  }
0x394: {  	[tilespmem:s15], [sflag:$0x2] =	stream.indirect_vreg.gather [hbm4b:s13+s4], $0x80, v2, vm0, $0xb8;
	[tilespmem:$0x10200] =	vst v63  }
0x395: {  	_ = 	snop  }
0x396: {  	[tilespmem:s16], [sflag:$0x2] =	stream.indirect_vreg.gather [hbm4b:s14+s4], $0x80, v2, vm0, $0xb8;
	[tilespmem:$0x10200] =	vst v63  }
0x397: {  	_ =	swait.ge [sflag:s17], $0x4000  }
0x398: {  	[sflag:s17] =	ssyncset.done $0x0  }
0x399: {  	[sflag:s17] =	ssyncadd.s32 $0xFFFFC000  }
0x39a: {  	_ =	swait.ge [sflag:s20], $0x4000  }
0x39b: {  	[sflag:s20] =	ssyncset.done $0x0  }
0x39c: {  	s23 =	simm.s32 $0x240;
	[sflag:s20] =	ssyncadd.s32 $0xFFFFC000  }
0x39d: {  	v4 =	vld [tilespmem:s23+$0x30]  }
0x39e: {  	v6 =	vld [tilespmem:s23+$0xFFFFFFD0]  }
0x39f: {  	v8 =	vld [tilespmem:s23+$0xFFFFFFE0]  }
0x3a0: {  	v5 =	vld [tilespmem:s23+$0xFFFFFFF0]  }
0x3a1: {  	v3 =	vld [tilespmem:s23+$0x0]  }
0x3a2: {  	v2 =	vld [tilespmem:s23+$0x10];
	v9 =	vmul.f32 $4.525483320e+01, v4  }
0x3a3: {  	s22 =	simm.s32 $0x8240;
	v4 =	vld [tilespmem:s23+$0x20];
	v7 =	vmul.f32 $4.525483320e+01, v6  }
0x3a4: {  	s24 =	simm.s32 $0x0;
	s25 =	simm.s32 $0x640;
	v6 =	vld [tilespmem:s23+$0xFFFFFFC0];
	v8 =	vmul.f32 $4.525483320e+01, v8;
	[tilespmem:s22+$0x30] =	vst v9  }
.LBB2_68:
0x3a5: {  	v9 =	vld [tilespmem:s25+$0x30];
	s24 =	sadd.s32 $0x80, s24;
	[tilespmem:s22+$0xFFFFFFD0] =	vst v7;
	v5 =	vmul.f32 $4.525483320e+01, v5  }
0x3a6: {  	v7 =	vld [tilespmem:s25+$0xFFFFFFD0];
	p0 =	slt.u32 s24, $0x780;
	[tilespmem:s22+$0xFFFFFFE0] =	vst v8;
	v3 =	vmul.f32 $4.525483320e+01, v3  }
0x3a7: {  	v8 =	vld [tilespmem:s25+$0xFFFFFFE0];
	[tilespmem:s22+$0xFFFFFFF0] =	vst v5;
	v2 =	vmul.f32 $4.525483320e+01, v2  }
.Ltmp33:
0x3a8: {  	v5 =	vld [tilespmem:s25+$0xFFFFFFF0];
	[tilespmem:s22+$0x0] =	vst v3;
	v4 =	vmul.f32 $4.525483320e+01, v4;
	(pc) =	sbr.rel @p0 .LBB2_68-.Ltmp33, $4  }
0x3a9: {  	v3 =	vld [tilespmem:s25+$0x0];
	v6 =	vmul.f32 $4.525483320e+01, v6;
	[tilespmem:s22+$0x10] =	vst v2  }
0x3aa: {  	v2 =	vld [tilespmem:s25+$0x10];
	v9 =	vmul.f32 $4.525483320e+01, v9;
	[tilespmem:s22+$0x20] =	vst v4  }
0x3ab: {  	s26 =	simm.s32 $0x2F0;
	v7 =	vmul.f32 $4.525483320e+01, v7;
	v4 =	vld [tilespmem:s25+$0x20];
	[tilespmem:s22+$0xFFFFFFC0] =	vst v6;
	s22 =	sadd.s32 $0x400, s22  }
0x3ac: {  	s23 =	simm.s32 $0x82F0;
	v6 =	vld [tilespmem:s25+$0xFFFFFFC0];
	v8 =	vmul.f32 $4.525483320e+01, v8;
	[tilespmem:s22+$0x30] =	vst v9;
	s25 =	sadd.s32 $0x400, s25  }
0x3ad: {  	[tilespmem:s22+$0xFFFFFFD0] =	vst v7;
	v5 =	vmul.f32 $4.525483320e+01, v5  }
0x3ae: {  	[tilespmem:s22+$0xFFFFFFE0] =	vst v8;
	v3 =	vmul.f32 $4.525483320e+01, v3  }
0x3af: {  	[tilespmem:s22+$0xFFFFFFF0] =	vst v5;
	v2 =	vmul.f32 $4.525483320e+01, v2  }
0x3b0: {  	[tilespmem:s22+$0x0] =	vst v3;
	v3 =	vmul.f32 $4.525483320e+01, v4  }
0x3b1: {  	v4 =	vmul.f32 $4.525483320e+01, v6;
	[tilespmem:s22+$0x10] =	vst v2  }
0x3b2: {  	[tilespmem:s22+$0x20] =	vst v3  }
0x3b3: {  	[tilespmem:s22+$0xFFFFFFC0] =	vst v4  }
0x3b4: {  	v4 =	vld [tilespmem:s26+$0x0]  }
0x3b5: {  	v6 =	vld [tilespmem:s26+$0xFFFFFFA0]  }
0x3b6: {  	v8 =	vld [tilespmem:s26+$0xFFFFFFB0]  }
0x3b7: {  	v5 =	vld [tilespmem:s26+$0xFFFFFFC0]  }
0x3b8: {  	v3 =	vld [tilespmem:s26+$0xFFFFFFD0]  }
0x3b9: {  	v2 =	vld [tilespmem:s26+$0xFFFFFFE0];
	v9 =	vmul.f32 $4.525483320e+01, v4  }
0x3ba: {  	v4 =	vld [tilespmem:s26+$0xFFFFFFF0];
	v7 =	vmul.f32 $4.525483320e+01, v6  }
0x3bb: {  	s24 =	simm.s32 $0x0;
	s25 =	simm.s32 $0x6F0;
	v6 =	vld [tilespmem:s26+$0xFFFFFF90];
	v8 =	vmul.f32 $4.525483320e+01, v8;
	[tilespmem:s23+$0x0] =	vst v9  }
.LBB2_70:
0x3bc: {  	v9 =	vld [tilespmem:s25+$0x0];
	s24 =	sadd.s32 $0x80, s24;
	[tilespmem:s23+$0xFFFFFFA0] =	vst v7;
	v5 =	vmul.f32 $4.525483320e+01, v5  }
0x3bd: {  	v7 =	vld [tilespmem:s25+$0xFFFFFFA0];
	p0 =	slt.u32 s24, $0x780;
	[tilespmem:s23+$0xFFFFFFB0] =	vst v8;
	v3 =	vmul.f32 $4.525483320e+01, v3  }
0x3be: {  	v8 =	vld [tilespmem:s25+$0xFFFFFFB0];
	[tilespmem:s23+$0xFFFFFFC0] =	vst v5;
	v2 =	vmul.f32 $4.525483320e+01, v2  }
.Ltmp34:
0x3bf: {  	v5 =	vld [tilespmem:s25+$0xFFFFFFC0];
	[tilespmem:s23+$0xFFFFFFD0] =	vst v3;
	v4 =	vmul.f32 $4.525483320e+01, v4;
	(pc) =	sbr.rel @p0 .LBB2_70-.Ltmp34, $4  }
0x3c0: {  	v3 =	vld [tilespmem:s25+$0xFFFFFFD0];
	v6 =	vmul.f32 $4.525483320e+01, v6;
	[tilespmem:s23+$0xFFFFFFE0] =	vst v2  }
0x3c1: {  	s26 =	simm.s32 $0x370;
	v2 =	vld [tilespmem:s25+$0xFFFFFFE0];
	v9 =	vmul.f32 $4.525483320e+01, v9;
	[tilespmem:s23+$0xFFFFFFF0] =	vst v4  }
0x3c2: {  	s22 =	simm.s32 $0x8370;
	v7 =	vmul.f32 $4.525483320e+01, v7;
	v4 =	vld [tilespmem:s25+$0xFFFFFFF0];
	[tilespmem:s23+$0xFFFFFF90] =	vst v6;
	s23 =	sadd.s32 $0x400, s23  }
0x3c3: {  	v6 =	vld [tilespmem:s25+$0xFFFFFF90];
	v8 =	vmul.f32 $4.525483320e+01, v8;
	[tilespmem:s23+$0x0] =	vst v9;
	s25 =	sadd.s32 $0x400, s25  }
0x3c4: {  	[tilespmem:s23+$0xFFFFFFA0] =	vst v7;
	v5 =	vmul.f32 $4.525483320e+01, v5  }
0x3c5: {  	[tilespmem:s23+$0xFFFFFFB0] =	vst v8;
	v3 =	vmul.f32 $4.525483320e+01, v3  }
0x3c6: {  	[tilespmem:s23+$0xFFFFFFC0] =	vst v5;
	v2 =	vmul.f32 $4.525483320e+01, v2  }
0x3c7: {  	[tilespmem:s23+$0xFFFFFFD0] =	vst v3;
	v3 =	vmul.f32 $4.525483320e+01, v4  }
0x3c8: {  	v4 =	vmul.f32 $4.525483320e+01, v6;
	[tilespmem:s23+$0xFFFFFFE0] =	vst v2  }
0x3c9: {  	[tilespmem:s23+$0xFFFFFFF0] =	vst v3  }
0x3ca: {  	[tilespmem:s23+$0xFFFFFF90] =	vst v4  }
0x3cb: {  	v4 =	vld [tilespmem:s26+$0x0]  }
0x3cc: {  	v6 =	vld [tilespmem:s26+$0xFFFFFFA0]  }
0x3cd: {  	v8 =	vld [tilespmem:s26+$0xFFFFFFB0]  }
0x3ce: {  	v5 =	vld [tilespmem:s26+$0xFFFFFFC0]  }
0x3cf: {  	v3 =	vld [tilespmem:s26+$0xFFFFFFD0]  }
0x3d0: {  	v2 =	vld [tilespmem:s26+$0xFFFFFFE0];
	v9 =	vmul.f32 $4.525483320e+01, v4  }
0x3d1: {  	v4 =	vld [tilespmem:s26+$0xFFFFFFF0];
	v7 =	vmul.f32 $4.525483320e+01, v6  }
0x3d2: {  	s24 =	simm.s32 $0x0;
	s25 =	simm.s32 $0x770;
	v6 =	vld [tilespmem:s26+$0xFFFFFF90];
	v8 =	vmul.f32 $4.525483320e+01, v8;
	[tilespmem:s22+$0x0] =	vst v9  }
.LBB2_72:
0x3d3: {  	v9 =	vld [tilespmem:s25+$0x0];
	s24 =	sadd.s32 $0x80, s24;
	[tilespmem:s22+$0xFFFFFFA0] =	vst v7;
	v5 =	vmul.f32 $4.525483320e+01, v5  }
0x3d4: {  	v7 =	vld [tilespmem:s25+$0xFFFFFFA0];
	p0 =	slt.u32 s24, $0x780;
	[tilespmem:s22+$0xFFFFFFB0] =	vst v8;
	v3 =	vmul.f32 $4.525483320e+01, v3  }
0x3d5: {  	v8 =	vld [tilespmem:s25+$0xFFFFFFB0];
	[tilespmem:s22+$0xFFFFFFC0] =	vst v5;
	v2 =	vmul.f32 $4.525483320e+01, v2  }
.Ltmp35:
0x3d6: {  	v5 =	vld [tilespmem:s25+$0xFFFFFFC0];
	[tilespmem:s22+$0xFFFFFFD0] =	vst v3;
	v4 =	vmul.f32 $4.525483320e+01, v4;
	(pc) =	sbr.rel @p0 .LBB2_72-.Ltmp35, $4  }
0x3d7: {  	v3 =	vld [tilespmem:s25+$0xFFFFFFD0];
	v6 =	vmul.f32 $4.525483320e+01, v6;
	[tilespmem:s22+$0xFFFFFFE0] =	vst v2  }
0x3d8: {  	v2 =	vld [tilespmem:s25+$0xFFFFFFE0];
	v9 =	vmul.f32 $4.525483320e+01, v9;
	[tilespmem:s22+$0xFFFFFFF0] =	vst v4  }
0x3d9: {  	s26 =	simm.s32 $0x3F0;
	v7 =	vmul.f32 $4.525483320e+01, v7;
	v4 =	vld [tilespmem:s25+$0xFFFFFFF0];
	[tilespmem:s22+$0xFFFFFF90] =	vst v6;
	s22 =	sadd.s32 $0x400, s22  }
0x3da: {  	s23 =	simm.s32 $0x83F0;
	v6 =	vld [tilespmem:s25+$0xFFFFFF90];
	v8 =	vmul.f32 $4.525483320e+01, v8;
	[tilespmem:s22+$0x0] =	vst v9;
	s25 =	sadd.s32 $0x400, s25  }
0x3db: {  	[tilespmem:s22+$0xFFFFFFA0] =	vst v7;
	v5 =	vmul.f32 $4.525483320e+01, v5  }
0x3dc: {  	[tilespmem:s22+$0xFFFFFFB0] =	vst v8;
	v3 =	vmul.f32 $4.525483320e+01, v3  }
0x3dd: {  	[tilespmem:s22+$0xFFFFFFC0] =	vst v5;
	v2 =	vmul.f32 $4.525483320e+01, v2  }
0x3de: {  	[tilespmem:s22+$0xFFFFFFD0] =	vst v3;
	v3 =	vmul.f32 $4.525483320e+01, v4  }
0x3df: {  	v4 =	vmul.f32 $4.525483320e+01, v6;
	[tilespmem:s22+$0xFFFFFFE0] =	vst v2  }
0x3e0: {  	[tilespmem:s22+$0xFFFFFFF0] =	vst v3  }
0x3e1: {  	[tilespmem:s22+$0xFFFFFF90] =	vst v4  }
0x3e2: {  	v4 =	vld [tilespmem:s26+$0x0]  }
0x3e3: {  	v6 =	vld [tilespmem:s26+$0xFFFFFFA0]  }
0x3e4: {  	v8 =	vld [tilespmem:s26+$0xFFFFFFB0]  }
0x3e5: {  	v5 =	vld [tilespmem:s26+$0xFFFFFFC0]  }
0x3e6: {  	v3 =	vld [tilespmem:s26+$0xFFFFFFD0]  }
0x3e7: {  	v2 =	vld [tilespmem:s26+$0xFFFFFFE0];
	v9 =	vmul.f32 $4.525483320e+01, v4  }
0x3e8: {  	v4 =	vld [tilespmem:s26+$0xFFFFFFF0];
	v7 =	vmul.f32 $4.525483320e+01, v6  }
0x3e9: {  	s24 =	simm.s32 $0x0;
	s25 =	simm.s32 $0x7F0;
	v6 =	vld [tilespmem:s26+$0xFFFFFF90];
	v8 =	vmul.f32 $4.525483320e+01, v8;
	[tilespmem:s23+$0x0] =	vst v9  }
.LBB2_74:
0x3ea: {  	v9 =	vld [tilespmem:s25+$0x0];
	s24 =	sadd.s32 $0x80, s24;
	[tilespmem:s23+$0xFFFFFFA0] =	vst v7;
	v5 =	vmul.f32 $4.525483320e+01, v5  }
0x3eb: {  	v7 =	vld [tilespmem:s25+$0xFFFFFFA0];
	p0 =	slt.u32 s24, $0x780;
	[tilespmem:s23+$0xFFFFFFB0] =	vst v8;
	v3 =	vmul.f32 $4.525483320e+01, v3  }
0x3ec: {  	v8 =	vld [tilespmem:s25+$0xFFFFFFB0];
	[tilespmem:s23+$0xFFFFFFC0] =	vst v5;
	v2 =	vmul.f32 $4.525483320e+01, v2  }
.Ltmp36:
0x3ed: {  	v5 =	vld [tilespmem:s25+$0xFFFFFFC0];
	[tilespmem:s23+$0xFFFFFFD0] =	vst v3;
	v4 =	vmul.f32 $4.525483320e+01, v4;
	(pc) =	sbr.rel @p0 .LBB2_74-.Ltmp36, $4  }
0x3ee: {  	v3 =	vld [tilespmem:s25+$0xFFFFFFD0];
	v6 =	vmul.f32 $4.525483320e+01, v6;
	[tilespmem:s23+$0xFFFFFFE0] =	vst v2  }
0x3ef: {  	s26 =	simm.s32 $0x470;
	v2 =	vld [tilespmem:s25+$0xFFFFFFE0];
	v9 =	vmul.f32 $4.525483320e+01, v9;
	[tilespmem:s23+$0xFFFFFFF0] =	vst v4  }
0x3f0: {  	s22 =	simm.s32 $0x8470;
	v7 =	vmul.f32 $4.525483320e+01, v7;
	v4 =	vld [tilespmem:s25+$0xFFFFFFF0];
	[tilespmem:s23+$0xFFFFFF90] =	vst v6;
	s23 =	sadd.s32 $0x400, s23  }
0x3f1: {  	v6 =	vld [tilespmem:s25+$0xFFFFFF90];
	v8 =	vmul.f32 $4.525483320e+01, v8;
	[tilespmem:s23+$0x0] =	vst v9;
	s25 =	sadd.s32 $0x400, s25  }
0x3f2: {  	[tilespmem:s23+$0xFFFFFFA0] =	vst v7;
	v5 =	vmul.f32 $4.525483320e+01, v5  }
0x3f3: {  	[tilespmem:s23+$0xFFFFFFB0] =	vst v8;
	v3 =	vmul.f32 $4.525483320e+01, v3  }
0x3f4: {  	[tilespmem:s23+$0xFFFFFFC0] =	vst v5;
	v2 =	vmul.f32 $4.525483320e+01, v2  }
0x3f5: {  	[tilespmem:s23+$0xFFFFFFD0] =	vst v3;
	v3 =	vmul.f32 $4.525483320e+01, v4  }
0x3f6: {  	v4 =	vmul.f32 $4.525483320e+01, v6;
	[tilespmem:s23+$0xFFFFFFE0] =	vst v2  }
0x3f7: {  	[tilespmem:s23+$0xFFFFFFF0] =	vst v3  }
0x3f8: {  	[tilespmem:s23+$0xFFFFFF90] =	vst v4  }
0x3f9: {  	v4 =	vld [tilespmem:s26+$0x0]  }
0x3fa: {  	v6 =	vld [tilespmem:s26+$0xFFFFFFA0]  }
0x3fb: {  	v8 =	vld [tilespmem:s26+$0xFFFFFFB0]  }
0x3fc: {  	v5 =	vld [tilespmem:s26+$0xFFFFFFC0]  }
0x3fd: {  	v3 =	vld [tilespmem:s26+$0xFFFFFFD0]  }
0x3fe: {  	v2 =	vld [tilespmem:s26+$0xFFFFFFE0];
	v9 =	vmul.f32 $4.525483320e+01, v4  }
0x3ff: {  	v4 =	vld [tilespmem:s26+$0xFFFFFFF0];
	v7 =	vmul.f32 $4.525483320e+01, v6  }
0x400: {  	s24 =	simm.s32 $0x0;
	s25 =	simm.s32 $0x870;
	v6 =	vld [tilespmem:s26+$0xFFFFFF90];
	v8 =	vmul.f32 $4.525483320e+01, v8;
	[tilespmem:s22+$0x0] =	vst v9  }
.LBB2_76:
0x401: {  	v9 =	vld [tilespmem:s25+$0x0];
	s24 =	sadd.s32 $0x80, s24;
	[tilespmem:s22+$0xFFFFFFA0] =	vst v7;
	v5 =	vmul.f32 $4.525483320e+01, v5  }
0x402: {  	v7 =	vld [tilespmem:s25+$0xFFFFFFA0];
	p0 =	slt.u32 s24, $0x780;
	[tilespmem:s22+$0xFFFFFFB0] =	vst v8;
	v3 =	vmul.f32 $4.525483320e+01, v3  }
0x403: {  	v8 =	vld [tilespmem:s25+$0xFFFFFFB0];
	[tilespmem:s22+$0xFFFFFFC0] =	vst v5;
	v2 =	vmul.f32 $4.525483320e+01, v2  }
.Ltmp37:
0x404: {  	v5 =	vld [tilespmem:s25+$0xFFFFFFC0];
	[tilespmem:s22+$0xFFFFFFD0] =	vst v3;
	v4 =	vmul.f32 $4.525483320e+01, v4;
	(pc) =	sbr.rel @p0 .LBB2_76-.Ltmp37, $4  }
0x405: {  	v3 =	vld [tilespmem:s25+$0xFFFFFFD0];
	v6 =	vmul.f32 $4.525483320e+01, v6;
	[tilespmem:s22+$0xFFFFFFE0] =	vst v2  }
0x406: {  	v2 =	vld [tilespmem:s25+$0xFFFFFFE0];
	v9 =	vmul.f32 $4.525483320e+01, v9;
	[tilespmem:s22+$0xFFFFFFF0] =	vst v4  }
0x407: {  	s26 =	simm.s32 $0x4F0;
	v7 =	vmul.f32 $4.525483320e+01, v7;
	v4 =	vld [tilespmem:s25+$0xFFFFFFF0];
	[tilespmem:s22+$0xFFFFFF90] =	vst v6;
	s22 =	sadd.s32 $0x400, s22  }
0x408: {  	s23 =	simm.s32 $0x84F0;
	v6 =	vld [tilespmem:s25+$0xFFFFFF90];
	v8 =	vmul.f32 $4.525483320e+01, v8;
	[tilespmem:s22+$0x0] =	vst v9;
	s25 =	sadd.s32 $0x400, s25  }
0x409: {  	[tilespmem:s22+$0xFFFFFFA0] =	vst v7;
	v5 =	vmul.f32 $4.525483320e+01, v5  }
0x40a: {  	[tilespmem:s22+$0xFFFFFFB0] =	vst v8;
	v3 =	vmul.f32 $4.525483320e+01, v3  }
0x40b: {  	[tilespmem:s22+$0xFFFFFFC0] =	vst v5;
	v2 =	vmul.f32 $4.525483320e+01, v2  }
0x40c: {  	[tilespmem:s22+$0xFFFFFFD0] =	vst v3;
	v3 =	vmul.f32 $4.525483320e+01, v4  }
0x40d: {  	v4 =	vmul.f32 $4.525483320e+01, v6;
	[tilespmem:s22+$0xFFFFFFE0] =	vst v2  }
0x40e: {  	[tilespmem:s22+$0xFFFFFFF0] =	vst v3  }
0x40f: {  	[tilespmem:s22+$0xFFFFFF90] =	vst v4  }
0x410: {  	v4 =	vld [tilespmem:s26+$0x0]  }
0x411: {  	v6 =	vld [tilespmem:s26+$0xFFFFFFA0]  }
0x412: {  	v8 =	vld [tilespmem:s26+$0xFFFFFFB0]  }
0x413: {  	v5 =	vld [tilespmem:s26+$0xFFFFFFC0]  }
0x414: {  	v3 =	vld [tilespmem:s26+$0xFFFFFFD0]  }
0x415: {  	v2 =	vld [tilespmem:s26+$0xFFFFFFE0];
	v9 =	vmul.f32 $4.525483320e+01, v4  }
0x416: {  	v4 =	vld [tilespmem:s26+$0xFFFFFFF0];
	v7 =	vmul.f32 $4.525483320e+01, v6  }
0x417: {  	s24 =	simm.s32 $0x0;
	s25 =	simm.s32 $0x8F0;
	v6 =	vld [tilespmem:s26+$0xFFFFFF90];
	v8 =	vmul.f32 $4.525483320e+01, v8;
	[tilespmem:s23+$0x0] =	vst v9  }
.LBB2_78:
0x418: {  	v9 =	vld [tilespmem:s25+$0x0];
	s24 =	sadd.s32 $0x80, s24;
	[tilespmem:s23+$0xFFFFFFA0] =	vst v7;
	v5 =	vmul.f32 $4.525483320e+01, v5  }
0x419: {  	v7 =	vld [tilespmem:s25+$0xFFFFFFA0];
	p0 =	slt.u32 s24, $0x780;
	[tilespmem:s23+$0xFFFFFFB0] =	vst v8;
	v3 =	vmul.f32 $4.525483320e+01, v3  }
0x41a: {  	v8 =	vld [tilespmem:s25+$0xFFFFFFB0];
	[tilespmem:s23+$0xFFFFFFC0] =	vst v5;
	v2 =	vmul.f32 $4.525483320e+01, v2  }
.Ltmp38:
0x41b: {  	v5 =	vld [tilespmem:s25+$0xFFFFFFC0];
	[tilespmem:s23+$0xFFFFFFD0] =	vst v3;
	v4 =	vmul.f32 $4.525483320e+01, v4;
	(pc) =	sbr.rel @p0 .LBB2_78-.Ltmp38, $4  }
0x41c: {  	v3 =	vld [tilespmem:s25+$0xFFFFFFD0];
	v6 =	vmul.f32 $4.525483320e+01, v6;
	[tilespmem:s23+$0xFFFFFFE0] =	vst v2  }
0x41d: {  	s26 =	simm.s32 $0x570;
	v2 =	vld [tilespmem:s25+$0xFFFFFFE0];
	v9 =	vmul.f32 $4.525483320e+01, v9;
	[tilespmem:s23+$0xFFFFFFF0] =	vst v4  }
0x41e: {  	s22 =	simm.s32 $0x8570;
	v7 =	vmul.f32 $4.525483320e+01, v7;
	v4 =	vld [tilespmem:s25+$0xFFFFFFF0];
	[tilespmem:s23+$0xFFFFFF90] =	vst v6;
	s23 =	sadd.s32 $0x400, s23  }
0x41f: {  	v6 =	vld [tilespmem:s25+$0xFFFFFF90];
	v8 =	vmul.f32 $4.525483320e+01, v8;
	[tilespmem:s23+$0x0] =	vst v9;
	s25 =	sadd.s32 $0x400, s25  }
0x420: {  	[tilespmem:s23+$0xFFFFFFA0] =	vst v7;
	v5 =	vmul.f32 $4.525483320e+01, v5  }
0x421: {  	[tilespmem:s23+$0xFFFFFFB0] =	vst v8;
	v3 =	vmul.f32 $4.525483320e+01, v3  }
0x422: {  	[tilespmem:s23+$0xFFFFFFC0] =	vst v5;
	v2 =	vmul.f32 $4.525483320e+01, v2  }
0x423: {  	[tilespmem:s23+$0xFFFFFFD0] =	vst v3;
	v3 =	vmul.f32 $4.525483320e+01, v4  }
0x424: {  	v4 =	vmul.f32 $4.525483320e+01, v6;
	[tilespmem:s23+$0xFFFFFFE0] =	vst v2  }
0x425: {  	[tilespmem:s23+$0xFFFFFFF0] =	vst v3  }
0x426: {  	[tilespmem:s23+$0xFFFFFF90] =	vst v4  }
0x427: {  	v4 =	vld [tilespmem:s26+$0x0]  }
0x428: {  	v6 =	vld [tilespmem:s26+$0xFFFFFFA0]  }
0x429: {  	v8 =	vld [tilespmem:s26+$0xFFFFFFB0]  }
0x42a: {  	v5 =	vld [tilespmem:s26+$0xFFFFFFC0]  }
0x42b: {  	v3 =	vld [tilespmem:s26+$0xFFFFFFD0]  }
0x42c: {  	v2 =	vld [tilespmem:s26+$0xFFFFFFE0];
	v9 =	vmul.f32 $4.525483320e+01, v4  }
0x42d: {  	v4 =	vld [tilespmem:s26+$0xFFFFFFF0];
	v7 =	vmul.f32 $4.525483320e+01, v6  }
0x42e: {  	s24 =	simm.s32 $0x0;
	s25 =	simm.s32 $0x970;
	v6 =	vld [tilespmem:s26+$0xFFFFFF90];
	v8 =	vmul.f32 $4.525483320e+01, v8;
	[tilespmem:s22+$0x0] =	vst v9  }
.LBB2_80:
0x42f: {  	v9 =	vld [tilespmem:s25+$0x0];
	s24 =	sadd.s32 $0x80, s24;
	[tilespmem:s22+$0xFFFFFFA0] =	vst v7;
	v5 =	vmul.f32 $4.525483320e+01, v5  }
0x430: {  	v7 =	vld [tilespmem:s25+$0xFFFFFFA0];
	p0 =	slt.u32 s24, $0x780;
	[tilespmem:s22+$0xFFFFFFB0] =	vst v8;
	v3 =	vmul.f32 $4.525483320e+01, v3  }
0x431: {  	v8 =	vld [tilespmem:s25+$0xFFFFFFB0];
	[tilespmem:s22+$0xFFFFFFC0] =	vst v5;
	v2 =	vmul.f32 $4.525483320e+01, v2  }
.Ltmp39:
0x432: {  	v5 =	vld [tilespmem:s25+$0xFFFFFFC0];
	[tilespmem:s22+$0xFFFFFFD0] =	vst v3;
	v4 =	vmul.f32 $4.525483320e+01, v4;
	(pc) =	sbr.rel @p0 .LBB2_80-.Ltmp39, $4  }
0x433: {  	v3 =	vld [tilespmem:s25+$0xFFFFFFD0];
	v6 =	vmul.f32 $4.525483320e+01, v6;
	[tilespmem:s22+$0xFFFFFFE0] =	vst v2  }
0x434: {  	v2 =	vld [tilespmem:s25+$0xFFFFFFE0];
	v9 =	vmul.f32 $4.525483320e+01, v9;
	[tilespmem:s22+$0xFFFFFFF0] =	vst v4  }
0x435: {  	s26 =	simm.s32 $0x5F0;
	v7 =	vmul.f32 $4.525483320e+01, v7;
	v4 =	vld [tilespmem:s25+$0xFFFFFFF0];
	[tilespmem:s22+$0xFFFFFF90] =	vst v6;
	s22 =	sadd.s32 $0x400, s22  }
0x436: {  	s23 =	simm.s32 $0x85F0;
	v6 =	vld [tilespmem:s25+$0xFFFFFF90];
	v8 =	vmul.f32 $4.525483320e+01, v8;
	[tilespmem:s22+$0x0] =	vst v9;
	s25 =	sadd.s32 $0x400, s25  }
0x437: {  	[tilespmem:s22+$0xFFFFFFA0] =	vst v7;
	v5 =	vmul.f32 $4.525483320e+01, v5  }
0x438: {  	[tilespmem:s22+$0xFFFFFFB0] =	vst v8;
	v3 =	vmul.f32 $4.525483320e+01, v3  }
0x439: {  	[tilespmem:s22+$0xFFFFFFC0] =	vst v5;
	v2 =	vmul.f32 $4.525483320e+01, v2  }
0x43a: {  	[tilespmem:s22+$0xFFFFFFD0] =	vst v3;
	v3 =	vmul.f32 $4.525483320e+01, v4  }
0x43b: {  	v4 =	vmul.f32 $4.525483320e+01, v6;
	[tilespmem:s22+$0xFFFFFFE0] =	vst v2  }
0x43c: {  	[tilespmem:s22+$0xFFFFFFF0] =	vst v3  }
0x43d: {  	[tilespmem:s22+$0xFFFFFF90] =	vst v4  }
0x43e: {  	v4 =	vld [tilespmem:s26+$0x0]  }
0x43f: {  	v6 =	vld [tilespmem:s26+$0xFFFFFFA0]  }
0x440: {  	v8 =	vld [tilespmem:s26+$0xFFFFFFB0]  }
0x441: {  	v5 =	vld [tilespmem:s26+$0xFFFFFFC0]  }
0x442: {  	v3 =	vld [tilespmem:s26+$0xFFFFFFD0]  }
0x443: {  	v2 =	vld [tilespmem:s26+$0xFFFFFFE0];
	v9 =	vmul.f32 $4.525483320e+01, v4  }
0x444: {  	v4 =	vld [tilespmem:s26+$0xFFFFFFF0];
	v7 =	vmul.f32 $4.525483320e+01, v6  }
0x445: {  	s24 =	simm.s32 $0x9F0;
	s22 =	simm.s32 $0x0;
	v6 =	vld [tilespmem:s26+$0xFFFFFF90];
	v8 =	vmul.f32 $4.525483320e+01, v8;
	[tilespmem:s23+$0x0] =	vst v9  }
.LBB2_82:
0x446: {  	v9 =	vld [tilespmem:s24+$0x0];
	s22 =	sadd.s32 $0x80, s22;
	[tilespmem:s23+$0xFFFFFFA0] =	vst v7;
	v5 =	vmul.f32 $4.525483320e+01, v5  }
0x447: {  	v7 =	vld [tilespmem:s24+$0xFFFFFFA0];
	p0 =	slt.u32 s22, $0x780;
	[tilespmem:s23+$0xFFFFFFB0] =	vst v8;
	v3 =	vmul.f32 $4.525483320e+01, v3  }
0x448: {  	v8 =	vld [tilespmem:s24+$0xFFFFFFB0];
	[tilespmem:s23+$0xFFFFFFC0] =	vst v5;
	v2 =	vmul.f32 $4.525483320e+01, v2  }
.Ltmp40:
0x449: {  	v5 =	vld [tilespmem:s24+$0xFFFFFFC0];
	[tilespmem:s23+$0xFFFFFFD0] =	vst v3;
	v4 =	vmul.f32 $4.525483320e+01, v4;
	(pc) =	sbr.rel @p0 .LBB2_82-.Ltmp40, $4  }
0x44a: {  	v3 =	vld [tilespmem:s24+$0xFFFFFFD0];
	v6 =	vmul.f32 $4.525483320e+01, v6;
	[tilespmem:s23+$0xFFFFFFE0] =	vst v2  }
0x44b: {  	v2 =	vld [tilespmem:s24+$0xFFFFFFE0];
	v9 =	vmul.f32 $4.525483320e+01, v9;
	[tilespmem:s23+$0xFFFFFFF0] =	vst v4  }
0x44c: {  	v7 =	vmul.f32 $4.525483320e+01, v7;
	v4 =	vld [tilespmem:s24+$0xFFFFFFF0];
	[tilespmem:s23+$0xFFFFFF90] =	vst v6;
	s23 =	sadd.s32 $0x400, s23  }
0x44d: {  	v6 =	vld [tilespmem:s24+$0xFFFFFF90];
	v8 =	vmul.f32 $4.525483320e+01, v8;
	[tilespmem:s23+$0x0] =	vst v9;
	s24 =	sadd.s32 $0x400, s24  }
0x44e: {  	[tilespmem:s23+$0xFFFFFFA0] =	vst v7;
	v5 =	vmul.f32 $4.525483320e+01, v5  }
0x44f: {  	[tilespmem:s23+$0xFFFFFFB0] =	vst v8;
	v3 =	vmul.f32 $4.525483320e+01, v3  }
0x450: {  	[tilespmem:s23+$0xFFFFFFC0] =	vst v5;
	v2 =	vmul.f32 $4.525483320e+01, v2  }
0x451: {  	[tilespmem:s23+$0xFFFFFFD0] =	vst v3;
	v3 =	vmul.f32 $4.525483320e+01, v4  }
0x452: {  	v4 =	vmul.f32 $4.525483320e+01, v6;
	[tilespmem:s23+$0xFFFFFFE0] =	vst v2  }
0x453: {  	[tilespmem:s23+$0xFFFFFFF0] =	vst v3  }
0x454: {  	[tilespmem:s23+$0xFFFFFF90] =	vst v4  }
0x455: {  	s22 =	rddreg [dreg:$0x7]  }
0x456: {  	[hbm4b:s22+s4] =	stream.linear.scatter [tilespmem:s18], [sflag:$0x3], $0x4000, $0x38;
	[tilespmem:$0x10200] =	vst v63  }
0x457: {  	_ =	swait.ge [sflag:s12], $0x4000  }
0x458: {  	[sflag:s12] =	ssyncset.done $0x0  }
0x459: {  	[sflag:s12] =	ssyncadd.s32 $0xFFFFC000  }
0x45a: {  	_ =	swait.ge [sflag:s21], $0x4000  }
0x45b: {  	[sflag:s21] =	ssyncset.done $0x0  }
0x45c: {  	s30 =	simm.s32 $0x4240;
	[sflag:s21] =	ssyncadd.s32 $0xFFFFC000  }
0x45d: {  	v4 =	vld [tilespmem:s30+$0x30]  }
0x45e: {  	v6 =	vld [tilespmem:s30+$0xFFFFFFD0]  }
0x45f: {  	v8 =	vld [tilespmem:s30+$0xFFFFFFE0]  }
0x460: {  	v5 =	vld [tilespmem:s30+$0xFFFFFFF0]  }
0x461: {  	v3 =	vld [tilespmem:s30+$0x0]  }
0x462: {  	v2 =	vld [tilespmem:s30+$0x10];
	v9 =	vmul.f32 $4.525483320e+01, v4  }
0x463: {  	s22 =	simm.s32 $0xC240;
	v4 =	vld [tilespmem:s30+$0x20];
	v7 =	vmul.f32 $4.525483320e+01, v6  }
0x464: {  	s24 =	simm.s32 $0x0;
	s25 =	simm.s32 $0x4640;
	v6 =	vld [tilespmem:s30+$0xFFFFFFC0];
	v8 =	vmul.f32 $4.525483320e+01, v8;
	[tilespmem:s22+$0x30] =	vst v9  }
.LBB2_84:
0x465: {  	v9 =	vld [tilespmem:s25+$0x30];
	s24 =	sadd.s32 $0x80, s24;
	[tilespmem:s22+$0xFFFFFFD0] =	vst v7;
	v5 =	vmul.f32 $4.525483320e+01, v5  }
0x466: {  	v7 =	vld [tilespmem:s25+$0xFFFFFFD0];
	p0 =	slt.u32 s24, $0x780;
	[tilespmem:s22+$0xFFFFFFE0] =	vst v8;
	v3 =	vmul.f32 $4.525483320e+01, v3  }
0x467: {  	v8 =	vld [tilespmem:s25+$0xFFFFFFE0];
	[tilespmem:s22+$0xFFFFFFF0] =	vst v5;
	v2 =	vmul.f32 $4.525483320e+01, v2  }
.Ltmp41:
0x468: {  	v5 =	vld [tilespmem:s25+$0xFFFFFFF0];
	[tilespmem:s22+$0x0] =	vst v3;
	v4 =	vmul.f32 $4.525483320e+01, v4;
	(pc) =	sbr.rel @p0 .LBB2_84-.Ltmp41, $4  }
0x469: {  	v3 =	vld [tilespmem:s25+$0x0];
	v6 =	vmul.f32 $4.525483320e+01, v6;
	[tilespmem:s22+$0x10] =	vst v2  }
0x46a: {  	v2 =	vld [tilespmem:s25+$0x10];
	v9 =	vmul.f32 $4.525483320e+01, v9;
	[tilespmem:s22+$0x20] =	vst v4  }
0x46b: {  	s26 =	simm.s32 $0x42F0;
	v7 =	vmul.f32 $4.525483320e+01, v7;
	v4 =	vld [tilespmem:s25+$0x20];
	[tilespmem:s22+$0xFFFFFFC0] =	vst v6;
	s22 =	sadd.s32 $0x400, s22  }
0x46c: {  	s23 =	simm.s32 $0xC2F0;
	v6 =	vld [tilespmem:s25+$0xFFFFFFC0];
	v8 =	vmul.f32 $4.525483320e+01, v8;
	[tilespmem:s22+$0x30] =	vst v9;
	s25 =	sadd.s32 $0x400, s25  }
0x46d: {  	[tilespmem:s22+$0xFFFFFFD0] =	vst v7;
	v5 =	vmul.f32 $4.525483320e+01, v5  }
0x46e: {  	[tilespmem:s22+$0xFFFFFFE0] =	vst v8;
	v3 =	vmul.f32 $4.525483320e+01, v3  }
0x46f: {  	[tilespmem:s22+$0xFFFFFFF0] =	vst v5;
	v2 =	vmul.f32 $4.525483320e+01, v2  }
0x470: {  	[tilespmem:s22+$0x0] =	vst v3;
	v3 =	vmul.f32 $4.525483320e+01, v4  }
0x471: {  	v4 =	vmul.f32 $4.525483320e+01, v6;
	[tilespmem:s22+$0x10] =	vst v2  }
0x472: {  	[tilespmem:s22+$0x20] =	vst v3  }
0x473: {  	[tilespmem:s22+$0xFFFFFFC0] =	vst v4  }
0x474: {  	v4 =	vld [tilespmem:s26+$0x0]  }
0x475: {  	v6 =	vld [tilespmem:s26+$0xFFFFFFA0]  }
0x476: {  	v8 =	vld [tilespmem:s26+$0xFFFFFFB0]  }
0x477: {  	v5 =	vld [tilespmem:s26+$0xFFFFFFC0]  }
0x478: {  	v3 =	vld [tilespmem:s26+$0xFFFFFFD0]  }
0x479: {  	v2 =	vld [tilespmem:s26+$0xFFFFFFE0];
	v9 =	vmul.f32 $4.525483320e+01, v4  }
0x47a: {  	v4 =	vld [tilespmem:s26+$0xFFFFFFF0];
	v7 =	vmul.f32 $4.525483320e+01, v6  }
0x47b: {  	s24 =	simm.s32 $0x0;
	s25 =	simm.s32 $0x46F0;
	v6 =	vld [tilespmem:s26+$0xFFFFFF90];
	v8 =	vmul.f32 $4.525483320e+01, v8;
	[tilespmem:s23+$0x0] =	vst v9  }
.LBB2_86:
0x47c: {  	v9 =	vld [tilespmem:s25+$0x0];
	s24 =	sadd.s32 $0x80, s24;
	[tilespmem:s23+$0xFFFFFFA0] =	vst v7;
	v5 =	vmul.f32 $4.525483320e+01, v5  }
0x47d: {  	v7 =	vld [tilespmem:s25+$0xFFFFFFA0];
	p0 =	slt.u32 s24, $0x780;
	[tilespmem:s23+$0xFFFFFFB0] =	vst v8;
	v3 =	vmul.f32 $4.525483320e+01, v3  }
0x47e: {  	v8 =	vld [tilespmem:s25+$0xFFFFFFB0];
	[tilespmem:s23+$0xFFFFFFC0] =	vst v5;
	v2 =	vmul.f32 $4.525483320e+01, v2  }
.Ltmp42:
0x47f: {  	v5 =	vld [tilespmem:s25+$0xFFFFFFC0];
	[tilespmem:s23+$0xFFFFFFD0] =	vst v3;
	v4 =	vmul.f32 $4.525483320e+01, v4;
	(pc) =	sbr.rel @p0 .LBB2_86-.Ltmp42, $4  }
0x480: {  	v3 =	vld [tilespmem:s25+$0xFFFFFFD0];
	v6 =	vmul.f32 $4.525483320e+01, v6;
	[tilespmem:s23+$0xFFFFFFE0] =	vst v2  }
0x481: {  	s26 =	simm.s32 $0x4370;
	v2 =	vld [tilespmem:s25+$0xFFFFFFE0];
	v9 =	vmul.f32 $4.525483320e+01, v9;
	[tilespmem:s23+$0xFFFFFFF0] =	vst v4  }
0x482: {  	s22 =	simm.s32 $0xC370;
	v7 =	vmul.f32 $4.525483320e+01, v7;
	v4 =	vld [tilespmem:s25+$0xFFFFFFF0];
	[tilespmem:s23+$0xFFFFFF90] =	vst v6;
	s23 =	sadd.s32 $0x400, s23  }
0x483: {  	v6 =	vld [tilespmem:s25+$0xFFFFFF90];
	v8 =	vmul.f32 $4.525483320e+01, v8;
	[tilespmem:s23+$0x0] =	vst v9;
	s25 =	sadd.s32 $0x400, s25  }
0x484: {  	[tilespmem:s23+$0xFFFFFFA0] =	vst v7;
	v5 =	vmul.f32 $4.525483320e+01, v5  }
0x485: {  	[tilespmem:s23+$0xFFFFFFB0] =	vst v8;
	v3 =	vmul.f32 $4.525483320e+01, v3  }
0x486: {  	[tilespmem:s23+$0xFFFFFFC0] =	vst v5;
	v2 =	vmul.f32 $4.525483320e+01, v2  }
0x487: {  	[tilespmem:s23+$0xFFFFFFD0] =	vst v3;
	v3 =	vmul.f32 $4.525483320e+01, v4  }
0x488: {  	v4 =	vmul.f32 $4.525483320e+01, v6;
	[tilespmem:s23+$0xFFFFFFE0] =	vst v2  }
0x489: {  	[tilespmem:s23+$0xFFFFFFF0] =	vst v3  }
0x48a: {  	[tilespmem:s23+$0xFFFFFF90] =	vst v4  }
0x48b: {  	v4 =	vld [tilespmem:s26+$0x0]  }
0x48c: {  	v6 =	vld [tilespmem:s26+$0xFFFFFFA0]  }
0x48d: {  	v8 =	vld [tilespmem:s26+$0xFFFFFFB0]  }
0x48e: {  	v5 =	vld [tilespmem:s26+$0xFFFFFFC0]  }
0x48f: {  	v3 =	vld [tilespmem:s26+$0xFFFFFFD0]  }
0x490: {  	v2 =	vld [tilespmem:s26+$0xFFFFFFE0];
	v9 =	vmul.f32 $4.525483320e+01, v4  }
0x491: {  	v4 =	vld [tilespmem:s26+$0xFFFFFFF0];
	v7 =	vmul.f32 $4.525483320e+01, v6  }
0x492: {  	s24 =	simm.s32 $0x0;
	s25 =	simm.s32 $0x4770;
	v6 =	vld [tilespmem:s26+$0xFFFFFF90];
	v8 =	vmul.f32 $4.525483320e+01, v8;
	[tilespmem:s22+$0x0] =	vst v9  }
.LBB2_88:
0x493: {  	v9 =	vld [tilespmem:s25+$0x0];
	s24 =	sadd.s32 $0x80, s24;
	[tilespmem:s22+$0xFFFFFFA0] =	vst v7;
	v5 =	vmul.f32 $4.525483320e+01, v5  }
0x494: {  	v7 =	vld [tilespmem:s25+$0xFFFFFFA0];
	p0 =	slt.u32 s24, $0x780;
	[tilespmem:s22+$0xFFFFFFB0] =	vst v8;
	v3 =	vmul.f32 $4.525483320e+01, v3  }
0x495: {  	v8 =	vld [tilespmem:s25+$0xFFFFFFB0];
	[tilespmem:s22+$0xFFFFFFC0] =	vst v5;
	v2 =	vmul.f32 $4.525483320e+01, v2  }
.Ltmp43:
0x496: {  	v5 =	vld [tilespmem:s25+$0xFFFFFFC0];
	[tilespmem:s22+$0xFFFFFFD0] =	vst v3;
	v4 =	vmul.f32 $4.525483320e+01, v4;
	(pc) =	sbr.rel @p0 .LBB2_88-.Ltmp43, $4  }
0x497: {  	v3 =	vld [tilespmem:s25+$0xFFFFFFD0];
	v6 =	vmul.f32 $4.525483320e+01, v6;
	[tilespmem:s22+$0xFFFFFFE0] =	vst v2  }
0x498: {  	v2 =	vld [tilespmem:s25+$0xFFFFFFE0];
	v9 =	vmul.f32 $4.525483320e+01, v9;
	[tilespmem:s22+$0xFFFFFFF0] =	vst v4  }
0x499: {  	s26 =	simm.s32 $0x43F0;
	v7 =	vmul.f32 $4.525483320e+01, v7;
	v4 =	vld [tilespmem:s25+$0xFFFFFFF0];
	[tilespmem:s22+$0xFFFFFF90] =	vst v6;
	s22 =	sadd.s32 $0x400, s22  }
0x49a: {  	s23 =	simm.s32 $0xC3F0;
	v6 =	vld [tilespmem:s25+$0xFFFFFF90];
	v8 =	vmul.f32 $4.525483320e+01, v8;
	[tilespmem:s22+$0x0] =	vst v9;
	s25 =	sadd.s32 $0x400, s25  }
0x49b: {  	[tilespmem:s22+$0xFFFFFFA0] =	vst v7;
	v5 =	vmul.f32 $4.525483320e+01, v5  }
0x49c: {  	[tilespmem:s22+$0xFFFFFFB0] =	vst v8;
	v3 =	vmul.f32 $4.525483320e+01, v3  }
0x49d: {  	[tilespmem:s22+$0xFFFFFFC0] =	vst v5;
	v2 =	vmul.f32 $4.525483320e+01, v2  }
0x49e: {  	[tilespmem:s22+$0xFFFFFFD0] =	vst v3;
	v3 =	vmul.f32 $4.525483320e+01, v4  }
0x49f: {  	v4 =	vmul.f32 $4.525483320e+01, v6;
	[tilespmem:s22+$0xFFFFFFE0] =	vst v2  }
0x4a0: {  	[tilespmem:s22+$0xFFFFFFF0] =	vst v3  }
0x4a1: {  	[tilespmem:s22+$0xFFFFFF90] =	vst v4  }
0x4a2: {  	v4 =	vld [tilespmem:s26+$0x0]  }
0x4a3: {  	v6 =	vld [tilespmem:s26+$0xFFFFFFA0]  }
0x4a4: {  	v8 =	vld [tilespmem:s26+$0xFFFFFFB0]  }
0x4a5: {  	v5 =	vld [tilespmem:s26+$0xFFFFFFC0]  }
0x4a6: {  	v3 =	vld [tilespmem:s26+$0xFFFFFFD0]  }
0x4a7: {  	v2 =	vld [tilespmem:s26+$0xFFFFFFE0];
	v9 =	vmul.f32 $4.525483320e+01, v4  }
0x4a8: {  	v4 =	vld [tilespmem:s26+$0xFFFFFFF0];
	v7 =	vmul.f32 $4.525483320e+01, v6  }
0x4a9: {  	s24 =	simm.s32 $0x0;
	s25 =	simm.s32 $0x47F0;
	v6 =	vld [tilespmem:s26+$0xFFFFFF90];
	v8 =	vmul.f32 $4.525483320e+01, v8;
	[tilespmem:s23+$0x0] =	vst v9  }
.LBB2_90:
0x4aa: {  	v9 =	vld [tilespmem:s25+$0x0];
	s24 =	sadd.s32 $0x80, s24;
	[tilespmem:s23+$0xFFFFFFA0] =	vst v7;
	v5 =	vmul.f32 $4.525483320e+01, v5  }
0x4ab: {  	v7 =	vld [tilespmem:s25+$0xFFFFFFA0];
	p0 =	slt.u32 s24, $0x780;
	[tilespmem:s23+$0xFFFFFFB0] =	vst v8;
	v3 =	vmul.f32 $4.525483320e+01, v3  }
0x4ac: {  	v8 =	vld [tilespmem:s25+$0xFFFFFFB0];
	[tilespmem:s23+$0xFFFFFFC0] =	vst v5;
	v2 =	vmul.f32 $4.525483320e+01, v2  }
.Ltmp44:
0x4ad: {  	v5 =	vld [tilespmem:s25+$0xFFFFFFC0];
	[tilespmem:s23+$0xFFFFFFD0] =	vst v3;
	v4 =	vmul.f32 $4.525483320e+01, v4;
	(pc) =	sbr.rel @p0 .LBB2_90-.Ltmp44, $4  }
0x4ae: {  	v3 =	vld [tilespmem:s25+$0xFFFFFFD0];
	v6 =	vmul.f32 $4.525483320e+01, v6;
	[tilespmem:s23+$0xFFFFFFE0] =	vst v2  }
0x4af: {  	s26 =	simm.s32 $0x4470;
	v2 =	vld [tilespmem:s25+$0xFFFFFFE0];
	v9 =	vmul.f32 $4.525483320e+01, v9;
	[tilespmem:s23+$0xFFFFFFF0] =	vst v4  }
0x4b0: {  	s22 =	simm.s32 $0xC470;
	v7 =	vmul.f32 $4.525483320e+01, v7;
	v4 =	vld [tilespmem:s25+$0xFFFFFFF0];
	[tilespmem:s23+$0xFFFFFF90] =	vst v6;
	s23 =	sadd.s32 $0x400, s23  }
0x4b1: {  	v6 =	vld [tilespmem:s25+$0xFFFFFF90];
	v8 =	vmul.f32 $4.525483320e+01, v8;
	[tilespmem:s23+$0x0] =	vst v9;
	s25 =	sadd.s32 $0x400, s25  }
0x4b2: {  	[tilespmem:s23+$0xFFFFFFA0] =	vst v7;
	v5 =	vmul.f32 $4.525483320e+01, v5  }
0x4b3: {  	[tilespmem:s23+$0xFFFFFFB0] =	vst v8;
	v3 =	vmul.f32 $4.525483320e+01, v3  }
0x4b4: {  	[tilespmem:s23+$0xFFFFFFC0] =	vst v5;
	v2 =	vmul.f32 $4.525483320e+01, v2  }
0x4b5: {  	[tilespmem:s23+$0xFFFFFFD0] =	vst v3;
	v3 =	vmul.f32 $4.525483320e+01, v4  }
0x4b6: {  	v4 =	vmul.f32 $4.525483320e+01, v6;
	[tilespmem:s23+$0xFFFFFFE0] =	vst v2  }
0x4b7: {  	[tilespmem:s23+$0xFFFFFFF0] =	vst v3  }
0x4b8: {  	[tilespmem:s23+$0xFFFFFF90] =	vst v4  }
0x4b9: {  	v4 =	vld [tilespmem:s26+$0x0]  }
0x4ba: {  	v6 =	vld [tilespmem:s26+$0xFFFFFFA0]  }
0x4bb: {  	v8 =	vld [tilespmem:s26+$0xFFFFFFB0]  }
0x4bc: {  	v5 =	vld [tilespmem:s26+$0xFFFFFFC0]  }
0x4bd: {  	v3 =	vld [tilespmem:s26+$0xFFFFFFD0]  }
0x4be: {  	v2 =	vld [tilespmem:s26+$0xFFFFFFE0];
	v9 =	vmul.f32 $4.525483320e+01, v4  }
0x4bf: {  	v4 =	vld [tilespmem:s26+$0xFFFFFFF0];
	v7 =	vmul.f32 $4.525483320e+01, v6  }
0x4c0: {  	s24 =	simm.s32 $0x0;
	s25 =	simm.s32 $0x4870;
	v6 =	vld [tilespmem:s26+$0xFFFFFF90];
	v8 =	vmul.f32 $4.525483320e+01, v8;
	[tilespmem:s22+$0x0] =	vst v9  }
.LBB2_92:
0x4c1: {  	v9 =	vld [tilespmem:s25+$0x0];
	s24 =	sadd.s32 $0x80, s24;
	[tilespmem:s22+$0xFFFFFFA0] =	vst v7;
	v5 =	vmul.f32 $4.525483320e+01, v5  }
0x4c2: {  	v7 =	vld [tilespmem:s25+$0xFFFFFFA0];
	p0 =	slt.u32 s24, $0x780;
	[tilespmem:s22+$0xFFFFFFB0] =	vst v8;
	v3 =	vmul.f32 $4.525483320e+01, v3  }
0x4c3: {  	v8 =	vld [tilespmem:s25+$0xFFFFFFB0];
	[tilespmem:s22+$0xFFFFFFC0] =	vst v5;
	v2 =	vmul.f32 $4.525483320e+01, v2  }
.Ltmp45:
0x4c4: {  	v5 =	vld [tilespmem:s25+$0xFFFFFFC0];
	[tilespmem:s22+$0xFFFFFFD0] =	vst v3;
	v4 =	vmul.f32 $4.525483320e+01, v4;
	(pc) =	sbr.rel @p0 .LBB2_92-.Ltmp45, $4  }
0x4c5: {  	v3 =	vld [tilespmem:s25+$0xFFFFFFD0];
	v6 =	vmul.f32 $4.525483320e+01, v6;
	[tilespmem:s22+$0xFFFFFFE0] =	vst v2  }
0x4c6: {  	v2 =	vld [tilespmem:s25+$0xFFFFFFE0];
	v9 =	vmul.f32 $4.525483320e+01, v9;
	[tilespmem:s22+$0xFFFFFFF0] =	vst v4  }
0x4c7: {  	s26 =	simm.s32 $0x44F0;
	v7 =	vmul.f32 $4.525483320e+01, v7;
	v4 =	vld [tilespmem:s25+$0xFFFFFFF0];
	[tilespmem:s22+$0xFFFFFF90] =	vst v6;
	s22 =	sadd.s32 $0x400, s22  }
0x4c8: {  	s23 =	simm.s32 $0xC4F0;
	v6 =	vld [tilespmem:s25+$0xFFFFFF90];
	v8 =	vmul.f32 $4.525483320e+01, v8;
	[tilespmem:s22+$0x0] =	vst v9;
	s25 =	sadd.s32 $0x400, s25  }
0x4c9: {  	[tilespmem:s22+$0xFFFFFFA0] =	vst v7;
	v5 =	vmul.f32 $4.525483320e+01, v5  }
0x4ca: {  	[tilespmem:s22+$0xFFFFFFB0] =	vst v8;
	v3 =	vmul.f32 $4.525483320e+01, v3  }
0x4cb: {  	[tilespmem:s22+$0xFFFFFFC0] =	vst v5;
	v2 =	vmul.f32 $4.525483320e+01, v2  }
0x4cc: {  	[tilespmem:s22+$0xFFFFFFD0] =	vst v3;
	v3 =	vmul.f32 $4.525483320e+01, v4  }
0x4cd: {  	v4 =	vmul.f32 $4.525483320e+01, v6;
	[tilespmem:s22+$0xFFFFFFE0] =	vst v2  }
0x4ce: {  	[tilespmem:s22+$0xFFFFFFF0] =	vst v3  }
0x4cf: {  	[tilespmem:s22+$0xFFFFFF90] =	vst v4  }
0x4d0: {  	v4 =	vld [tilespmem:s26+$0x0]  }
0x4d1: {  	v6 =	vld [tilespmem:s26+$0xFFFFFFA0]  }
0x4d2: {  	v8 =	vld [tilespmem:s26+$0xFFFFFFB0]  }
0x4d3: {  	v5 =	vld [tilespmem:s26+$0xFFFFFFC0]  }
0x4d4: {  	v3 =	vld [tilespmem:s26+$0xFFFFFFD0]  }
0x4d5: {  	v2 =	vld [tilespmem:s26+$0xFFFFFFE0];
	v9 =	vmul.f32 $4.525483320e+01, v4  }
0x4d6: {  	v4 =	vld [tilespmem:s26+$0xFFFFFFF0];
	v7 =	vmul.f32 $4.525483320e+01, v6  }
0x4d7: {  	s24 =	simm.s32 $0x0;
	s25 =	simm.s32 $0x48F0;
	v6 =	vld [tilespmem:s26+$0xFFFFFF90];
	v8 =	vmul.f32 $4.525483320e+01, v8;
	[tilespmem:s23+$0x0] =	vst v9  }
.LBB2_94:
0x4d8: {  	v9 =	vld [tilespmem:s25+$0x0];
	s24 =	sadd.s32 $0x80, s24;
	[tilespmem:s23+$0xFFFFFFA0] =	vst v7;
	v5 =	vmul.f32 $4.525483320e+01, v5  }
0x4d9: {  	v7 =	vld [tilespmem:s25+$0xFFFFFFA0];
	p0 =	slt.u32 s24, $0x780;
	[tilespmem:s23+$0xFFFFFFB0] =	vst v8;
	v3 =	vmul.f32 $4.525483320e+01, v3  }
0x4da: {  	v8 =	vld [tilespmem:s25+$0xFFFFFFB0];
	[tilespmem:s23+$0xFFFFFFC0] =	vst v5;
	v2 =	vmul.f32 $4.525483320e+01, v2  }
.Ltmp46:
0x4db: {  	v5 =	vld [tilespmem:s25+$0xFFFFFFC0];
	[tilespmem:s23+$0xFFFFFFD0] =	vst v3;
	v4 =	vmul.f32 $4.525483320e+01, v4;
	(pc) =	sbr.rel @p0 .LBB2_94-.Ltmp46, $4  }
0x4dc: {  	v3 =	vld [tilespmem:s25+$0xFFFFFFD0];
	v6 =	vmul.f32 $4.525483320e+01, v6;
	[tilespmem:s23+$0xFFFFFFE0] =	vst v2  }
0x4dd: {  	s26 =	simm.s32 $0x4570;
	v2 =	vld [tilespmem:s25+$0xFFFFFFE0];
	v9 =	vmul.f32 $4.525483320e+01, v9;
	[tilespmem:s23+$0xFFFFFFF0] =	vst v4  }
0x4de: {  	s22 =	simm.s32 $0xC570;
	v7 =	vmul.f32 $4.525483320e+01, v7;
	v4 =	vld [tilespmem:s25+$0xFFFFFFF0];
	[tilespmem:s23+$0xFFFFFF90] =	vst v6;
	s23 =	sadd.s32 $0x400, s23  }
0x4df: {  	v6 =	vld [tilespmem:s25+$0xFFFFFF90];
	v8 =	vmul.f32 $4.525483320e+01, v8;
	[tilespmem:s23+$0x0] =	vst v9;
	s25 =	sadd.s32 $0x400, s25  }
0x4e0: {  	[tilespmem:s23+$0xFFFFFFA0] =	vst v7;
	v5 =	vmul.f32 $4.525483320e+01, v5  }
0x4e1: {  	[tilespmem:s23+$0xFFFFFFB0] =	vst v8;
	v3 =	vmul.f32 $4.525483320e+01, v3  }
0x4e2: {  	[tilespmem:s23+$0xFFFFFFC0] =	vst v5;
	v2 =	vmul.f32 $4.525483320e+01, v2  }
0x4e3: {  	[tilespmem:s23+$0xFFFFFFD0] =	vst v3;
	v3 =	vmul.f32 $4.525483320e+01, v4  }
0x4e4: {  	v4 =	vmul.f32 $4.525483320e+01, v6;
	[tilespmem:s23+$0xFFFFFFE0] =	vst v2  }
0x4e5: {  	[tilespmem:s23+$0xFFFFFFF0] =	vst v3  }
0x4e6: {  	[tilespmem:s23+$0xFFFFFF90] =	vst v4  }
0x4e7: {  	v4 =	vld [tilespmem:s26+$0x0]  }
0x4e8: {  	v6 =	vld [tilespmem:s26+$0xFFFFFFA0]  }
0x4e9: {  	v8 =	vld [tilespmem:s26+$0xFFFFFFB0]  }
0x4ea: {  	v5 =	vld [tilespmem:s26+$0xFFFFFFC0]  }
0x4eb: {  	v3 =	vld [tilespmem:s26+$0xFFFFFFD0]  }
0x4ec: {  	v2 =	vld [tilespmem:s26+$0xFFFFFFE0];
	v9 =	vmul.f32 $4.525483320e+01, v4  }
0x4ed: {  	v4 =	vld [tilespmem:s26+$0xFFFFFFF0];
	v7 =	vmul.f32 $4.525483320e+01, v6  }
0x4ee: {  	s24 =	simm.s32 $0x0;
	s25 =	simm.s32 $0x4970;
	v6 =	vld [tilespmem:s26+$0xFFFFFF90];
	v8 =	vmul.f32 $4.525483320e+01, v8;
	[tilespmem:s22+$0x0] =	vst v9  }
.LBB2_96:
0x4ef: {  	v9 =	vld [tilespmem:s25+$0x0];
	s24 =	sadd.s32 $0x80, s24;
	[tilespmem:s22+$0xFFFFFFA0] =	vst v7;
	v5 =	vmul.f32 $4.525483320e+01, v5  }
0x4f0: {  	v7 =	vld [tilespmem:s25+$0xFFFFFFA0];
	p0 =	slt.u32 s24, $0x780;
	[tilespmem:s22+$0xFFFFFFB0] =	vst v8;
	v3 =	vmul.f32 $4.525483320e+01, v3  }
0x4f1: {  	v8 =	vld [tilespmem:s25+$0xFFFFFFB0];
	[tilespmem:s22+$0xFFFFFFC0] =	vst v5;
	v2 =	vmul.f32 $4.525483320e+01, v2  }
.Ltmp47:
0x4f2: {  	v5 =	vld [tilespmem:s25+$0xFFFFFFC0];
	[tilespmem:s22+$0xFFFFFFD0] =	vst v3;
	v4 =	vmul.f32 $4.525483320e+01, v4;
	(pc) =	sbr.rel @p0 .LBB2_96-.Ltmp47, $4  }
0x4f3: {  	v3 =	vld [tilespmem:s25+$0xFFFFFFD0];
	v6 =	vmul.f32 $4.525483320e+01, v6;
	[tilespmem:s22+$0xFFFFFFE0] =	vst v2  }
0x4f4: {  	v2 =	vld [tilespmem:s25+$0xFFFFFFE0];
	v9 =	vmul.f32 $4.525483320e+01, v9;
	[tilespmem:s22+$0xFFFFFFF0] =	vst v4  }
0x4f5: {  	s26 =	simm.s32 $0x45F0;
	v7 =	vmul.f32 $4.525483320e+01, v7;
	v4 =	vld [tilespmem:s25+$0xFFFFFFF0];
	[tilespmem:s22+$0xFFFFFF90] =	vst v6;
	s22 =	sadd.s32 $0x400, s22  }
0x4f6: {  	s23 =	simm.s32 $0xC5F0;
	v6 =	vld [tilespmem:s25+$0xFFFFFF90];
	v8 =	vmul.f32 $4.525483320e+01, v8;
	[tilespmem:s22+$0x0] =	vst v9;
	s25 =	sadd.s32 $0x400, s25  }
0x4f7: {  	[tilespmem:s22+$0xFFFFFFA0] =	vst v7;
	v5 =	vmul.f32 $4.525483320e+01, v5  }
0x4f8: {  	[tilespmem:s22+$0xFFFFFFB0] =	vst v8;
	v3 =	vmul.f32 $4.525483320e+01, v3  }
0x4f9: {  	[tilespmem:s22+$0xFFFFFFC0] =	vst v5;
	v2 =	vmul.f32 $4.525483320e+01, v2  }
0x4fa: {  	[tilespmem:s22+$0xFFFFFFD0] =	vst v3;
	v3 =	vmul.f32 $4.525483320e+01, v4  }
0x4fb: {  	v4 =	vmul.f32 $4.525483320e+01, v6;
	[tilespmem:s22+$0xFFFFFFE0] =	vst v2  }
0x4fc: {  	[tilespmem:s22+$0xFFFFFFF0] =	vst v3  }
0x4fd: {  	[tilespmem:s22+$0xFFFFFF90] =	vst v4  }
0x4fe: {  	v4 =	vld [tilespmem:s26+$0x0]  }
0x4ff: {  	v6 =	vld [tilespmem:s26+$0xFFFFFFA0]  }
0x500: {  	v8 =	vld [tilespmem:s26+$0xFFFFFFB0]  }
0x501: {  	v5 =	vld [tilespmem:s26+$0xFFFFFFC0]  }
0x502: {  	v3 =	vld [tilespmem:s26+$0xFFFFFFD0]  }
0x503: {  	v2 =	vld [tilespmem:s26+$0xFFFFFFE0];
	v9 =	vmul.f32 $4.525483320e+01, v4  }
0x504: {  	v4 =	vld [tilespmem:s26+$0xFFFFFFF0];
	v7 =	vmul.f32 $4.525483320e+01, v6  }
0x505: {  	s24 =	simm.s32 $0x49F0;
	s22 =	simm.s32 $0x0;
	v6 =	vld [tilespmem:s26+$0xFFFFFF90];
	v8 =	vmul.f32 $4.525483320e+01, v8;
	[tilespmem:s23+$0x0] =	vst v9  }
.LBB2_98:
0x506: {  	v9 =	vld [tilespmem:s24+$0x0];
	s22 =	sadd.s32 $0x80, s22;
	[tilespmem:s23+$0xFFFFFFA0] =	vst v7;
	v5 =	vmul.f32 $4.525483320e+01, v5  }
0x507: {  	v7 =	vld [tilespmem:s24+$0xFFFFFFA0];
	p0 =	slt.u32 s22, $0x780;
	[tilespmem:s23+$0xFFFFFFB0] =	vst v8;
	v3 =	vmul.f32 $4.525483320e+01, v3  }
0x508: {  	v8 =	vld [tilespmem:s24+$0xFFFFFFB0];
	[tilespmem:s23+$0xFFFFFFC0] =	vst v5;
	v2 =	vmul.f32 $4.525483320e+01, v2  }
.Ltmp48:
0x509: {  	v5 =	vld [tilespmem:s24+$0xFFFFFFC0];
	[tilespmem:s23+$0xFFFFFFD0] =	vst v3;
	v4 =	vmul.f32 $4.525483320e+01, v4;
	(pc) =	sbr.rel @p0 .LBB2_98-.Ltmp48, $4  }
0x50a: {  	v3 =	vld [tilespmem:s24+$0xFFFFFFD0];
	v6 =	vmul.f32 $4.525483320e+01, v6;
	[tilespmem:s23+$0xFFFFFFE0] =	vst v2  }
0x50b: {  	v2 =	vld [tilespmem:s24+$0xFFFFFFE0];
	v9 =	vmul.f32 $4.525483320e+01, v9;
	[tilespmem:s23+$0xFFFFFFF0] =	vst v4  }
0x50c: {  	v7 =	vmul.f32 $4.525483320e+01, v7;
	v4 =	vld [tilespmem:s24+$0xFFFFFFF0];
	[tilespmem:s23+$0xFFFFFF90] =	vst v6;
	s23 =	sadd.s32 $0x400, s23  }
0x50d: {  	v6 =	vld [tilespmem:s24+$0xFFFFFF90];
	v8 =	vmul.f32 $4.525483320e+01, v8;
	[tilespmem:s23+$0x0] =	vst v9;
	s24 =	sadd.s32 $0x400, s24  }
0x50e: {  	[tilespmem:s23+$0xFFFFFFA0] =	vst v7;
	v5 =	vmul.f32 $4.525483320e+01, v5  }
0x50f: {  	[tilespmem:s23+$0xFFFFFFB0] =	vst v8;
	v3 =	vmul.f32 $4.525483320e+01, v3  }
0x510: {  	[tilespmem:s23+$0xFFFFFFC0] =	vst v5;
	v2 =	vmul.f32 $4.525483320e+01, v2  }
0x511: {  	[tilespmem:s23+$0xFFFFFFD0] =	vst v3;
	v3 =	vmul.f32 $4.525483320e+01, v4  }
0x512: {  	v63 =	vmul.f32 $4.525483320e+01, v6;
	[tilespmem:s23+$0xFFFFFFE0] =	vst v2  }
0x513: {  	[tilespmem:s23+$0xFFFFFFF0] =	vst v3  }
0x514: {  	[tilespmem:s23+$0xFFFFFF90] =	vst v63  }
0x515: {  	s22 =	rddreg [dreg:$0x8]  }
0x516: {  	[hbm4b:s22+s4] =	stream.linear.scatter [tilespmem:s19], [sflag:$0x4], $0x4000, $0x38;
	[tilespmem:$0x10200] =	vst v63  }
0x517: {  	_ =	swait.ge [sflag:s20], $0x4000  }
0x518: {  	[sflag:s20] =	ssyncset.done $0x0  }
0x519: {  	[sflag:s20] =	ssyncadd.s32 $0xFFFFC000  }
0x51a: {  	_ =	swait.ge [sflag:s21], $0x4000  }
0x51b: {  	s29 =	rddreg [dreg:$0xa]  }
0x51c: {  	s30 =	rddreg [dreg:$0x9];
	s23 =	sadd.s32 $0x1, s29  }
0x51d: {  	p0 =	sne.s32 s23, s30  }
.Ltmp49:
0x51e: {  	_ = 	snop;
	(pc) =	sbr.rel @p0 .LBB2_1-.Ltmp49, $3  }
0x51f: {  	_ =	sdelay $0x1  }
0x520: {  	[sflag:s21] =	ssyncset.done $0x0  }
0x521: {  	[sflag:s21] =	ssyncadd.s32 $0xFFFFC000  }
0x522: {  	_ =	sfence.sel $0x180000  }
0x523: {  	[bflag:$0x0] =	sbarrier.arrive $0xFFFF  }
0x524: {  	_ =	strace $0x90000047  }
0x525: {  	s0 =	stileid.u32;
	[bflag:$0x2] =	sbarrier.arrive $0xFFFF  }
0x526: {  	p0 =	sne.s32 s0, $0x0;
	s0 =	rddreg [dreg:$0x3]  }
0x527: {  	s0 =	sadd.s32 @!p0 $0x100000, s0  }
0x528: {  	[sflag:s0] =	ssyncadd.tile.s32 @!p0 $0x1;
	_ =	shalt  }
.Lfunc_end2:
_tile_overlayer_lowered:
.L_overlay_start_2:
0x529: {  	(tag) =	ssettag $0x2  }
0x52a: {  	s0 =	rddreg [dreg:$0x0];
	s2 =	stileid.u32  }
0x52b: {  	s1 =	rddreg [dreg:$0x1];
	p0 =	sne.s32 s2, $0x0  }
0x52c: {  	s3 =	rddreg [dreg:$0x2];
	[bflag:$0x3] =	sbarrier.arrive $0xFFFF;
	s2 =	simm.s32 @!p0 $0x1C05  }
0x52d: {  	[timem:s3], [sflag:s2] =	dma.local @!p0 [hbm:s0], s1  }
0x52e: {  	s0 =	simm.s32 @!p0 $0x5  }
0x52f: {  	_ =	swait.ge @!p0 [sflag:s0], s1  }
0x530: {  	s1 =	ssub.s32 @!p0 $0x0, s1;
	[sflag:s0] =	ssyncset.done @!p0 $0x0  }
0x531: {  	[sflag:s0] =	ssyncadd.s32 @!p0 s1  }
0x532: {  	[bflag:$0x3] =	sbarrier.arrive $0xFFFF  }
0x533: {  	_ =	shalt  }

</sc_bundles>
